<compile_context>
chip_gen: v7x
topology: tpu7x:2x2x1
jax: 0.10.2.dev20260603
libtpu: 0.0.44.dev20260713+nightly
codegen_flags: <defaults>
</compile_context>

<pallas_src>
import functools

import jax
import jax.numpy as jnp
from jax import lax
from jax.experimental import pallas as pl
from jax.experimental.pallas import tpu as pltpu
from jax.experimental.pallas import tpu_sc as plsc

B = 16384
D = 1024
NC = 2
NS = 16
NW = NC * NS
BPW = B // NW
C = 16
NCHUNK = BPW // C
NBUF = 4
PRIME = 2
NGROUP = NCHUNK // NBUF
WPR = 4096 // BPW
LANES = 16
SCALE = 32.0

_mesh = plsc.VectorSubcoreMesh(core_axis_name="c", subcore_axis_name="s")


@functools.partial(
    pl.kernel,
    mesh=_mesh,
    out_type=jax.ShapeDtypeStruct((4, 4096, D), jnp.float32),
    scratch_types=[
        pltpu.VMEM((BPW,), jnp.int32),
    ]
    + [pltpu.VMEM((C, D), jnp.float32) for _ in range(NBUF)]
    + [pltpu.SemaphoreType.DMA for _ in range(2 * NBUF)],
)
def _embed(idx_hbm, table_hbm, out_hbm, idx_v, *rest):
    bufs = rest[:NBUF]
    gsems = rest[NBUF : 2 * NBUF]
    ssems = rest[2 * NBUF :]
    wid = lax.axis_index("s") * NC + lax.axis_index("c")
    row = wid // WPR
    off = (wid % WPR) * BPW
    pltpu.sync_copy(idx_hbm.at[row, pl.ds(off, BPW)], idx_v)

    def gather(c, b):
        return pltpu.async_copy(
            table_hbm.at[idx_v.at[pl.ds(c * C, C)]], bufs[b], gsems[b]
        )

    def scatter(c, b):
        return pltpu.async_copy(
            bufs[b], out_hbm.at[row, pl.ds(off + c * C, C)], ssems[b]
        )

    def wait_scatter(c, b):
        pltpu.make_async_copy(
            bufs[b], out_hbm.at[row, pl.ds(off + c * C, C)], ssems[b]
        ).wait()

    def wait_gather(c, b):
        pltpu.make_async_copy(
            table_hbm.at[idx_v.at[pl.ds(c * C, C)]], bufs[b], gsems[b]
        ).wait()

    def scale(buf):
        def scale_halfrow(m, carry):
            j = m >> 1
            colbase = (m & 1) * (D // 2)
            for k in range(D // (2 * LANES)):
                sl = pl.ds(colbase + k * LANES, LANES)
                buf[j, sl] = buf[j, sl] * SCALE
            return carry

        lax.fori_loop(0, 2 * C, scale_halfrow, 0)

    for c in range(PRIME):
        gather(c, c)

    def group(t, carry):
        for b in range(NBUF):
            c = t * NBUF + b
            b2 = (b + PRIME) % NBUF
            g = c + PRIME

            @pl.when(g < NCHUNK)
            def _():
                @pl.when(g >= NBUF)
                def _():
                    wait_scatter(g - NBUF, b2)

                gather(g, b2)

            wait_gather(c, b)
            scale(bufs[b])
            scatter(c, b)
        return carry

    lax.fori_loop(0, NGROUP, group, 0)

    for b in range(NBUF):
        wait_scatter((NGROUP - 1) * NBUF + b, b)


def kernel(token_ids, table):
    return _embed(token_ids, table)

# --- scband reference (transcript-rebuilt; emitter-appended) ---
"""Pipeline reference for scband-token-embedding-43035572306343 (READ-ONLY COPY).

The authoritative reference and input builder live on the scoring server;
editing this copy changes nothing except your own understanding.
"""

import math
import jax, jax.numpy as jnp
import numpy as np

VOCAB = 100000
D_MODEL = 1024
PADDING_IDX = 1
BATCH = 4
SEQ = 4096


def setup_inputs(seed: int = 0) -> dict:
    key = jax.random.key(seed)
    k_idx, k_tab = jax.random.split(key)
    token_ids = jax.random.randint(k_idx, (BATCH, SEQ), 0, VOCAB, dtype=jnp.int32)
    table = jax.random.normal(k_tab, (VOCAB, D_MODEL), dtype=jnp.float32) * 0.02
    # nn.Embedding zeros the padding_idx row at init
    table = table.at[PADDING_IDX].set(0.0)
    return {"token_ids": token_ids, "table": table}


def reference(token_ids, table):
    scale = math.sqrt(D_MODEL)
    emb = jnp.take(table, token_ids, axis=0)
    return emb * scale

if __name__ == "__main__":
    import jax
    _d = setup_inputs()
    print(jax.jit(kernel)(*tuple(_d.values())))

</pallas_src>

<mosaic_0001>
#map = affine_map<(d0, d1) -> (0, 0)>
#map1 = affine_map<(d0, d1) -> (0, 0, 0)>
module attributes {stable_mosaic.version = 14 : i64} {
  func.func @_embed(%arg0: i32, %arg1: i32, %arg2: memref<4x4096xi32, #tpu.memory_space<hbm>>, %arg3: memref<100000x1024xf32, #tpu.memory_space<hbm>>, %arg4: memref<4x4096x1024xf32, #tpu.memory_space<hbm>>, %arg5: memref<512xi32, #tpu.memory_space<vmem>>, %arg6: memref<16x1024xf32, #tpu.memory_space<vmem>>, %arg7: memref<16x1024xf32, #tpu.memory_space<vmem>>, %arg8: memref<16x1024xf32, #tpu.memory_space<vmem>>, %arg9: memref<16x1024xf32, #tpu.memory_space<vmem>>, %arg10: memref<!tpu.dma_semaphore, #tpu.memory_space<semaphore_mem>>, %arg11: memref<!tpu.dma_semaphore, #tpu.memory_space<semaphore_mem>>, %arg12: memref<!tpu.dma_semaphore, #tpu.memory_space<semaphore_mem>>, %arg13: memref<!tpu.dma_semaphore, #tpu.memory_space<semaphore_mem>>, %arg14: memref<!tpu.dma_semaphore, #tpu.memory_space<semaphore_mem>>, %arg15: memref<!tpu.dma_semaphore, #tpu.memory_space<semaphore_mem>>, %arg16: memref<!tpu.dma_semaphore, #tpu.memory_space<semaphore_mem>>, %arg17: memref<!tpu.dma_semaphore, #tpu.memory_space<semaphore_mem>>) attributes {dimension_semantics = [#tpu.dimension_semantics<core_parallel>, #tpu.dimension_semantics<subcore_parallel>], iteration_bounds = array<i64: 2, 16>, scalar_prefetch = 0 : i64, scratch_operands = 13 : i64, tpu.core_type = #tpu.core_type<sc_vector_subcore>, window_params = [{transform_indices = #map}, {transform_indices = #map}, {transform_indices = #map1}]} {
    %mul3A = arith.constant 2 : i32
    %mul3A_0 = arith.muli %arg1, %mul3A : i32
    %add3A = arith.addi %mul3A_0, %arg0 : i32
    %jit3A = arith.constant 8 : i32
    %div3A = arith.divsi %add3A, %jit3A : i32
    %sign3A = arith.constant 0 : i32
    %sign3A_1 = arith.cmpi sgt, %add3A, %sign3A : i32
    %sign3A_2 = arith.extui %sign3A_1 : i1 to i32
    %sign3A_3 = arith.constant 0 : i32
    %sign3A_4 = arith.cmpi slt, %add3A, %sign3A_3 : i32
    %sign3A_5 = arith.extui %sign3A_4 : i1 to i32
    %sign3A_6 = arith.subi %sign3A_2, %sign3A_5 : i32
    %sign3A_7 = arith.constant 0 : i32
    %sign3A_8 = arith.cmpi sgt, %jit3A, %sign3A_7 : i32
    %sign3A_9 = arith.extui %sign3A_8 : i1 to i32
    %sign3A_10 = arith.constant 0 : i32
    %sign3A_11 = arith.cmpi slt, %jit3A, %sign3A_10 : i32
    %sign3A_12 = arith.extui %sign3A_11 : i1 to i32
    %sign3A_13 = arith.subi %sign3A_9, %sign3A_12 : i32
    %ne3A = arith.cmpi ne, %sign3A_6, %sign3A_13 : i32
    %rem3A = arith.remsi %add3A, %jit3A : i32
    %ne3A_14 = arith.constant 0 : i32
    %ne3A_15 = arith.cmpi ne, %rem3A, %ne3A_14 : i32
    %and3A = arith.andi %ne3A, %ne3A_15 : i1
    %sub3A = arith.constant 1 : i32
    %sub3A_16 = arith.subi %div3A, %sub3A : i32
    %select_n3A = arith.select %and3A, %sub3A_16, %div3A : i32
    %jit3A_17 = arith.constant 8 : i32
    %eq3A = arith.constant 0 : i32
    %eq3A_18 = arith.cmpi eq, %jit3A_17, %eq3A : i32
    %jit3A_19 = arith.constant 1 : i32
    %select_n3A_20 = arith.select %eq3A_18, %jit3A_19, %jit3A_17 : i32
    %rem3A_21 = arith.remsi %add3A, %select_n3A_20 : i32
    %ne3A_22 = arith.constant 0 : i32
    %ne3A_23 = arith.cmpi ne, %rem3A_21, %ne3A_22 : i32
    %lt3A = arith.constant 0 : i32
    %lt3A_24 = arith.cmpi slt, %rem3A_21, %lt3A : i32
    %lt3A_25 = arith.constant 0 : i32
    %lt3A_26 = arith.cmpi slt, %select_n3A_20, %lt3A_25 : i32
    %ne3A_27 = arith.xori %lt3A_24, %lt3A_26 : i1
    %and3A_28 = arith.andi %ne3A_27, %ne3A_23 : i1
    %add3A_29 = arith.addi %rem3A_21, %select_n3A_20 : i32
    %select_n3A_30 = arith.select %and3A_28, %add3A_29, %rem3A_21 : i32
    %mul3A_31 = arith.constant 512 : i32
    %mul3A_32 = arith.muli %select_n3A_30, %mul3A_31 : i32
    "tpu.region"() ({
      %run_scoped3A = tpu.sem_alloc : memref<!tpu.dma_semaphore, #tpu.memory_space<semaphore_mem>>
      %dma_start3A_78 = tpu.memref_slice %arg2[%select_n3A, %mul3A_32] : memref<4x4096xi32, #tpu.memory_space<hbm>> -> memref<1x512xi32, #tpu.memory_space<hbm>>
      %dma_start3A_79 = tpu.memref_squeeze %dma_start3A_78 : memref<1x512xi32, #tpu.memory_space<hbm>> -> memref<512xi32, #tpu.memory_space<hbm>>
      %dma_start3A_80 = tpu.memref_slice %arg2[%select_n3A, %mul3A_32] : memref<4x4096xi32, #tpu.memory_space<hbm>> -> memref<1x512xi32, #tpu.memory_space<hbm>>
      %dma_start3A_81 = tpu.memref_squeeze %dma_start3A_80 : memref<1x512xi32, #tpu.memory_space<hbm>> -> memref<512xi32, #tpu.memory_space<hbm>>
      tpu.enqueue_dma source(%dma_start3A_81 : memref<512xi32, #tpu.memory_space<hbm>>) target(%arg5 : memref<512xi32, #tpu.memory_space<vmem>>) target_semaphore(%run_scoped3A : memref<!tpu.dma_semaphore, #tpu.memory_space<semaphore_mem>>)
      %dma_wait3A_82 = tpu.memref_slice %arg2[%select_n3A, %mul3A_32] : memref<4x4096xi32, #tpu.memory_space<hbm>> -> memref<1x512xi32, #tpu.memory_space<hbm>>
      %dma_wait3A_83 = tpu.memref_squeeze %dma_wait3A_82 : memref<1x512xi32, #tpu.memory_space<hbm>> -> memref<512xi32, #tpu.memory_space<hbm>>
      %dma_wait3A_84 = tpu.memref_slice %arg2[%select_n3A, %mul3A_32] : memref<4x4096xi32, #tpu.memory_space<hbm>> -> memref<1x512xi32, #tpu.memory_space<hbm>>
      %dma_wait3A_85 = tpu.memref_squeeze %dma_wait3A_84 : memref<1x512xi32, #tpu.memory_space<hbm>> -> memref<512xi32, #tpu.memory_space<hbm>>
      tpu.wait_dma2 semaphore(%run_scoped3A : memref<!tpu.dma_semaphore, #tpu.memory_space<semaphore_mem>>) src(%dma_wait3A_85 : memref<512xi32, #tpu.memory_space<hbm>>) dst(%arg5 : memref<512xi32, #tpu.memory_space<vmem>>)
      tpu.yield
    }) : () -> ()
    %dma_start3A = arith.constant 0 : i32
    %dma_start3A_33 = tpu.memref_slice %arg5[%dma_start3A] : memref<512xi32, #tpu.memory_space<vmem>> -> memref<16xi32, #tpu.memory_space<vmem>>
    %dma_start3A_34 = arith.constant 0 : i32
    %dma_start3A_35 = arith.constant 0 : i32
    %dma_start3A_36 = tpu.memref_slice %arg3[%dma_start3A_34, %dma_start3A_35] : memref<100000x1024xf32, #tpu.memory_space<hbm>> -> memref<100000x1024xf32, #tpu.memory_space<hbm>>
    tpu.enqueue_indirect_dma source(%dma_start3A_36 : memref<100000x1024xf32, #tpu.memory_space<hbm>>) target(%arg6 : memref<16x1024xf32, #tpu.memory_space<vmem>>) offsets(%dma_start3A_33 : memref<16xi32, #tpu.memory_space<vmem>>) semaphore(%arg10 : memref<!tpu.dma_semaphore, #tpu.memory_space<semaphore_mem>>)
    %dma_start3A_37 = arith.constant 16 : i32
    %dma_start3A_38 = tpu.memref_slice %arg5[%dma_start3A_37] : memref<512xi32, #tpu.memory_space<vmem>> -> memref<16xi32, #tpu.memory_space<vmem>>
    %dma_start3A_39 = arith.constant 0 : i32
    %dma_start3A_40 = arith.constant 0 : i32
    %dma_start3A_41 = tpu.memref_slice %arg3[%dma_start3A_39, %dma_start3A_40] : memref<100000x1024xf32, #tpu.memory_space<hbm>> -> memref<100000x1024xf32, #tpu.memory_space<hbm>>
    tpu.enqueue_indirect_dma source(%dma_start3A_41 : memref<100000x1024xf32, #tpu.memory_space<hbm>>) target(%arg7 : memref<16x1024xf32, #tpu.memory_space<vmem>>) offsets(%dma_start3A_38 : memref<16xi32, #tpu.memory_space<vmem>>) semaphore(%arg11 : memref<!tpu.dma_semaphore, #tpu.memory_space<semaphore_mem>>)
    %scan3A = arith.constant 0 : i32
    %scan3A_42 = arith.constant 0 : i32
    %scan3A_43 = arith.constant 8 : i32
    %scan3A_44 = arith.addi %scan3A_42, %scan3A_43 : i32
    %scan3A_45 = arith.constant 1 : i32
    scf.for %scan3A_78 = %scan3A_42 to %scan3A_44 step %scan3A_45  : i32 {
      %mul3A_79 = arith.constant 4 : i32
      %mul3A_80 = arith.muli %scan3A_78, %mul3A_79 : i32
      %add3A_81 = arith.constant 0 : i32
      %add3A_82 = arith.addi %mul3A_80, %add3A_81 : i32
      %add3A_83 = arith.constant 2 : i32
      %add3A_84 = arith.addi %add3A_82, %add3A_83 : i32
      %lt3A_85 = arith.constant 32 : i32
      %lt3A_86 = arith.cmpi slt, %add3A_84, %lt3A_85 : i32
      %convert_element_type3A = arith.extui %lt3A_86 : i1 to i32
      %cond3A = arith.constant 0 : i32
      %cond3A_87 = arith.cmpi ne, %convert_element_type3A, %cond3A : i32
      scf.if %cond3A_87 {
        %ge3A = arith.constant 4 : i32
        %ge3A_205 = arith.cmpi sge, %add3A_84, %ge3A : i32
        %convert_element_type3A_206 = arith.extui %ge3A_205 : i1 to i32
        %cond3A_207 = arith.constant 0 : i32
        %cond3A_208 = arith.cmpi ne, %convert_element_type3A_206, %cond3A_207 : i32
        scf.if %cond3A_208 {
          %sub3A_215 = arith.constant 4 : i32
          %sub3A_216 = arith.subi %add3A_84, %sub3A_215 : i32
          %mul3A_217 = arith.constant 16 : i32
          %mul3A_218 = arith.muli %sub3A_216, %mul3A_217 : i32
          %add3A_219 = arith.addi %mul3A_32, %mul3A_218 : i32
          %dma_wait3A_220 = arith.constant 0 : i32
          %dma_wait3A_221 = tpu.memref_slice %arg4[%select_n3A, %add3A_219, %dma_wait3A_220] : memref<4x4096x1024xf32, #tpu.memory_space<hbm>> -> memref<1x16x1024xf32, #tpu.memory_space<hbm>>
          %dma_wait3A_222 = tpu.memref_squeeze %dma_wait3A_221 : memref<1x16x1024xf32, #tpu.memory_space<hbm>> -> memref<16x1024xf32, #tpu.memory_space<hbm>>
          %dma_wait3A_223 = arith.constant 0 : i32
          %dma_wait3A_224 = tpu.memref_slice %arg4[%select_n3A, %add3A_219, %dma_wait3A_223] : memref<4x4096x1024xf32, #tpu.memory_space<hbm>> -> memref<1x16x1024xf32, #tpu.memory_space<hbm>>
          %dma_wait3A_225 = tpu.memref_squeeze %dma_wait3A_224 : memref<1x16x1024xf32, #tpu.memory_space<hbm>> -> memref<16x1024xf32, #tpu.memory_space<hbm>>
          tpu.wait_dma2 semaphore(%arg16 : memref<!tpu.dma_semaphore, #tpu.memory_space<semaphore_mem>>) src(%arg8 : memref<16x1024xf32, #tpu.memory_space<vmem>>) dst(%dma_wait3A_225 : memref<16x1024xf32, #tpu.memory_space<hbm>>)
        } else {
        }
        %mul3A_209 = arith.constant 16 : i32
        %mul3A_210 = arith.muli %add3A_84, %mul3A_209 : i32
        %dma_start3A_211 = tpu.memref_slice %arg5[%mul3A_210] : memref<512xi32, #tpu.memory_space<vmem>> -> memref<16xi32, #tpu.memory_space<vmem>>
        %dma_start3A_212 = arith.constant 0 : i32
        %dma_start3A_213 = arith.constant 0 : i32
        %dma_start3A_214 = tpu.memref_slice %arg3[%dma_start3A_212, %dma_start3A_213] : memref<100000x1024xf32, #tpu.memory_space<hbm>> -> memref<100000x1024xf32, #tpu.memory_space<hbm>>
        tpu.enqueue_indirect_dma source(%dma_start3A_214 : memref<100000x1024xf32, #tpu.memory_space<hbm>>) target(%arg8 : memref<16x1024xf32, #tpu.memory_space<vmem>>) offsets(%dma_start3A_211 : memref<16xi32, #tpu.memory_space<vmem>>) semaphore(%arg12 : memref<!tpu.dma_semaphore, #tpu.memory_space<semaphore_mem>>)
      } else {
      }
      %mul3A_88 = arith.constant 16 : i32
      %mul3A_89 = arith.muli %add3A_82, %mul3A_88 : i32
      %dma_wait3A_90 = tpu.memref_slice %arg5[%mul3A_89] : memref<512xi32, #tpu.memory_space<vmem>> -> memref<16xi32, #tpu.memory_space<vmem>>
      %dma_wait3A_91 = arith.constant 0 : i32
      %dma_wait3A_92 = arith.constant 0 : i32
      %dma_wait3A_93 = tpu.memref_slice %arg3[%dma_wait3A_91, %dma_wait3A_92] : memref<100000x1024xf32, #tpu.memory_space<hbm>> -> memref<100000x1024xf32, #tpu.memory_space<hbm>>
      tpu.wait_indirect_dma semaphore(%arg10 : memref<!tpu.dma_semaphore, #tpu.memory_space<semaphore_mem>>) src(%dma_wait3A_93 : memref<100000x1024xf32, #tpu.memory_space<hbm>>) dst(%arg6 : memref<16x1024xf32, #tpu.memory_space<vmem>>)
      %scan3A_94 = arith.constant 0 : i32
      %scan3A_95 = arith.constant 0 : i32
      %scan3A_96 = arith.constant 32 : i32
      %scan3A_97 = arith.addi %scan3A_95, %scan3A_96 : i32
      %scan3A_98 = arith.constant 1 : i32
      scf.for %scan3A_205 = %scan3A_95 to %scan3A_97 step %scan3A_98  : i32 {
        %shift_right_arithmetic3A = arith.constant 1 : i32
        %shift_right_arithmetic3A_206 = arith.shrsi %scan3A_205, %shift_right_arithmetic3A : i32
        %and3A_207 = arith.constant 1 : i32
        %and3A_208 = arith.andi %scan3A_205, %and3A_207 : i32
        %mul3A_209 = arith.constant 512 : i32
        %mul3A_210 = arith.muli %and3A_208, %mul3A_209 : i32
        %add3A_211 = arith.constant 0 : i32
        %add3A_212 = arith.addi %mul3A_210, %add3A_211 : i32
        %get3A = arith.index_cast %shift_right_arithmetic3A_206 : i32 to index
        %get3A_213 = arith.index_cast %add3A_212 : i32 to index
        %get3A_214 = tpu.vector_load %arg6[%get3A, %get3A_213] {strides = array<i32>} : memref<16x1024xf32, #tpu.memory_space<vmem>>, vector<1x16xf32>,
        %get3A_215 = vector.shape_cast %get3A_214 : vector<1x16xf32> to vector<16xf32>
        %mul3A_216 = arith.constant 3.200000e+01 : f32
        %mul3A_217 = vector.broadcast %mul3A_216 : f32 to vector<16xf32>
        %mul3A_218 = arith.mulf %get3A_215, %mul3A_217 : vector<16xf32>
        %swap3A = arith.index_cast %shift_right_arithmetic3A_206 : i32 to index
        %swap3A_219 = arith.index_cast %add3A_212 : i32 to index
        %swap3A_220 = tpu.vector_load %arg6[%swap3A, %swap3A_219] {strides = array<i32>} : memref<16x1024xf32, #tpu.memory_space<vmem>>, vector<1x16xf32>,
        %swap3A_221 = vector.shape_cast %swap3A_220 : vector<1x16xf32> to vector<16xf32>
        %swap3A_222 = vector.shape_cast %mul3A_218 : vector<16xf32> to vector<1x16xf32>
        tpu.vector_store %arg6[%swap3A, %swap3A_219], %swap3A_222 {strides = array<i32>} : memref<16x1024xf32, #tpu.memory_space<vmem>>, vector<1x16xf32>,
        %add3A_223 = arith.constant 16 : i32
        %add3A_224 = arith.addi %mul3A_210, %add3A_223 : i32
        %get3A_225 = arith.index_cast %shift_right_arithmetic3A_206 : i32 to index
        %get3A_226 = arith.index_cast %add3A_224 : i32 to index
        %get3A_227 = tpu.vector_load %arg6[%get3A_225, %get3A_226] {strides = array<i32>} : memref<16x1024xf32, #tpu.memory_space<vmem>>, vector<1x16xf32>,
        %get3A_228 = vector.shape_cast %get3A_227 : vector<1x16xf32> to vector<16xf32>
        %mul3A_229 = arith.constant 3.200000e+01 : f32
        %mul3A_230 = vector.broadcast %mul3A_229 : f32 to vector<16xf32>
        %mul3A_231 = arith.mulf %get3A_228, %mul3A_230 : vector<16xf32>
        %swap3A_232 = arith.index_cast %shift_right_arithmetic3A_206 : i32 to index
        %swap3A_233 = arith.index_cast %add3A_224 : i32 to index
        %swap3A_234 = tpu.vector_load %arg6[%swap3A_232, %swap3A_233] {strides = array<i32>} : memref<16x1024xf32, #tpu.memory_space<vmem>>, vector<1x16xf32>,
        %swap3A_235 = vector.shape_cast %swap3A_234 : vector<1x16xf32> to vector<16xf32>
        %swap3A_236 = vector.shape_cast %mul3A_231 : vector<16xf32> to vector<1x16xf32>
        tpu.vector_store %arg6[%swap3A_232, %swap3A_233], %swap3A_236 {strides = array<i32>} : memref<16x1024xf32, #tpu.memory_space<vmem>>, vector<1x16xf32>,
        %add3A_237 = arith.constant 32 : i32
        %add3A_238 = arith.addi %mul3A_210, %add3A_237 : i32
        %get3A_239 = arith.index_cast %shift_right_arithmetic3A_206 : i32 to index
        %get3A_240 = arith.index_cast %add3A_238 : i32 to index
        %get3A_241 = tpu.vector_load %arg6[%get3A_239, %get3A_240] {strides = array<i32>} : memref<16x1024xf32, #tpu.memory_space<vmem>>, vector<1x16xf32>,
        %get3A_242 = vector.shape_cast %get3A_241 : vector<1x16xf32> to vector<16xf32>
        %mul3A_243 = arith.constant 3.200000e+01 : f32
        %mul3A_244 = vector.broadcast %mul3A_243 : f32 to vector<16xf32>
        %mul3A_245 = arith.mulf %get3A_242, %mul3A_244 : vector<16xf32>
        %swap3A_246 = arith.index_cast %shift_right_arithmetic3A_206 : i32 to index
        %swap3A_247 = arith.index_cast %add3A_238 : i32 to index
        %swap3A_248 = tpu.vector_load %arg6[%swap3A_246, %swap3A_247] {strides = array<i32>} : memref<16x1024xf32, #tpu.memory_space<vmem>>, vector<1x16xf32>,
        %swap3A_249 = vector.shape_cast %swap3A_248 : vector<1x16xf32> to vector<16xf32>
        %swap3A_250 = vector.shape_cast %mul3A_245 : vector<16xf32> to vector<1x16xf32>
        tpu.vector_store %arg6[%swap3A_246, %swap3A_247], %swap3A_250 {strides = array<i32>} : memref<16x1024xf32, #tpu.memory_space<vmem>>, vector<1x16xf32>,
        %add3A_251 = arith.constant 48 : i32
        %add3A_252 = arith.addi %mul3A_210, %add3A_251 : i32
        %get3A_253 = arith.index_cast %shift_right_arithmetic3A_206 : i32 to index
        %get3A_254 = arith.index_cast %add3A_252 : i32 to index
        %get3A_255 = tpu.vector_load %arg6[%get3A_253, %get3A_254] {strides = array<i32>} : memref<16x1024xf32, #tpu.memory_space<vmem>>, vector<1x16xf32>,
        %get3A_256 = vector.shape_cast %get3A_255 : vector<1x16xf32> to vector<16xf32>
        %mul3A_257 = arith.constant 3.200000e+01 : f32
        %mul3A_258 = vector.broadcast %mul3A_257 : f32 to vector<16xf32>
        %mul3A_259 = arith.mulf %get3A_256, %mul3A_258 : vector<16xf32>
        %swap3A_260 = arith.index_cast %shift_right_arithmetic3A_206 : i32 to index
        %swap3A_261 = arith.index_cast %add3A_252 : i32 to index
        %swap3A_262 = tpu.vector_load %arg6[%swap3A_260, %swap3A_261] {strides = array<i32>} : memref<16x1024xf32, #tpu.memory_space<vmem>>, vector<1x16xf32>,
        %swap3A_263 = vector.shape_cast %swap3A_262 : vector<1x16xf32> to vector<16xf32>
        %swap3A_264 = vector.shape_cast %mul3A_259 : vector<16xf32> to vector<1x16xf32>
        tpu.vector_store %arg6[%swap3A_260, %swap3A_261], %swap3A_264 {strides = array<i32>} : memref<16x1024xf32, #tpu.memory_space<vmem>>, vector<1x16xf32>,
        %add3A_265 = arith.constant 64 : i32
        %add3A_266 = arith.addi %mul3A_210, %add3A_265 : i32
        %get3A_267 = arith.index_cast %shift_right_arithmetic3A_206 : i32 to index
        %get3A_268 = arith.index_cast %add3A_266 : i32 to index
        %get3A_269 = tpu.vector_load %arg6[%get3A_267, %get3A_268] {strides = array<i32>} : memref<16x1024xf32, #tpu.memory_space<vmem>>, vector<1x16xf32>,
        %get3A_270 = vector.shape_cast %get3A_269 : vector<1x16xf32> to vector<16xf32>
        %mul3A_271 = arith.constant 3.200000e+01 : f32
        %mul3A_272 = vector.broadcast %mul3A_271 : f32 to vector<16xf32>
        %mul3A_273 = arith.mulf %get3A_270, %mul3A_272 : vector<16xf32>
        %swap3A_274 = arith.index_cast %shift_right_arithmetic3A_206 : i32 to index
        %swap3A_275 = arith.index_cast %add3A_266 : i32 to index
        %swap3A_276 = tpu.vector_load %arg6[%swap3A_274, %swap3A_275] {strides = array<i32>} : memref<16x1024xf32, #tpu.memory_space<vmem>>, vector<1x16xf32>,
        %swap3A_277 = vector.shape_cast %swap3A_276 : vector<1x16xf32> to vector<16xf32>
        %swap3A_278 = vector.shape_cast %mul3A_273 : vector<16xf32> to vector<1x16xf32>
        tpu.vector_store %arg6[%swap3A_274, %swap3A_275], %swap3A_278 {strides = array<i32>} : memref<16x1024xf32, #tpu.memory_space<vmem>>, vector<1x16xf32>,
        %add3A_279 = arith.constant 80 : i32
        %add3A_280 = arith.addi %mul3A_210, %add3A_279 : i32
        %get3A_281 = arith.index_cast %shift_right_arithmetic3A_206 : i32 to index
        %get3A_282 = arith.index_cast %add3A_280 : i32 to index
        %get3A_283 = tpu.vector_load %arg6[%get3A_281, %get3A_282] {strides = array<i32>} : memref<16x1024xf32, #tpu.memory_space<vmem>>, vector<1x16xf32>,
        %get3A_284 = vector.shape_cast %get3A_283 : vector<1x16xf32> to vector<16xf32>
        %mul3A_285 = arith.constant 3.200000e+01 : f32
        %mul3A_286 = vector.broadcast %mul3A_285 : f32 to vector<16xf32>
        %mul3A_287 = arith.mulf %get3A_284, %mul3A_286 : vector<16xf32>
        %swap3A_288 = arith.index_cast %shift_right_arithmetic3A_206 : i32 to index
        %swap3A_289 = arith.index_cast %add3A_280 : i32 to index
        %swap3A_290 = tpu.vector_load %arg6[%swap3A_288, %swap3A_289] {strides = array<i32>} : memref<16x1024xf32, #tpu.memory_space<vmem>>, vector<1x16xf32>,
        %swap3A_291 = vector.shape_cast %swap3A_290 : vector<1x16xf32> to vector<16xf32>
        %swap3A_292 = vector.shape_cast %mul3A_287 : vector<16xf32> to vector<1x16xf32>
        tpu.vector_store %arg6[%swap3A_288, %swap3A_289], %swap3A_292 {strides = array<i32>} : memref<16x1024xf32, #tpu.memory_space<vmem>>, vector<1x16xf32>,
        %add3A_293 = arith.constant 96 : i32
        %add3A_294 = arith.addi %mul3A_210, %add3A_293 : i32
        %get3A_295 = arith.index_cast %shift_right_arithmetic3A_206 : i32 to index
        %get3A_296 = arith.index_cast %add3A_294 : i32 to index
        %get3A_297 = tpu.vector_load %arg6[%get3A_295, %get3A_296] {strides = array<i32>} : memref<16x1024xf32, #tpu.memory_space<vmem>>, vector<1x16xf32>,
        %get3A_298 = vector.shape_cast %get3A_297 : vector<1x16xf32> to vector<16xf32>
        %mul3A_299 = arith.constant 3.200000e+01 : f32
        %mul3A_300 = vector.broadcast %mul3A_299 : f32 to vector<16xf32>
        %mul3A_301 = arith.mulf %get3A_298, %mul3A_300 : vector<16xf32>
        %swap3A_302 = arith.index_cast %shift_right_arithmetic3A_206 : i32 to index
        %swap3A_303 = arith.index_cast %add3A_294 : i32 to index
        %swap3A_304 = tpu.vector_load %arg6[%swap3A_302, %swap3A_303] {strides = array<i32>} : memref<16x1024xf32, #tpu.memory_space<vmem>>, vector<1x16xf32>,
        %swap3A_305 = vector.shape_cast %swap3A_304 : vector<1x16xf32> to vector<16xf32>
        %swap3A_306 = vector.shape_cast %mul3A_301 : vector<16xf32> to vector<1x16xf32>
        tpu.vector_store %arg6[%swap3A_302, %swap3A_303], %swap3A_306 {strides = array<i32>} : memref<16x1024xf32, #tpu.memory_space<vmem>>, vector<1x16xf32>,
        %add3A_307 = arith.constant 112 : i32
        %add3A_308 = arith.addi %mul3A_210, %add3A_307 : i32
        %get3A_309 = arith.index_cast %shift_right_arithmetic3A_206 : i32 to index
        %get3A_310 = arith.index_cast %add3A_308 : i32 to index
        %get3A_311 = tpu.vector_load %arg6[%get3A_309, %get3A_310] {strides = array<i32>} : memref<16x1024xf32, #tpu.memory_space<vmem>>, vector<1x16xf32>,
        %get3A_312 = vector.shape_cast %get3A_311 : vector<1x16xf32> to vector<16xf32>
        %mul3A_313 = arith.constant 3.200000e+01 : f32
        %mul3A_314 = vector.broadcast %mul3A_313 : f32 to vector<16xf32>
        %mul3A_315 = arith.mulf %get3A_312, %mul3A_314 : vector<16xf32>
        %swap3A_316 = arith.index_cast %shift_right_arithmetic3A_206 : i32 to index
        %swap3A_317 = arith.index_cast %add3A_308 : i32 to index
        %swap3A_318 = tpu.vector_load %arg6[%swap3A_316, %swap3A_317] {strides = array<i32>} : memref<16x1024xf32, #tpu.memory_space<vmem>>, vector<1x16xf32>,
        %swap3A_319 = vector.shape_cast %swap3A_318 : vector<1x16xf32> to vector<16xf32>
        %swap3A_320 = vector.shape_cast %mul3A_315 : vector<16xf32> to vector<1x16xf32>
        tpu.vector_store %arg6[%swap3A_316, %swap3A_317], %swap3A_320 {strides = array<i32>} : memref<16x1024xf32, #tpu.memory_space<vmem>>, vector<1x16xf32>,
        %add3A_321 = arith.constant 128 : i32
        %add3A_322 = arith.addi %mul3A_210, %add3A_321 : i32
        %get3A_323 = arith.index_cast %shift_right_arithmetic3A_206 : i32 to index
        %get3A_324 = arith.index_cast %add3A_322 : i32 to index
        %get3A_325 = tpu.vector_load %arg6[%get3A_323, %get3A_324] {strides = array<i32>} : memref<16x1024xf32, #tpu.memory_space<vmem>>, vector<1x16xf32>,
        %get3A_326 = vector.shape_cast %get3A_325 : vector<1x16xf32> to vector<16xf32>
        %mul3A_327 = arith.constant 3.200000e+01 : f32
        %mul3A_328 = vector.broadcast %mul3A_327 : f32 to vector<16xf32>
        %mul3A_329 = arith.mulf %get3A_326, %mul3A_328 : vector<16xf32>
        %swap3A_330 = arith.index_cast %shift_right_arithmetic3A_206 : i32 to index
        %swap3A_331 = arith.index_cast %add3A_322 : i32 to index
        %swap3A_332 = tpu.vector_load %arg6[%swap3A_330, %swap3A_331] {strides = array<i32>} : memref<16x1024xf32, #tpu.memory_space<vmem>>, vector<1x16xf32>,
        %swap3A_333 = vector.shape_cast %swap3A_332 : vector<1x16xf32> to vector<16xf32>
        %swap3A_334 = vector.shape_cast %mul3A_329 : vector<16xf32> to vector<1x16xf32>
        tpu.vector_store %arg6[%swap3A_330, %swap3A_331], %swap3A_334 {strides = array<i32>} : memref<16x1024xf32, #tpu.memory_space<vmem>>, vector<1x16xf32>,
        %add3A_335 = arith.constant 144 : i32
        %add3A_336 = arith.addi %mul3A_210, %add3A_335 : i32
        %get3A_337 = arith.index_cast %shift_right_arithmetic3A_206 : i32 to index
        %get3A_338 = arith.index_cast %add3A_336 : i32 to index
        %get3A_339 = tpu.vector_load %arg6[%get3A_337, %get3A_338] {strides = array<i32>} : memref<16x1024xf32, #tpu.memory_space<vmem>>, vector<1x16xf32>,
        %get3A_340 = vector.shape_cast %get3A_339 : vector<1x16xf32> to vector<16xf32>
        %mul3A_341 = arith.constant 3.200000e+01 : f32
        %mul3A_342 = vector.broadcast %mul3A_341 : f32 to vector<16xf32>
        %mul3A_343 = arith.mulf %get3A_340, %mul3A_342 : vector<16xf32>
        %swap3A_344 = arith.index_cast %shift_right_arithmetic3A_206 : i32 to index
        %swap3A_345 = arith.index_cast %add3A_336 : i32 to index
        %swap3A_346 = tpu.vector_load %arg6[%swap3A_344, %swap3A_345] {strides = array<i32>} : memref<16x1024xf32, #tpu.memory_space<vmem>>, vector<1x16xf32>,
        %swap3A_347 = vector.shape_cast %swap3A_346 : vector<1x16xf32> to vector<16xf32>
        %swap3A_348 = vector.shape_cast %mul3A_343 : vector<16xf32> to vector<1x16xf32>
        tpu.vector_store %arg6[%swap3A_344, %swap3A_345], %swap3A_348 {strides = array<i32>} : memref<16x1024xf32, #tpu.memory_space<vmem>>, vector<1x16xf32>,
        %add3A_349 = arith.constant 160 : i32
        %add3A_350 = arith.addi %mul3A_210, %add3A_349 : i32
        %get3A_351 = arith.index_cast %shift_right_arithmetic3A_206 : i32 to index
        %get3A_352 = arith.index_cast %add3A_350 : i32 to index
        %get3A_353 = tpu.vector_load %arg6[%get3A_351, %get3A_352] {strides = array<i32>} : memref<16x1024xf32, #tpu.memory_space<vmem>>, vector<1x16xf32>,
        %get3A_354 = vector.shape_cast %get3A_353 : vector<1x16xf32> to vector<16xf32>
        %mul3A_355 = arith.constant 3.200000e+01 : f32
        %mul3A_356 = vector.broadcast %mul3A_355 : f32 to vector<16xf32>
        %mul3A_357 = arith.mulf %get3A_354, %mul3A_356 : vector<16xf32>
        %swap3A_358 = arith.index_cast %shift_right_arithmetic3A_206 : i32 to index
        %swap3A_359 = arith.index_cast %add3A_350 : i32 to index
        %swap3A_360 = tpu.vector_load %arg6[%swap3A_358, %swap3A_359] {strides = array<i32>} : memref<16x1024xf32, #tpu.memory_space<vmem>>, vector<1x16xf32>,
        %swap3A_361 = vector.shape_cast %swap3A_360 : vector<1x16xf32> to vector<16xf32>
        %swap3A_362 = vector.shape_cast %mul3A_357 : vector<16xf32> to vector<1x16xf32>
        tpu.vector_store %arg6[%swap3A_358, %swap3A_359], %swap3A_362 {strides = array<i32>} : memref<16x1024xf32, #tpu.memory_space<vmem>>, vector<1x16xf32>,
        %add3A_363 = arith.constant 176 : i32
        %add3A_364 = arith.addi %mul3A_210, %add3A_363 : i32
        %get3A_365 = arith.index_cast %shift_right_arithmetic3A_206 : i32 to index
        %get3A_366 = arith.index_cast %add3A_364 : i32 to index
        %get3A_367 = tpu.vector_load %arg6[%get3A_365, %get3A_366] {strides = array<i32>} : memref<16x1024xf32, #tpu.memory_space<vmem>>, vector<1x16xf32>,
        %get3A_368 = vector.shape_cast %get3A_367 : vector<1x16xf32> to vector<16xf32>
        %mul3A_369 = arith.constant 3.200000e+01 : f32
        %mul3A_370 = vector.broadcast %mul3A_369 : f32 to vector<16xf32>
        %mul3A_371 = arith.mulf %get3A_368, %mul3A_370 : vector<16xf32>
        %swap3A_372 = arith.index_cast %shift_right_arithmetic3A_206 : i32 to index
        %swap3A_373 = arith.index_cast %add3A_364 : i32 to index
        %swap3A_374 = tpu.vector_load %arg6[%swap3A_372, %swap3A_373] {strides = array<i32>} : memref<16x1024xf32, #tpu.memory_space<vmem>>, vector<1x16xf32>,
        %swap3A_375 = vector.shape_cast %swap3A_374 : vector<1x16xf32> to vector<16xf32>
        %swap3A_376 = vector.shape_cast %mul3A_371 : vector<16xf32> to vector<1x16xf32>
        tpu.vector_store %arg6[%swap3A_372, %swap3A_373], %swap3A_376 {strides = array<i32>} : memref<16x1024xf32, #tpu.memory_space<vmem>>, vector<1x16xf32>,
        %add3A_377 = arith.constant 192 : i32
        %add3A_378 = arith.addi %mul3A_210, %add3A_377 : i32
        %get3A_379 = arith.index_cast %shift_right_arithmetic3A_206 : i32 to index
        %get3A_380 = arith.index_cast %add3A_378 : i32 to index
        %get3A_381 = tpu.vector_load %arg6[%get3A_379, %get3A_380] {strides = array<i32>} : memref<16x1024xf32, #tpu.memory_space<vmem>>, vector<1x16xf32>,
        %get3A_382 = vector.shape_cast %get3A_381 : vector<1x16xf32> to vector<16xf32>
        %mul3A_383 = arith.constant 3.200000e+01 : f32
        %mul3A_384 = vector.broadcast %mul3A_383 : f32 to vector<16xf32>
        %mul3A_385 = arith.mulf %get3A_382, %mul3A_384 : vector<16xf32>
        %swap3A_386 = arith.index_cast %shift_right_arithmetic3A_206 : i32 to index
        %swap3A_387 = arith.index_cast %add3A_378 : i32 to index
        %swap3A_388 = tpu.vector_load %arg6[%swap3A_386, %swap3A_387] {strides = array<i32>} : memref<16x1024xf32, #tpu.memory_space<vmem>>, vector<1x16xf32>,
        %swap3A_389 = vector.shape_cast %swap3A_388 : vector<1x16xf32> to vector<16xf32>
        %swap3A_390 = vector.shape_cast %mul3A_385 : vector<16xf32> to vector<1x16xf32>
        tpu.vector_store %arg6[%swap3A_386, %swap3A_387], %swap3A_390 {strides = array<i32>} : memref<16x1024xf32, #tpu.memory_space<vmem>>, vector<1x16xf32>,
        %add3A_391 = arith.constant 208 : i32
        %add3A_392 = arith.addi %mul3A_210, %add3A_391 : i32
        %get3A_393 = arith.index_cast %shift_right_arithmetic3A_206 : i32 to index
        %get3A_394 = arith.index_cast %add3A_392 : i32 to index
        %get3A_395 = tpu.vector_load %arg6[%get3A_393, %get3A_394] {strides = array<i32>} : memref<16x1024xf32, #tpu.memory_space<vmem>>, vector<1x16xf32>,
        %get3A_396 = vector.shape_cast %get3A_395 : vector<1x16xf32> to vector<16xf32>
        %mul3A_397 = arith.constant 3.200000e+01 : f32
        %mul3A_398 = vector.broadcast %mul3A_397 : f32 to vector<16xf32>
        %mul3A_399 = arith.mulf %get3A_396, %mul3A_398 : vector<16xf32>
        %swap3A_400 = arith.index_cast %shift_right_arithmetic3A_206 : i32 to index
        %swap3A_401 = arith.index_cast %add3A_392 : i32 to index
        %swap3A_402 = tpu.vector_load %arg6[%swap3A_400, %swap3A_401] {strides = array<i32>} : memref<16x1024xf32, #tpu.memory_space<vmem>>, vector<1x16xf32>,
        %swap3A_403 = vector.shape_cast %swap3A_402 : vector<1x16xf32> to vector<16xf32>
        %swap3A_404 = vector.shape_cast %mul3A_399 : vector<16xf32> to vector<1x16xf32>
        tpu.vector_store %arg6[%swap3A_400, %swap3A_401], %swap3A_404 {strides = array<i32>} : memref<16x1024xf32, #tpu.memory_space<vmem>>, vector<1x16xf32>,
        %add3A_405 = arith.constant 224 : i32
        %add3A_406 = arith.addi %mul3A_210, %add3A_405 : i32
        %get3A_407 = arith.index_cast %shift_right_arithmetic3A_206 : i32 to index
        %get3A_408 = arith.index_cast %add3A_406 : i32 to index
        %get3A_409 = tpu.vector_load %arg6[%get3A_407, %get3A_408] {strides = array<i32>} : memref<16x1024xf32, #tpu.memory_space<vmem>>, vector<1x16xf32>,
        %get3A_410 = vector.shape_cast %get3A_409 : vector<1x16xf32> to vector<16xf32>
        %mul3A_411 = arith.constant 3.200000e+01 : f32
        %mul3A_412 = vector.broadcast %mul3A_411 : f32 to vector<16xf32>
        %mul3A_413 = arith.mulf %get3A_410, %mul3A_412 : vector<16xf32>
        %swap3A_414 = arith.index_cast %shift_right_arithmetic3A_206 : i32 to index
        %swap3A_415 = arith.index_cast %add3A_406 : i32 to index
        %swap3A_416 = tpu.vector_load %arg6[%swap3A_414, %swap3A_415] {strides = array<i32>} : memref<16x1024xf32, #tpu.memory_space<vmem>>, vector<1x16xf32>,
        %swap3A_417 = vector.shape_cast %swap3A_416 : vector<1x16xf32> to vector<16xf32>
        %swap3A_418 = vector.shape_cast %mul3A_413 : vector<16xf32> to vector<1x16xf32>
        tpu.vector_store %arg6[%swap3A_414, %swap3A_415], %swap3A_418 {strides = array<i32>} : memref<16x1024xf32, #tpu.memory_space<vmem>>, vector<1x16xf32>,
        %add3A_419 = arith.constant 240 : i32
        %add3A_420 = arith.addi %mul3A_210, %add3A_419 : i32
        %get3A_421 = arith.index_cast %shift_right_arithmetic3A_206 : i32 to index
        %get3A_422 = arith.index_cast %add3A_420 : i32 to index
        %get3A_423 = tpu.vector_load %arg6[%get3A_421, %get3A_422] {strides = array<i32>} : memref<16x1024xf32, #tpu.memory_space<vmem>>, vector<1x16xf32>,
        %get3A_424 = vector.shape_cast %get3A_423 : vector<1x16xf32> to vector<16xf32>
        %mul3A_425 = arith.constant 3.200000e+01 : f32
        %mul3A_426 = vector.broadcast %mul3A_425 : f32 to vector<16xf32>
        %mul3A_427 = arith.mulf %get3A_424, %mul3A_426 : vector<16xf32>
        %swap3A_428 = arith.index_cast %shift_right_arithmetic3A_206 : i32 to index
        %swap3A_429 = arith.index_cast %add3A_420 : i32 to index
        %swap3A_430 = tpu.vector_load %arg6[%swap3A_428, %swap3A_429] {strides = array<i32>} : memref<16x1024xf32, #tpu.memory_space<vmem>>, vector<1x16xf32>,
        %swap3A_431 = vector.shape_cast %swap3A_430 : vector<1x16xf32> to vector<16xf32>
        %swap3A_432 = vector.shape_cast %mul3A_427 : vector<16xf32> to vector<1x16xf32>
        tpu.vector_store %arg6[%swap3A_428, %swap3A_429], %swap3A_432 {strides = array<i32>} : memref<16x1024xf32, #tpu.memory_space<vmem>>, vector<1x16xf32>,
        %add3A_433 = arith.constant 256 : i32
        %add3A_434 = arith.addi %mul3A_210, %add3A_433 : i32
        %get3A_435 = arith.index_cast %shift_right_arithmetic3A_206 : i32 to index
        %get3A_436 = arith.index_cast %add3A_434 : i32 to index
        %get3A_437 = tpu.vector_load %arg6[%get3A_435, %get3A_436] {strides = array<i32>} : memref<16x1024xf32, #tpu.memory_space<vmem>>, vector<1x16xf32>,
        %get3A_438 = vector.shape_cast %get3A_437 : vector<1x16xf32> to vector<16xf32>
        %mul3A_439 = arith.constant 3.200000e+01 : f32
        %mul3A_440 = vector.broadcast %mul3A_439 : f32 to vector<16xf32>
        %mul3A_441 = arith.mulf %get3A_438, %mul3A_440 : vector<16xf32>
        %swap3A_442 = arith.index_cast %shift_right_arithmetic3A_206 : i32 to index
        %swap3A_443 = arith.index_cast %add3A_434 : i32 to index
        %swap3A_444 = tpu.vector_load %arg6[%swap3A_442, %swap3A_443] {strides = array<i32>} : memref<16x1024xf32, #tpu.memory_space<vmem>>, vector<1x16xf32>,
        %swap3A_445 = vector.shape_cast %swap3A_444 : vector<1x16xf32> to vector<16xf32>
        %swap3A_446 = vector.shape_cast %mul3A_441 : vector<16xf32> to vector<1x16xf32>
        tpu.vector_store %arg6[%swap3A_442, %swap3A_443], %swap3A_446 {strides = array<i32>} : memref<16x1024xf32, #tpu.memory_space<vmem>>, vector<1x16xf32>,
        %add3A_447 = arith.constant 272 : i32
        %add3A_448 = arith.addi %mul3A_210, %add3A_447 : i32
        %get3A_449 = arith.index_cast %shift_right_arithmetic3A_206 : i32 to index
        %get3A_450 = arith.index_cast %add3A_448 : i32 to index
        %get3A_451 = tpu.vector_load %arg6[%get3A_449, %get3A_450] {strides = array<i32>} : memref<16x1024xf32, #tpu.memory_space<vmem>>, vector<1x16xf32>,
        %get3A_452 = vector.shape_cast %get3A_451 : vector<1x16xf32> to vector<16xf32>
        %mul3A_453 = arith.constant 3.200000e+01 : f32
        %mul3A_454 = vector.broadcast %mul3A_453 : f32 to vector<16xf32>
        %mul3A_455 = arith.mulf %get3A_452, %mul3A_454 : vector<16xf32>
        %swap3A_456 = arith.index_cast %shift_right_arithmetic3A_206 : i32 to index
        %swap3A_457 = arith.index_cast %add3A_448 : i32 to index
        %swap3A_458 = tpu.vector_load %arg6[%swap3A_456, %swap3A_457] {strides = array<i32>} : memref<16x1024xf32, #tpu.memory_space<vmem>>, vector<1x16xf32>,
        %swap3A_459 = vector.shape_cast %swap3A_458 : vector<1x16xf32> to vector<16xf32>
        %swap3A_460 = vector.shape_cast %mul3A_455 : vector<16xf32> to vector<1x16xf32>
        tpu.vector_store %arg6[%swap3A_456, %swap3A_457], %swap3A_460 {strides = array<i32>} : memref<16x1024xf32, #tpu.memory_space<vmem>>, vector<1x16xf32>,
        %add3A_461 = arith.constant 288 : i32
        %add3A_462 = arith.addi %mul3A_210, %add3A_461 : i32
        %get3A_463 = arith.index_cast %shift_right_arithmetic3A_206 : i32 to index
        %get3A_464 = arith.index_cast %add3A_462 : i32 to index
        %get3A_465 = tpu.vector_load %arg6[%get3A_463, %get3A_464] {strides = array<i32>} : memref<16x1024xf32, #tpu.memory_space<vmem>>, vector<1x16xf32>,
        %get3A_466 = vector.shape_cast %get3A_465 : vector<1x16xf32> to vector<16xf32>
        %mul3A_467 = arith.constant 3.200000e+01 : f32
        %mul3A_468 = vector.broadcast %mul3A_467 : f32 to vector<16xf32>
        %mul3A_469 = arith.mulf %get3A_466, %mul3A_468 : vector<16xf32>
        %swap3A_470 = arith.index_cast %shift_right_arithmetic3A_206 : i32 to index
        %swap3A_471 = arith.index_cast %add3A_462 : i32 to index
        %swap3A_472 = tpu.vector_load %arg6[%swap3A_470, %swap3A_471] {strides = array<i32>} : memref<16x1024xf32, #tpu.memory_space<vmem>>, vector<1x16xf32>,
        %swap3A_473 = vector.shape_cast %swap3A_472 : vector<1x16xf32> to vector<16xf32>
        %swap3A_474 = vector.shape_cast %mul3A_469 : vector<16xf32> to vector<1x16xf32>
        tpu.vector_store %arg6[%swap3A_470, %swap3A_471], %swap3A_474 {strides = array<i32>} : memref<16x1024xf32, #tpu.memory_space<vmem>>, vector<1x16xf32>,
        %add3A_475 = arith.constant 304 : i32
        %add3A_476 = arith.addi %mul3A_210, %add3A_475 : i32
        %get3A_477 = arith.index_cast %shift_right_arithmetic3A_206 : i32 to index
        %get3A_478 = arith.index_cast %add3A_476 : i32 to index
        %get3A_479 = tpu.vector_load %arg6[%get3A_477, %get3A_478] {strides = array<i32>} : memref<16x1024xf32, #tpu.memory_space<vmem>>, vector<1x16xf32>,
        %get3A_480 = vector.shape_cast %get3A_479 : vector<1x16xf32> to vector<16xf32>
        %mul3A_481 = arith.constant 3.200000e+01 : f32
        %mul3A_482 = vector.broadcast %mul3A_481 : f32 to vector<16xf32>
        %mul3A_483 = arith.mulf %get3A_480, %mul3A_482 : vector<16xf32>
        %swap3A_484 = arith.index_cast %shift_right_arithmetic3A_206 : i32 to index
        %swap3A_485 = arith.index_cast %add3A_476 : i32 to index
        %swap3A_486 = tpu.vector_load %arg6[%swap3A_484, %swap3A_485] {strides = array<i32>} : memref<16x1024xf32, #tpu.memory_space<vmem>>, vector<1x16xf32>,
        %swap3A_487 = vector.shape_cast %swap3A_486 : vector<1x16xf32> to vector<16xf32>
        %swap3A_488 = vector.shape_cast %mul3A_483 : vector<16xf32> to vector<1x16xf32>
        tpu.vector_store %arg6[%swap3A_484, %swap3A_485], %swap3A_488 {strides = array<i32>} : memref<16x1024xf32, #tpu.memory_space<vmem>>, vector<1x16xf32>,
        %add3A_489 = arith.constant 320 : i32
        %add3A_490 = arith.addi %mul3A_210, %add3A_489 : i32
        %get3A_491 = arith.index_cast %shift_right_arithmetic3A_206 : i32 to index
        %get3A_492 = arith.index_cast %add3A_490 : i32 to index
        %get3A_493 = tpu.vector_load %arg6[%get3A_491, %get3A_492] {strides = array<i32>} : memref<16x1024xf32, #tpu.memory_space<vmem>>, vector<1x16xf32>,
        %get3A_494 = vector.shape_cast %get3A_493 : vector<1x16xf32> to vector<16xf32>
        %mul3A_495 = arith.constant 3.200000e+01 : f32
        %mul3A_496 = vector.broadcast %mul3A_495 : f32 to vector<16xf32>
        %mul3A_497 = arith.mulf %get3A_494, %mul3A_496 : vector<16xf32>
        %swap3A_498 = arith.index_cast %shift_right_arithmetic3A_206 : i32 to index
        %swap3A_499 = arith.index_cast %add3A_490 : i32 to index
        %swap3A_500 = tpu.vector_load %arg6[%swap3A_498, %swap3A_499] {strides = array<i32>} : memref<16x1024xf32, #tpu.memory_space<vmem>>, vector<1x16xf32>,
        %swap3A_501 = vector.shape_cast %swap3A_500 : vector<1x16xf32> to vector<16xf32>
        %swap3A_502 = vector.shape_cast %mul3A_497 : vector<16xf32> to vector<1x16xf32>
        tpu.vector_store %arg6[%swap3A_498, %swap3A_499], %swap3A_502 {strides = array<i32>} : memref<16x1024xf32, #tpu.memory_space<vmem>>, vector<1x16xf32>,
        %add3A_503 = arith.constant 336 : i32
        %add3A_504 = arith.addi %mul3A_210, %add3A_503 : i32
        %get3A_505 = arith.index_cast %shift_right_arithmetic3A_206 : i32 to index
        %get3A_506 = arith.index_cast %add3A_504 : i32 to index
        %get3A_507 = tpu.vector_load %arg6[%get3A_505, %get3A_506] {strides = array<i32>} : memref<16x1024xf32, #tpu.memory_space<vmem>>, vector<1x16xf32>,
        %get3A_508 = vector.shape_cast %get3A_507 : vector<1x16xf32> to vector<16xf32>
        %mul3A_509 = arith.constant 3.200000e+01 : f32
        %mul3A_510 = vector.broadcast %mul3A_509 : f32 to vector<16xf32>
        %mul3A_511 = arith.mulf %get3A_508, %mul3A_510 : vector<16xf32>
        %swap3A_512 = arith.index_cast %shift_right_arithmetic3A_206 : i32 to index
        %swap3A_513 = arith.index_cast %add3A_504 : i32 to index
        %swap3A_514 = tpu.vector_load %arg6[%swap3A_512, %swap3A_513] {strides = array<i32>} : memref<16x1024xf32, #tpu.memory_space<vmem>>, vector<1x16xf32>,
        %swap3A_515 = vector.shape_cast %swap3A_514 : vector<1x16xf32> to vector<16xf32>
        %swap3A_516 = vector.shape_cast %mul3A_511 : vector<16xf32> to vector<1x16xf32>
        tpu.vector_store %arg6[%swap3A_512, %swap3A_513], %swap3A_516 {strides = array<i32>} : memref<16x1024xf32, #tpu.memory_space<vmem>>, vector<1x16xf32>,
        %add3A_517 = arith.constant 352 : i32
        %add3A_518 = arith.addi %mul3A_210, %add3A_517 : i32
        %get3A_519 = arith.index_cast %shift_right_arithmetic3A_206 : i32 to index
        %get3A_520 = arith.index_cast %add3A_518 : i32 to index
        %get3A_521 = tpu.vector_load %arg6[%get3A_519, %get3A_520] {strides = array<i32>} : memref<16x1024xf32, #tpu.memory_space<vmem>>, vector<1x16xf32>,
        %get3A_522 = vector.shape_cast %get3A_521 : vector<1x16xf32> to vector<16xf32>
        %mul3A_523 = arith.constant 3.200000e+01 : f32
        %mul3A_524 = vector.broadcast %mul3A_523 : f32 to vector<16xf32>
        %mul3A_525 = arith.mulf %get3A_522, %mul3A_524 : vector<16xf32>
        %swap3A_526 = arith.index_cast %shift_right_arithmetic3A_206 : i32 to index
        %swap3A_527 = arith.index_cast %add3A_518 : i32 to index
        %swap3A_528 = tpu.vector_load %arg6[%swap3A_526, %swap3A_527] {strides = array<i32>} : memref<16x1024xf32, #tpu.memory_space<vmem>>, vector<1x16xf32>,
        %swap3A_529 = vector.shape_cast %swap3A_528 : vector<1x16xf32> to vector<16xf32>
        %swap3A_530 = vector.shape_cast %mul3A_525 : vector<16xf32> to vector<1x16xf32>
        tpu.vector_store %arg6[%swap3A_526, %swap3A_527], %swap3A_530 {strides = array<i32>} : memref<16x1024xf32, #tpu.memory_space<vmem>>, vector<1x16xf32>,
        %add3A_531 = arith.constant 368 : i32
        %add3A_532 = arith.addi %mul3A_210, %add3A_531 : i32
        %get3A_533 = arith.index_cast %shift_right_arithmetic3A_206 : i32 to index
        %get3A_534 = arith.index_cast %add3A_532 : i32 to index
        %get3A_535 = tpu.vector_load %arg6[%get3A_533, %get3A_534] {strides = array<i32>} : memref<16x1024xf32, #tpu.memory_space<vmem>>, vector<1x16xf32>,
        %get3A_536 = vector.shape_cast %get3A_535 : vector<1x16xf32> to vector<16xf32>
        %mul3A_537 = arith.constant 3.200000e+01 : f32
        %mul3A_538 = vector.broadcast %mul3A_537 : f32 to vector<16xf32>
        %mul3A_539 = arith.mulf %get3A_536, %mul3A_538 : vector<16xf32>
        %swap3A_540 = arith.index_cast %shift_right_arithmetic3A_206 : i32 to index
        %swap3A_541 = arith.index_cast %add3A_532 : i32 to index
        %swap3A_542 = tpu.vector_load %arg6[%swap3A_540, %swap3A_541] {strides = array<i32>} : memref<16x1024xf32, #tpu.memory_space<vmem>>, vector<1x16xf32>,
        %swap3A_543 = vector.shape_cast %swap3A_542 : vector<1x16xf32> to vector<16xf32>
        %swap3A_544 = vector.shape_cast %mul3A_539 : vector<16xf32> to vector<1x16xf32>
        tpu.vector_store %arg6[%swap3A_540, %swap3A_541], %swap3A_544 {strides = array<i32>} : memref<16x1024xf32, #tpu.memory_space<vmem>>, vector<1x16xf32>,
        %add3A_545 = arith.constant 384 : i32
        %add3A_546 = arith.addi %mul3A_210, %add3A_545 : i32
        %get3A_547 = arith.index_cast %shift_right_arithmetic3A_206 : i32 to index
        %get3A_548 = arith.index_cast %add3A_546 : i32 to index
        %get3A_549 = tpu.vector_load %arg6[%get3A_547, %get3A_548] {strides = array<i32>} : memref<16x1024xf32, #tpu.memory_space<vmem>>, vector<1x16xf32>,
        %get3A_550 = vector.shape_cast %get3A_549 : vector<1x16xf32> to vector<16xf32>
        %mul3A_551 = arith.constant 3.200000e+01 : f32
        %mul3A_552 = vector.broadcast %mul3A_551 : f32 to vector<16xf32>
        %mul3A_553 = arith.mulf %get3A_550, %mul3A_552 : vector<16xf32>
        %swap3A_554 = arith.index_cast %shift_right_arithmetic3A_206 : i32 to index
        %swap3A_555 = arith.index_cast %add3A_546 : i32 to index
        %swap3A_556 = tpu.vector_load %arg6[%swap3A_554, %swap3A_555] {strides = array<i32>} : memref<16x1024xf32, #tpu.memory_space<vmem>>, vector<1x16xf32>,
        %swap3A_557 = vector.shape_cast %swap3A_556 : vector<1x16xf32> to vector<16xf32>
        %swap3A_558 = vector.shape_cast %mul3A_553 : vector<16xf32> to vector<1x16xf32>
        tpu.vector_store %arg6[%swap3A_554, %swap3A_555], %swap3A_558 {strides = array<i32>} : memref<16x1024xf32, #tpu.memory_space<vmem>>, vector<1x16xf32>,
        %add3A_559 = arith.constant 400 : i32
        %add3A_560 = arith.addi %mul3A_210, %add3A_559 : i32
        %get3A_561 = arith.index_cast %shift_right_arithmetic3A_206 : i32 to index
        %get3A_562 = arith.index_cast %add3A_560 : i32 to index
        %get3A_563 = tpu.vector_load %arg6[%get3A_561, %get3A_562] {strides = array<i32>} : memref<16x1024xf32, #tpu.memory_space<vmem>>, vector<1x16xf32>,
        %get3A_564 = vector.shape_cast %get3A_563 : vector<1x16xf32> to vector<16xf32>
        %mul3A_565 = arith.constant 3.200000e+01 : f32
        %mul3A_566 = vector.broadcast %mul3A_565 : f32 to vector<16xf32>
        %mul3A_567 = arith.mulf %get3A_564, %mul3A_566 : vector<16xf32>
        %swap3A_568 = arith.index_cast %shift_right_arithmetic3A_206 : i32 to index
        %swap3A_569 = arith.index_cast %add3A_560 : i32 to index
        %swap3A_570 = tpu.vector_load %arg6[%swap3A_568, %swap3A_569] {strides = array<i32>} : memref<16x1024xf32, #tpu.memory_space<vmem>>, vector<1x16xf32>,
        %swap3A_571 = vector.shape_cast %swap3A_570 : vector<1x16xf32> to vector<16xf32>
        %swap3A_572 = vector.shape_cast %mul3A_567 : vector<16xf32> to vector<1x16xf32>
        tpu.vector_store %arg6[%swap3A_568, %swap3A_569], %swap3A_572 {strides = array<i32>} : memref<16x1024xf32, #tpu.memory_space<vmem>>, vector<1x16xf32>,
        %add3A_573 = arith.constant 416 : i32
        %add3A_574 = arith.addi %mul3A_210, %add3A_573 : i32
        %get3A_575 = arith.index_cast %shift_right_arithmetic3A_206 : i32 to index
        %get3A_576 = arith.index_cast %add3A_574 : i32 to index
        %get3A_577 = tpu.vector_load %arg6[%get3A_575, %get3A_576] {strides = array<i32>} : memref<16x1024xf32, #tpu.memory_space<vmem>>, vector<1x16xf32>,
        %get3A_578 = vector.shape_cast %get3A_577 : vector<1x16xf32> to vector<16xf32>
        %mul3A_579 = arith.constant 3.200000e+01 : f32
        %mul3A_580 = vector.broadcast %mul3A_579 : f32 to vector<16xf32>
        %mul3A_581 = arith.mulf %get3A_578, %mul3A_580 : vector<16xf32>
        %swap3A_582 = arith.index_cast %shift_right_arithmetic3A_206 : i32 to index
        %swap3A_583 = arith.index_cast %add3A_574 : i32 to index
        %swap3A_584 = tpu.vector_load %arg6[%swap3A_582, %swap3A_583] {strides = array<i32>} : memref<16x1024xf32, #tpu.memory_space<vmem>>, vector<1x16xf32>,
        %swap3A_585 = vector.shape_cast %swap3A_584 : vector<1x16xf32> to vector<16xf32>
        %swap3A_586 = vector.shape_cast %mul3A_581 : vector<16xf32> to vector<1x16xf32>
        tpu.vector_store %arg6[%swap3A_582, %swap3A_583], %swap3A_586 {strides = array<i32>} : memref<16x1024xf32, #tpu.memory_space<vmem>>, vector<1x16xf32>,
        %add3A_587 = arith.constant 432 : i32
        %add3A_588 = arith.addi %mul3A_210, %add3A_587 : i32
        %get3A_589 = arith.index_cast %shift_right_arithmetic3A_206 : i32 to index
        %get3A_590 = arith.index_cast %add3A_588 : i32 to index
        %get3A_591 = tpu.vector_load %arg6[%get3A_589, %get3A_590] {strides = array<i32>} : memref<16x1024xf32, #tpu.memory_space<vmem>>, vector<1x16xf32>,
        %get3A_592 = vector.shape_cast %get3A_591 : vector<1x16xf32> to vector<16xf32>
        %mul3A_593 = arith.constant 3.200000e+01 : f32
        %mul3A_594 = vector.broadcast %mul3A_593 : f32 to vector<16xf32>
        %mul3A_595 = arith.mulf %get3A_592, %mul3A_594 : vector<16xf32>
        %swap3A_596 = arith.index_cast %shift_right_arithmetic3A_206 : i32 to index
        %swap3A_597 = arith.index_cast %add3A_588 : i32 to index
        %swap3A_598 = tpu.vector_load %arg6[%swap3A_596, %swap3A_597] {strides = array<i32>} : memref<16x1024xf32, #tpu.memory_space<vmem>>, vector<1x16xf32>,
        %swap3A_599 = vector.shape_cast %swap3A_598 : vector<1x16xf32> to vector<16xf32>
        %swap3A_600 = vector.shape_cast %mul3A_595 : vector<16xf32> to vector<1x16xf32>
        tpu.vector_store %arg6[%swap3A_596, %swap3A_597], %swap3A_600 {strides = array<i32>} : memref<16x1024xf32, #tpu.memory_space<vmem>>, vector<1x16xf32>,
        %add3A_601 = arith.constant 448 : i32
        %add3A_602 = arith.addi %mul3A_210, %add3A_601 : i32
        %get3A_603 = arith.index_cast %shift_right_arithmetic3A_206 : i32 to index
        %get3A_604 = arith.index_cast %add3A_602 : i32 to index
        %get3A_605 = tpu.vector_load %arg6[%get3A_603, %get3A_604] {strides = array<i32>} : memref<16x1024xf32, #tpu.memory_space<vmem>>, vector<1x16xf32>,
        %get3A_606 = vector.shape_cast %get3A_605 : vector<1x16xf32> to vector<16xf32>
        %mul3A_607 = arith.constant 3.200000e+01 : f32
        %mul3A_608 = vector.broadcast %mul3A_607 : f32 to vector<16xf32>
        %mul3A_609 = arith.mulf %get3A_606, %mul3A_608 : vector<16xf32>
        %swap3A_610 = arith.index_cast %shift_right_arithmetic3A_206 : i32 to index
        %swap3A_611 = arith.index_cast %add3A_602 : i32 to index
        %swap3A_612 = tpu.vector_load %arg6[%swap3A_610, %swap3A_611] {strides = array<i32>} : memref<16x1024xf32, #tpu.memory_space<vmem>>, vector<1x16xf32>,
        %swap3A_613 = vector.shape_cast %swap3A_612 : vector<1x16xf32> to vector<16xf32>
        %swap3A_614 = vector.shape_cast %mul3A_609 : vector<16xf32> to vector<1x16xf32>
        tpu.vector_store %arg6[%swap3A_610, %swap3A_611], %swap3A_614 {strides = array<i32>} : memref<16x1024xf32, #tpu.memory_space<vmem>>, vector<1x16xf32>,
        %add3A_615 = arith.constant 464 : i32
        %add3A_616 = arith.addi %mul3A_210, %add3A_615 : i32
        %get3A_617 = arith.index_cast %shift_right_arithmetic3A_206 : i32 to index
        %get3A_618 = arith.index_cast %add3A_616 : i32 to index
        %get3A_619 = tpu.vector_load %arg6[%get3A_617, %get3A_618] {strides = array<i32>} : memref<16x1024xf32, #tpu.memory_space<vmem>>, vector<1x16xf32>,
        %get3A_620 = vector.shape_cast %get3A_619 : vector<1x16xf32> to vector<16xf32>
        %mul3A_621 = arith.constant 3.200000e+01 : f32
        %mul3A_622 = vector.broadcast %mul3A_621 : f32 to vector<16xf32>
        %mul3A_623 = arith.mulf %get3A_620, %mul3A_622 : vector<16xf32>
        %swap3A_624 = arith.index_cast %shift_right_arithmetic3A_206 : i32 to index
        %swap3A_625 = arith.index_cast %add3A_616 : i32 to index
        %swap3A_626 = tpu.vector_load %arg6[%swap3A_624, %swap3A_625] {strides = array<i32>} : memref<16x1024xf32, #tpu.memory_space<vmem>>, vector<1x16xf32>,
        %swap3A_627 = vector.shape_cast %swap3A_626 : vector<1x16xf32> to vector<16xf32>
        %swap3A_628 = vector.shape_cast %mul3A_623 : vector<16xf32> to vector<1x16xf32>
        tpu.vector_store %arg6[%swap3A_624, %swap3A_625], %swap3A_628 {strides = array<i32>} : memref<16x1024xf32, #tpu.memory_space<vmem>>, vector<1x16xf32>,
        %add3A_629 = arith.constant 480 : i32
        %add3A_630 = arith.addi %mul3A_210, %add3A_629 : i32
        %get3A_631 = arith.index_cast %shift_right_arithmetic3A_206 : i32 to index
        %get3A_632 = arith.index_cast %add3A_630 : i32 to index
        %get3A_633 = tpu.vector_load %arg6[%get3A_631, %get3A_632] {strides = array<i32>} : memref<16x1024xf32, #tpu.memory_space<vmem>>, vector<1x16xf32>,
        %get3A_634 = vector.shape_cast %get3A_633 : vector<1x16xf32> to vector<16xf32>
        %mul3A_635 = arith.constant 3.200000e+01 : f32
        %mul3A_636 = vector.broadcast %mul3A_635 : f32 to vector<16xf32>
        %mul3A_637 = arith.mulf %get3A_634, %mul3A_636 : vector<16xf32>
        %swap3A_638 = arith.index_cast %shift_right_arithmetic3A_206 : i32 to index
        %swap3A_639 = arith.index_cast %add3A_630 : i32 to index
        %swap3A_640 = tpu.vector_load %arg6[%swap3A_638, %swap3A_639] {strides = array<i32>} : memref<16x1024xf32, #tpu.memory_space<vmem>>, vector<1x16xf32>,
        %swap3A_641 = vector.shape_cast %swap3A_640 : vector<1x16xf32> to vector<16xf32>
        %swap3A_642 = vector.shape_cast %mul3A_637 : vector<16xf32> to vector<1x16xf32>
        tpu.vector_store %arg6[%swap3A_638, %swap3A_639], %swap3A_642 {strides = array<i32>} : memref<16x1024xf32, #tpu.memory_space<vmem>>, vector<1x16xf32>,
        %add3A_643 = arith.constant 496 : i32
        %add3A_644 = arith.addi %mul3A_210, %add3A_643 : i32
        %get3A_645 = arith.index_cast %shift_right_arithmetic3A_206 : i32 to index
        %get3A_646 = arith.index_cast %add3A_644 : i32 to index
        %get3A_647 = tpu.vector_load %arg6[%get3A_645, %get3A_646] {strides = array<i32>} : memref<16x1024xf32, #tpu.memory_space<vmem>>, vector<1x16xf32>,
        %get3A_648 = vector.shape_cast %get3A_647 : vector<1x16xf32> to vector<16xf32>
        %mul3A_649 = arith.constant 3.200000e+01 : f32
        %mul3A_650 = vector.broadcast %mul3A_649 : f32 to vector<16xf32>
        %mul3A_651 = arith.mulf %get3A_648, %mul3A_650 : vector<16xf32>
        %swap3A_652 = arith.index_cast %shift_right_arithmetic3A_206 : i32 to index
        %swap3A_653 = arith.index_cast %add3A_644 : i32 to index
        %swap3A_654 = tpu.vector_load %arg6[%swap3A_652, %swap3A_653] {strides = array<i32>} : memref<16x1024xf32, #tpu.memory_space<vmem>>, vector<1x16xf32>,
        %swap3A_655 = vector.shape_cast %swap3A_654 : vector<1x16xf32> to vector<16xf32>
        %swap3A_656 = vector.shape_cast %mul3A_651 : vector<16xf32> to vector<1x16xf32>
        tpu.vector_store %arg6[%swap3A_652, %swap3A_653], %swap3A_656 {strides = array<i32>} : memref<16x1024xf32, #tpu.memory_space<vmem>>, vector<1x16xf32>,
      }
      %scan3A_99 = arith.constant 32 : i32
      %mul3A_100 = arith.constant 16 : i32
      %mul3A_101 = arith.muli %add3A_82, %mul3A_100 : i32
      %add3A_102 = arith.addi %mul3A_32, %mul3A_101 : i32
      %dma_start3A_103 = arith.constant 0 : i32
      %dma_start3A_104 = tpu.memref_slice %arg4[%select_n3A, %add3A_102, %dma_start3A_103] : memref<4x4096x1024xf32, #tpu.memory_space<hbm>> -> memref<1x16x1024xf32, #tpu.memory_space<hbm>>
      %dma_start3A_105 = tpu.memref_squeeze %dma_start3A_104 : memref<1x16x1024xf32, #tpu.memory_space<hbm>> -> memref<16x1024xf32, #tpu.memory_space<hbm>>
      %dma_start3A_106 = arith.constant 0 : i32
      %dma_start3A_107 = tpu.memref_slice %arg4[%select_n3A, %add3A_102, %dma_start3A_106] : memref<4x4096x1024xf32, #tpu.memory_space<hbm>> -> memref<1x16x1024xf32, #tpu.memory_space<hbm>>
      %dma_start3A_108 = tpu.memref_squeeze %dma_start3A_107 : memref<1x16x1024xf32, #tpu.memory_space<hbm>> -> memref<16x1024xf32, #tpu.memory_space<hbm>>
      tpu.enqueue_dma source(%arg6 : memref<16x1024xf32, #tpu.memory_space<vmem>>) target(%dma_start3A_108 : memref<16x1024xf32, #tpu.memory_space<hbm>>) target_semaphore(%arg14 : memref<!tpu.dma_semaphore, #tpu.memory_space<semaphore_mem>>)
      %mul3A_109 = arith.constant 4 : i32
      %mul3A_110 = arith.muli %scan3A_78, %mul3A_109 : i32
      %add3A_111 = arith.constant 1 : i32
      %add3A_112 = arith.addi %mul3A_110, %add3A_111 : i32
      %add3A_113 = arith.constant 2 : i32
      %add3A_114 = arith.addi %add3A_112, %add3A_113 : i32
      %lt3A_115 = arith.constant 32 : i32
      %lt3A_116 = arith.cmpi slt, %add3A_114, %lt3A_115 : i32
      %convert_element_type3A_117 = arith.extui %lt3A_116 : i1 to i32
      %cond3A_118 = arith.constant 0 : i32
      %cond3A_119 = arith.cmpi ne, %convert_element_type3A_117, %cond3A_118 : i32
      scf.if %cond3A_119 {
        %ge3A = arith.constant 4 : i32
        %ge3A_205 = arith.cmpi sge, %add3A_114, %ge3A : i32
        %convert_element_type3A_206 = arith.extui %ge3A_205 : i1 to i32
        %cond3A_207 = arith.constant 0 : i32
        %cond3A_208 = arith.cmpi ne, %convert_element_type3A_206, %cond3A_207 : i32
        scf.if %cond3A_208 {
          %sub3A_215 = arith.constant 4 : i32
          %sub3A_216 = arith.subi %add3A_114, %sub3A_215 : i32
          %mul3A_217 = arith.constant 16 : i32
          %mul3A_218 = arith.muli %sub3A_216, %mul3A_217 : i32
          %add3A_219 = arith.addi %mul3A_32, %mul3A_218 : i32
          %dma_wait3A_220 = arith.constant 0 : i32
          %dma_wait3A_221 = tpu.memref_slice %arg4[%select_n3A, %add3A_219, %dma_wait3A_220] : memref<4x4096x1024xf32, #tpu.memory_space<hbm>> -> memref<1x16x1024xf32, #tpu.memory_space<hbm>>
          %dma_wait3A_222 = tpu.memref_squeeze %dma_wait3A_221 : memref<1x16x1024xf32, #tpu.memory_space<hbm>> -> memref<16x1024xf32, #tpu.memory_space<hbm>>
          %dma_wait3A_223 = arith.constant 0 : i32
          %dma_wait3A_224 = tpu.memref_slice %arg4[%select_n3A, %add3A_219, %dma_wait3A_223] : memref<4x4096x1024xf32, #tpu.memory_space<hbm>> -> memref<1x16x1024xf32, #tpu.memory_space<hbm>>
          %dma_wait3A_225 = tpu.memref_squeeze %dma_wait3A_224 : memref<1x16x1024xf32, #tpu.memory_space<hbm>> -> memref<16x1024xf32, #tpu.memory_space<hbm>>
          tpu.wait_dma2 semaphore(%arg17 : memref<!tpu.dma_semaphore, #tpu.memory_space<semaphore_mem>>) src(%arg9 : memref<16x1024xf32, #tpu.memory_space<vmem>>) dst(%dma_wait3A_225 : memref<16x1024xf32, #tpu.memory_space<hbm>>)
        } else {
        }
        %mul3A_209 = arith.constant 16 : i32
        %mul3A_210 = arith.muli %add3A_114, %mul3A_209 : i32
        %dma_start3A_211 = tpu.memref_slice %arg5[%mul3A_210] : memref<512xi32, #tpu.memory_space<vmem>> -> memref<16xi32, #tpu.memory_space<vmem>>
        %dma_start3A_212 = arith.constant 0 : i32
        %dma_start3A_213 = arith.constant 0 : i32
        %dma_start3A_214 = tpu.memref_slice %arg3[%dma_start3A_212, %dma_start3A_213] : memref<100000x1024xf32, #tpu.memory_space<hbm>> -> memref<100000x1024xf32, #tpu.memory_space<hbm>>
        tpu.enqueue_indirect_dma source(%dma_start3A_214 : memref<100000x1024xf32, #tpu.memory_space<hbm>>) target(%arg9 : memref<16x1024xf32, #tpu.memory_space<vmem>>) offsets(%dma_start3A_211 : memref<16xi32, #tpu.memory_space<vmem>>) semaphore(%arg13 : memref<!tpu.dma_semaphore, #tpu.memory_space<semaphore_mem>>)
      } else {
      }
      %mul3A_120 = arith.constant 16 : i32
      %mul3A_121 = arith.muli %add3A_112, %mul3A_120 : i32
      %dma_wait3A_122 = tpu.memref_slice %arg5[%mul3A_121] : memref<512xi32, #tpu.memory_space<vmem>> -> memref<16xi32, #tpu.memory_space<vmem>>
      %dma_wait3A_123 = arith.constant 0 : i32
      %dma_wait3A_124 = arith.constant 0 : i32
      %dma_wait3A_125 = tpu.memref_slice %arg3[%dma_wait3A_123, %dma_wait3A_124] : memref<100000x1024xf32, #tpu.memory_space<hbm>> -> memref<100000x1024xf32, #tpu.memory_space<hbm>>
      tpu.wait_indirect_dma semaphore(%arg11 : memref<!tpu.dma_semaphore, #tpu.memory_space<semaphore_mem>>) src(%dma_wait3A_125 : memref<100000x1024xf32, #tpu.memory_space<hbm>>) dst(%arg7 : memref<16x1024xf32, #tpu.memory_space<vmem>>)
      %scan3A_126 = arith.constant 0 : i32
      %scan3A_127 = arith.constant 0 : i32
      %scan3A_128 = arith.constant 32 : i32
      %scan3A_129 = arith.addi %scan3A_127, %scan3A_128 : i32
      %scan3A_130 = arith.constant 1 : i32
      scf.for %scan3A_205 = %scan3A_127 to %scan3A_129 step %scan3A_130  : i32 {
        %shift_right_arithmetic3A = arith.constant 1 : i32
        %shift_right_arithmetic3A_206 = arith.shrsi %scan3A_205, %shift_right_arithmetic3A : i32
        %and3A_207 = arith.constant 1 : i32
        %and3A_208 = arith.andi %scan3A_205, %and3A_207 : i32
        %mul3A_209 = arith.constant 512 : i32
        %mul3A_210 = arith.muli %and3A_208, %mul3A_209 : i32
        %add3A_211 = arith.constant 0 : i32
        %add3A_212 = arith.addi %mul3A_210, %add3A_211 : i32
        %get3A = arith.index_cast %shift_right_arithmetic3A_206 : i32 to index
        %get3A_213 = arith.index_cast %add3A_212 : i32 to index
        %get3A_214 = tpu.vector_load %arg7[%get3A, %get3A_213] {strides = array<i32>} : memref<16x1024xf32, #tpu.memory_space<vmem>>, vector<1x16xf32>,
        %get3A_215 = vector.shape_cast %get3A_214 : vector<1x16xf32> to vector<16xf32>
        %mul3A_216 = arith.constant 3.200000e+01 : f32
        %mul3A_217 = vector.broadcast %mul3A_216 : f32 to vector<16xf32>
        %mul3A_218 = arith.mulf %get3A_215, %mul3A_217 : vector<16xf32>
        %swap3A = arith.index_cast %shift_right_arithmetic3A_206 : i32 to index
        %swap3A_219 = arith.index_cast %add3A_212 : i32 to index
        %swap3A_220 = tpu.vector_load %arg7[%swap3A, %swap3A_219] {strides = array<i32>} : memref<16x1024xf32, #tpu.memory_space<vmem>>, vector<1x16xf32>,
        %swap3A_221 = vector.shape_cast %swap3A_220 : vector<1x16xf32> to vector<16xf32>
        %swap3A_222 = vector.shape_cast %mul3A_218 : vector<16xf32> to vector<1x16xf32>
        tpu.vector_store %arg7[%swap3A, %swap3A_219], %swap3A_222 {strides = array<i32>} : memref<16x1024xf32, #tpu.memory_space<vmem>>, vector<1x16xf32>,
        %add3A_223 = arith.constant 16 : i32
        %add3A_224 = arith.addi %mul3A_210, %add3A_223 : i32
        %get3A_225 = arith.index_cast %shift_right_arithmetic3A_206 : i32 to index
        %get3A_226 = arith.index_cast %add3A_224 : i32 to index
        %get3A_227 = tpu.vector_load %arg7[%get3A_225, %get3A_226] {strides = array<i32>} : memref<16x1024xf32, #tpu.memory_space<vmem>>, vector<1x16xf32>,
        %get3A_228 = vector.shape_cast %get3A_227 : vector<1x16xf32> to vector<16xf32>
        %mul3A_229 = arith.constant 3.200000e+01 : f32
        %mul3A_230 = vector.broadcast %mul3A_229 : f32 to vector<16xf32>
        %mul3A_231 = arith.mulf %get3A_228, %mul3A_230 : vector<16xf32>
        %swap3A_232 = arith.index_cast %shift_right_arithmetic3A_206 : i32 to index
        %swap3A_233 = arith.index_cast %add3A_224 : i32 to index
        %swap3A_234 = tpu.vector_load %arg7[%swap3A_232, %swap3A_233] {strides = array<i32>} : memref<16x1024xf32, #tpu.memory_space<vmem>>, vector<1x16xf32>,
        %swap3A_235 = vector.shape_cast %swap3A_234 : vector<1x16xf32> to vector<16xf32>
        %swap3A_236 = vector.shape_cast %mul3A_231 : vector<16xf32> to vector<1x16xf32>
        tpu.vector_store %arg7[%swap3A_232, %swap3A_233], %swap3A_236 {strides = array<i32>} : memref<16x1024xf32, #tpu.memory_space<vmem>>, vector<1x16xf32>,
        %add3A_237 = arith.constant 32 : i32
        %add3A_238 = arith.addi %mul3A_210, %add3A_237 : i32
        %get3A_239 = arith.index_cast %shift_right_arithmetic3A_206 : i32 to index
        %get3A_240 = arith.index_cast %add3A_238 : i32 to index
        %get3A_241 = tpu.vector_load %arg7[%get3A_239, %get3A_240] {strides = array<i32>} : memref<16x1024xf32, #tpu.memory_space<vmem>>, vector<1x16xf32>,
        %get3A_242 = vector.shape_cast %get3A_241 : vector<1x16xf32> to vector<16xf32>
        %mul3A_243 = arith.constant 3.200000e+01 : f32
        %mul3A_244 = vector.broadcast %mul3A_243 : f32 to vector<16xf32>
        %mul3A_245 = arith.mulf %get3A_242, %mul3A_244 : vector<16xf32>
        %swap3A_246 = arith.index_cast %shift_right_arithmetic3A_206 : i32 to index
        %swap3A_247 = arith.index_cast %add3A_238 : i32 to index
        %swap3A_248 = tpu.vector_load %arg7[%swap3A_246, %swap3A_247] {strides = array<i32>} : memref<16x1024xf32, #tpu.memory_space<vmem>>, vector<1x16xf32>,
        %swap3A_249 = vector.shape_cast %swap3A_248 : vector<1x16xf32> to vector<16xf32>
        %swap3A_250 = vector.shape_cast %mul3A_245 : vector<16xf32> to vector<1x16xf32>
        tpu.vector_store %arg7[%swap3A_246, %swap3A_247], %swap3A_250 {strides = array<i32>} : memref<16x1024xf32, #tpu.memory_space<vmem>>, vector<1x16xf32>,
        %add3A_251 = arith.constant 48 : i32
        %add3A_252 = arith.addi %mul3A_210, %add3A_251 : i32
        %get3A_253 = arith.index_cast %shift_right_arithmetic3A_206 : i32 to index
        %get3A_254 = arith.index_cast %add3A_252 : i32 to index
        %get3A_255 = tpu.vector_load %arg7[%get3A_253, %get3A_254] {strides = array<i32>} : memref<16x1024xf32, #tpu.memory_space<vmem>>, vector<1x16xf32>,
        %get3A_256 = vector.shape_cast %get3A_255 : vector<1x16xf32> to vector<16xf32>
        %mul3A_257 = arith.constant 3.200000e+01 : f32
        %mul3A_258 = vector.broadcast %mul3A_257 : f32 to vector<16xf32>
        %mul3A_259 = arith.mulf %get3A_256, %mul3A_258 : vector<16xf32>
        %swap3A_260 = arith.index_cast %shift_right_arithmetic3A_206 : i32 to index
        %swap3A_261 = arith.index_cast %add3A_252 : i32 to index
        %swap3A_262 = tpu.vector_load %arg7[%swap3A_260, %swap3A_261] {strides = array<i32>} : memref<16x1024xf32, #tpu.memory_space<vmem>>, vector<1x16xf32>,
        %swap3A_263 = vector.shape_cast %swap3A_262 : vector<1x16xf32> to vector<16xf32>
        %swap3A_264 = vector.shape_cast %mul3A_259 : vector<16xf32> to vector<1x16xf32>
        tpu.vector_store %arg7[%swap3A_260, %swap3A_261], %swap3A_264 {strides = array<i32>} : memref<16x1024xf32, #tpu.memory_space<vmem>>, vector<1x16xf32>,
        %add3A_265 = arith.constant 64 : i32
        %add3A_266 = arith.addi %mul3A_210, %add3A_265 : i32
        %get3A_267 = arith.index_cast %shift_right_arithmetic3A_206 : i32 to index
        %get3A_268 = arith.index_cast %add3A_266 : i32 to index
        %get3A_269 = tpu.vector_load %arg7[%get3A_267, %get3A_268] {strides = array<i32>} : memref<16x1024xf32, #tpu.memory_space<vmem>>, vector<1x16xf32>,
        %get3A_270 = vector.shape_cast %get3A_269 : vector<1x16xf32> to vector<16xf32>
        %mul3A_271 = arith.constant 3.200000e+01 : f32
        %mul3A_272 = vector.broadcast %mul3A_271 : f32 to vector<16xf32>
        %mul3A_273 = arith.mulf %get3A_270, %mul3A_272 : vector<16xf32>
        %swap3A_274 = arith.index_cast %shift_right_arithmetic3A_206 : i32 to index
        %swap3A_275 = arith.index_cast %add3A_266 : i32 to index
        %swap3A_276 = tpu.vector_load %arg7[%swap3A_274, %swap3A_275] {strides = array<i32>} : memref<16x1024xf32, #tpu.memory_space<vmem>>, vector<1x16xf32>,
        %swap3A_277 = vector.shape_cast %swap3A_276 : vector<1x16xf32> to vector<16xf32>
        %swap3A_278 = vector.shape_cast %mul3A_273 : vector<16xf32> to vector<1x16xf32>
        tpu.vector_store %arg7[%swap3A_274, %swap3A_275], %swap3A_278 {strides = array<i32>} : memref<16x1024xf32, #tpu.memory_space<vmem>>, vector<1x16xf32>,
        %add3A_279 = arith.constant 80 : i32
        %add3A_280 = arith.addi %mul3A_210, %add3A_279 : i32
        %get3A_281 = arith.index_cast %shift_right_arithmetic3A_206 : i32 to index
        %get3A_282 = arith.index_cast %add3A_280 : i32 to index
        %get3A_283 = tpu.vector_load %arg7[%get3A_281, %get3A_282] {strides = array<i32>} : memref<16x1024xf32, #tpu.memory_space<vmem>>, vector<1x16xf32>,
        %get3A_284 = vector.shape_cast %get3A_283 : vector<1x16xf32> to vector<16xf32>
        %mul3A_285 = arith.constant 3.200000e+01 : f32
        %mul3A_286 = vector.broadcast %mul3A_285 : f32 to vector<16xf32>
        %mul3A_287 = arith.mulf %get3A_284, %mul3A_286 : vector<16xf32>
        %swap3A_288 = arith.index_cast %shift_right_arithmetic3A_206 : i32 to index
        %swap3A_289 = arith.index_cast %add3A_280 : i32 to index
        %swap3A_290 = tpu.vector_load %arg7[%swap3A_288, %swap3A_289] {strides = array<i32>} : memref<16x1024xf32, #tpu.memory_space<vmem>>, vector<1x16xf32>,
        %swap3A_291 = vector.shape_cast %swap3A_290 : vector<1x16xf32> to vector<16xf32>
        %swap3A_292 = vector.shape_cast %mul3A_287 : vector<16xf32> to vector<1x16xf32>
        tpu.vector_store %arg7[%swap3A_288, %swap3A_289], %swap3A_292 {strides = array<i32>} : memref<16x1024xf32, #tpu.memory_space<vmem>>, vector<1x16xf32>,
        %add3A_293 = arith.constant 96 : i32
        %add3A_294 = arith.addi %mul3A_210, %add3A_293 : i32
        %get3A_295 = arith.index_cast %shift_right_arithmetic3A_206 : i32 to index
        %get3A_296 = arith.index_cast %add3A_294 : i32 to index
        %get3A_297 = tpu.vector_load %arg7[%get3A_295, %get3A_296] {strides = array<i32>} : memref<16x1024xf32, #tpu.memory_space<vmem>>, vector<1x16xf32>,
        %get3A_298 = vector.shape_cast %get3A_297 : vector<1x16xf32> to vector<16xf32>
        %mul3A_299 = arith.constant 3.200000e+01 : f32
        %mul3A_300 = vector.broadcast %mul3A_299 : f32 to vector<16xf32>
        %mul3A_301 = arith.mulf %get3A_298, %mul3A_300 : vector<16xf32>
        %swap3A_302 = arith.index_cast %shift_right_arithmetic3A_206 : i32 to index
        %swap3A_303 = arith.index_cast %add3A_294 : i32 to index
        %swap3A_304 = tpu.vector_load %arg7[%swap3A_302, %swap3A_303] {strides = array<i32>} : memref<16x1024xf32, #tpu.memory_space<vmem>>, vector<1x16xf32>,
        %swap3A_305 = vector.shape_cast %swap3A_304 : vector<1x16xf32> to vector<16xf32>
        %swap3A_306 = vector.shape_cast %mul3A_301 : vector<16xf32> to vector<1x16xf32>
        tpu.vector_store %arg7[%swap3A_302, %swap3A_303], %swap3A_306 {strides = array<i32>} : memref<16x1024xf32, #tpu.memory_space<vmem>>, vector<1x16xf32>,
        %add3A_307 = arith.constant 112 : i32
        %add3A_308 = arith.addi %mul3A_210, %add3A_307 : i32
        %get3A_309 = arith.index_cast %shift_right_arithmetic3A_206 : i32 to index
        %get3A_310 = arith.index_cast %add3A_308 : i32 to index
        %get3A_311 = tpu.vector_load %arg7[%get3A_309, %get3A_310] {strides = array<i32>} : memref<16x1024xf32, #tpu.memory_space<vmem>>, vector<1x16xf32>,
        %get3A_312 = vector.shape_cast %get3A_311 : vector<1x16xf32> to vector<16xf32>
        %mul3A_313 = arith.constant 3.200000e+01 : f32
        %mul3A_314 = vector.broadcast %mul3A_313 : f32 to vector<16xf32>
        %mul3A_315 = arith.mulf %get3A_312, %mul3A_314 : vector<16xf32>
        %swap3A_316 = arith.index_cast %shift_right_arithmetic3A_206 : i32 to index
        %swap3A_317 = arith.index_cast %add3A_308 : i32 to index
        %swap3A_318 = tpu.vector_load %arg7[%swap3A_316, %swap3A_317] {strides = array<i32>} : memref<16x1024xf32, #tpu.memory_space<vmem>>, vector<1x16xf32>,
        %swap3A_319 = vector.shape_cast %swap3A_318 : vector<1x16xf32> to vector<16xf32>
        %swap3A_320 = vector.shape_cast %mul3A_315 : vector<16xf32> to vector<1x16xf32>
        tpu.vector_store %arg7[%swap3A_316, %swap3A_317], %swap3A_320 {strides = array<i32>} : memref<16x1024xf32, #tpu.memory_space<vmem>>, vector<1x16xf32>,
        %add3A_321 = arith.constant 128 : i32
        %add3A_322 = arith.addi %mul3A_210, %add3A_321 : i32
        %get3A_323 = arith.index_cast %shift_right_arithmetic3A_206 : i32 to index
        %get3A_324 = arith.index_cast %add3A_322 : i32 to index
        %get3A_325 = tpu.vector_load %arg7[%get3A_323, %get3A_324] {strides = array<i32>} : memref<16x1024xf32, #tpu.memory_space<vmem>>, vector<1x16xf32>,
        %get3A_326 = vector.shape_cast %get3A_325 : vector<1x16xf32> to vector<16xf32>
        %mul3A_327 = arith.constant 3.200000e+01 : f32
        %mul3A_328 = vector.broadcast %mul3A_327 : f32 to vector<16xf32>
        %mul3A_329 = arith.mulf %get3A_326, %mul3A_328 : vector<16xf32>
        %swap3A_330 = arith.index_cast %shift_right_arithmetic3A_206 : i32 to index
        %swap3A_331 = arith.index_cast %add3A_322 : i32 to index
        %swap3A_332 = tpu.vector_load %arg7[%swap3A_330, %swap3A_331] {strides = array<i32>} : memref<16x1024xf32, #tpu.memory_space<vmem>>, vector<1x16xf32>,
        %swap3A_333 = vector.shape_cast %swap3A_332 : vector<1x16xf32> to vector<16xf32>
        %swap3A_334 = vector.shape_cast %mul3A_329 : vector<16xf32> to vector<1x16xf32>
        tpu.vector_store %arg7[%swap3A_330, %swap3A_331], %swap3A_334 {strides = array<i32>} : memref<16x1024xf32, #tpu.memory_space<vmem>>, vector<1x16xf32>,
        %add3A_335 = arith.constant 144 : i32
        %add3A_336 = arith.addi %mul3A_210, %add3A_335 : i32
        %get3A_337 = arith.index_cast %shift_right_arithmetic3A_206 : i32 to index
        %get3A_338 = arith.index_cast %add3A_336 : i32 to index
        %get3A_339 = tpu.vector_load %arg7[%get3A_337, %get3A_338] {strides = array<i32>} : memref<16x1024xf32, #tpu.memory_space<vmem>>, vector<1x16xf32>,
        %get3A_340 = vector.shape_cast %get3A_339 : vector<1x16xf32> to vector<16xf32>
        %mul3A_341 = arith.constant 3.200000e+01 : f32
        %mul3A_342 = vector.broadcast %mul3A_341 : f32 to vector<16xf32>
        %mul3A_343 = arith.mulf %get3A_340, %mul3A_342 : vector<16xf32>
        %swap3A_344 = arith.index_cast %shift_right_arithmetic3A_206 : i32 to index
        %swap3A_345 = arith.index_cast %add3A_336 : i32 to index
        %swap3A_346 = tpu.vector_load %arg7[%swap3A_344, %swap3A_345] {strides = array<i32>} : memref<16x1024xf32, #tpu.memory_space<vmem>>, vector<1x16xf32>,
        %swap3A_347 = vector.shape_cast %swap3A_346 : vector<1x16xf32> to vector<16xf32>
        %swap3A_348 = vector.shape_cast %mul3A_343 : vector<16xf32> to vector<1x16xf32>
        tpu.vector_store %arg7[%swap3A_344, %swap3A_345], %swap3A_348 {strides = array<i32>} : memref<16x1024xf32, #tpu.memory_space<vmem>>, vector<1x16xf32>,
        %add3A_349 = arith.constant 160 : i32
        %add3A_350 = arith.addi %mul3A_210, %add3A_349 : i32
        %get3A_351 = arith.index_cast %shift_right_arithmetic3A_206 : i32 to index
        %get3A_352 = arith.index_cast %add3A_350 : i32 to index
        %get3A_353 = tpu.vector_load %arg7[%get3A_351, %get3A_352] {strides = array<i32>} : memref<16x1024xf32, #tpu.memory_space<vmem>>, vector<1x16xf32>,
        %get3A_354 = vector.shape_cast %get3A_353 : vector<1x16xf32> to vector<16xf32>
        %mul3A_355 = arith.constant 3.200000e+01 : f32
        %mul3A_356 = vector.broadcast %mul3A_355 : f32 to vector<16xf32>
        %mul3A_357 = arith.mulf %get3A_354, %mul3A_356 : vector<16xf32>
        %swap3A_358 = arith.index_cast %shift_right_arithmetic3A_206 : i32 to index
        %swap3A_359 = arith.index_cast %add3A_350 : i32 to index
        %swap3A_360 = tpu.vector_load %arg7[%swap3A_358, %swap3A_359] {strides = array<i32>} : memref<16x1024xf32, #tpu.memory_space<vmem>>, vector<1x16xf32>,
        %swap3A_361 = vector.shape_cast %swap3A_360 : vector<1x16xf32> to vector<16xf32>
        %swap3A_362 = vector.shape_cast %mul3A_357 : vector<16xf32> to vector<1x16xf32>
        tpu.vector_store %arg7[%swap3A_358, %swap3A_359], %swap3A_362 {strides = array<i32>} : memref<16x1024xf32, #tpu.memory_space<vmem>>, vector<1x16xf32>,
        %add3A_363 = arith.constant 176 : i32
        %add3A_364 = arith.addi %mul3A_210, %add3A_363 : i32
        %get3A_365 = arith.index_cast %shift_right_arithmetic3A_206 : i32 to index
        %get3A_366 = arith.index_cast %add3A_364 : i32 to index
        %get3A_367 = tpu.vector_load %arg7[%get3A_365, %get3A_366] {strides = array<i32>} : memref<16x1024xf32, #tpu.memory_space<vmem>>, vector<1x16xf32>,
        %get3A_368 = vector.shape_cast %get3A_367 : vector<1x16xf32> to vector<16xf32>
        %mul3A_369 = arith.constant 3.200000e+01 : f32
        %mul3A_370 = vector.broadcast %mul3A_369 : f32 to vector<16xf32>
        %mul3A_371 = arith.mulf %get3A_368, %mul3A_370 : vector<16xf32>
        %swap3A_372 = arith.index_cast %shift_right_arithmetic3A_206 : i32 to index
        %swap3A_373 = arith.index_cast %add3A_364 : i32 to index
        %swap3A_374 = tpu.vector_load %arg7[%swap3A_372, %swap3A_373] {strides = array<i32>} : memref<16x1024xf32, #tpu.memory_space<vmem>>, vector<1x16xf32>,
        %swap3A_375 = vector.shape_cast %swap3A_374 : vector<1x16xf32> to vector<16xf32>
        %swap3A_376 = vector.shape_cast %mul3A_371 : vector<16xf32> to vector<1x16xf32>
        tpu.vector_store %arg7[%swap3A_372, %swap3A_373], %swap3A_376 {strides = array<i32>} : memref<16x1024xf32, #tpu.memory_space<vmem>>, vector<1x16xf32>,
        %add3A_377 = arith.constant 192 : i32
        %add3A_378 = arith.addi %mul3A_210, %add3A_377 : i32
        %get3A_379 = arith.index_cast %shift_right_arithmetic3A_206 : i32 to index
        %get3A_380 = arith.index_cast %add3A_378 : i32 to index
        %get3A_381 = tpu.vector_load %arg7[%get3A_379, %get3A_380] {strides = array<i32>} : memref<16x1024xf32, #tpu.memory_space<vmem>>, vector<1x16xf32>,
        %get3A_382 = vector.shape_cast %get3A_381 : vector<1x16xf32> to vector<16xf32>
        %mul3A_383 = arith.constant 3.200000e+01 : f32
        %mul3A_384 = vector.broadcast %mul3A_383 : f32 to vector<16xf32>
        %mul3A_385 = arith.mulf %get3A_382, %mul3A_384 : vector<16xf32>
        %swap3A_386 = arith.index_cast %shift_right_arithmetic3A_206 : i32 to index
        %swap3A_387 = arith.index_cast %add3A_378 : i32 to index
        %swap3A_388 = tpu.vector_load %arg7[%swap3A_386, %swap3A_387] {strides = array<i32>} : memref<16x1024xf32, #tpu.memory_space<vmem>>, vector<1x16xf32>,
        %swap3A_389 = vector.shape_cast %swap3A_388 : vector<1x16xf32> to vector<16xf32>
        %swap3A_390 = vector.shape_cast %mul3A_385 : vector<16xf32> to vector<1x16xf32>
        tpu.vector_store %arg7[%swap3A_386, %swap3A_387], %swap3A_390 {strides = array<i32>} : memref<16x1024xf32, #tpu.memory_space<vmem>>, vector<1x16xf32>,
        %add3A_391 = arith.constant 208 : i32
        %add3A_392 = arith.addi %mul3A_210, %add3A_391 : i32
        %get3A_393 = arith.index_cast %shift_right_arithmetic3A_206 : i32 to index
        %get3A_394 = arith.index_cast %add3A_392 : i32 to index
        %get3A_395 = tpu.vector_load %arg7[%get3A_393, %get3A_394] {strides = array<i32>} : memref<16x1024xf32, #tpu.memory_space<vmem>>, vector<1x16xf32>,
        %get3A_396 = vector.shape_cast %get3A_395 : vector<1x16xf32> to vector<16xf32>
        %mul3A_397 = arith.constant 3.200000e+01 : f32
        %mul3A_398 = vector.broadcast %mul3A_397 : f32 to vector<16xf32>
        %mul3A_399 = arith.mulf %get3A_396, %mul3A_398 : vector<16xf32>
        %swap3A_400 = arith.index_cast %shift_right_arithmetic3A_206 : i32 to index
        %swap3A_401 = arith.index_cast %add3A_392 : i32 to index
        %swap3A_402 = tpu.vector_load %arg7[%swap3A_400, %swap3A_401] {strides = array<i32>} : memref<16x1024xf32, #tpu.memory_space<vmem>>, vector<1x16xf32>,
        %swap3A_403 = vector.shape_cast %swap3A_402 : vector<1x16xf32> to vector<16xf32>
        %swap3A_404 = vector.shape_cast %mul3A_399 : vector<16xf32> to vector<1x16xf32>
        tpu.vector_store %arg7[%swap3A_400, %swap3A_401], %swap3A_404 {strides = array<i32>} : memref<16x1024xf32, #tpu.memory_space<vmem>>, vector<1x16xf32>,
        %add3A_405 = arith.constant 224 : i32
        %add3A_406 = arith.addi %mul3A_210, %add3A_405 : i32
        %get3A_407 = arith.index_cast %shift_right_arithmetic3A_206 : i32 to index
        %get3A_408 = arith.index_cast %add3A_406 : i32 to index
        %get3A_409 = tpu.vector_load %arg7[%get3A_407, %get3A_408] {strides = array<i32>} : memref<16x1024xf32, #tpu.memory_space<vmem>>, vector<1x16xf32>,
        %get3A_410 = vector.shape_cast %get3A_409 : vector<1x16xf32> to vector<16xf32>
        %mul3A_411 = arith.constant 3.200000e+01 : f32
        %mul3A_412 = vector.broadcast %mul3A_411 : f32 to vector<16xf32>
        %mul3A_413 = arith.mulf %get3A_410, %mul3A_412 : vector<16xf32>
        %swap3A_414 = arith.index_cast %shift_right_arithmetic3A_206 : i32 to index
        %swap3A_415 = arith.index_cast %add3A_406 : i32 to index
        %swap3A_416 = tpu.vector_load %arg7[%swap3A_414, %swap3A_415] {strides = array<i32>} : memref<16x1024xf32, #tpu.memory_space<vmem>>, vector<1x16xf32>,
        %swap3A_417 = vector.shape_cast %swap3A_416 : vector<1x16xf32> to vector<16xf32>
        %swap3A_418 = vector.shape_cast %mul3A_413 : vector<16xf32> to vector<1x16xf32>
        tpu.vector_store %arg7[%swap3A_414, %swap3A_415], %swap3A_418 {strides = array<i32>} : memref<16x1024xf32, #tpu.memory_space<vmem>>, vector<1x16xf32>,
        %add3A_419 = arith.constant 240 : i32
        %add3A_420 = arith.addi %mul3A_210, %add3A_419 : i32
        %get3A_421 = arith.index_cast %shift_right_arithmetic3A_206 : i32 to index
        %get3A_422 = arith.index_cast %add3A_420 : i32 to index
        %get3A_423 = tpu.vector_load %arg7[%get3A_421, %get3A_422] {strides = array<i32>} : memref<16x1024xf32, #tpu.memory_space<vmem>>, vector<1x16xf32>,
        %get3A_424 = vector.shape_cast %get3A_423 : vector<1x16xf32> to vector<16xf32>
        %mul3A_425 = arith.constant 3.200000e+01 : f32
        %mul3A_426 = vector.broadcast %mul3A_425 : f32 to vector<16xf32>
        %mul3A_427 = arith.mulf %get3A_424, %mul3A_426 : vector<16xf32>
        %swap3A_428 = arith.index_cast %shift_right_arithmetic3A_206 : i32 to index
        %swap3A_429 = arith.index_cast %add3A_420 : i32 to index
        %swap3A_430 = tpu.vector_load %arg7[%swap3A_428, %swap3A_429] {strides = array<i32>} : memref<16x1024xf32, #tpu.memory_space<vmem>>, vector<1x16xf32>,
        %swap3A_431 = vector.shape_cast %swap3A_430 : vector<1x16xf32> to vector<16xf32>
        %swap3A_432 = vector.shape_cast %mul3A_427 : vector<16xf32> to vector<1x16xf32>
        tpu.vector_store %arg7[%swap3A_428, %swap3A_429], %swap3A_432 {strides = array<i32>} : memref<16x1024xf32, #tpu.memory_space<vmem>>, vector<1x16xf32>,
        %add3A_433 = arith.constant 256 : i32
        %add3A_434 = arith.addi %mul3A_210, %add3A_433 : i32
        %get3A_435 = arith.index_cast %shift_right_arithmetic3A_206 : i32 to index
        %get3A_436 = arith.index_cast %add3A_434 : i32 to index
        %get3A_437 = tpu.vector_load %arg7[%get3A_435, %get3A_436] {strides = array<i32>} : memref<16x1024xf32, #tpu.memory_space<vmem>>, vector<1x16xf32>,
        %get3A_438 = vector.shape_cast %get3A_437 : vector<1x16xf32> to vector<16xf32>
        %mul3A_439 = arith.constant 3.200000e+01 : f32
        %mul3A_440 = vector.broadcast %mul3A_439 : f32 to vector<16xf32>
        %mul3A_441 = arith.mulf %get3A_438, %mul3A_440 : vector<16xf32>
        %swap3A_442 = arith.index_cast %shift_right_arithmetic3A_206 : i32 to index
        %swap3A_443 = arith.index_cast %add3A_434 : i32 to index
        %swap3A_444 = tpu.vector_load %arg7[%swap3A_442, %swap3A_443] {strides = array<i32>} : memref<16x1024xf32, #tpu.memory_space<vmem>>, vector<1x16xf32>,
        %swap3A_445 = vector.shape_cast %swap3A_444 : vector<1x16xf32> to vector<16xf32>
        %swap3A_446 = vector.shape_cast %mul3A_441 : vector<16xf32> to vector<1x16xf32>
        tpu.vector_store %arg7[%swap3A_442, %swap3A_443], %swap3A_446 {strides = array<i32>} : memref<16x1024xf32, #tpu.memory_space<vmem>>, vector<1x16xf32>,
        %add3A_447 = arith.constant 272 : i32
        %add3A_448 = arith.addi %mul3A_210, %add3A_447 : i32
        %get3A_449 = arith.index_cast %shift_right_arithmetic3A_206 : i32 to index
        %get3A_450 = arith.index_cast %add3A_448 : i32 to index
        %get3A_451 = tpu.vector_load %arg7[%get3A_449, %get3A_450] {strides = array<i32>} : memref<16x1024xf32, #tpu.memory_space<vmem>>, vector<1x16xf32>,
        %get3A_452 = vector.shape_cast %get3A_451 : vector<1x16xf32> to vector<16xf32>
        %mul3A_453 = arith.constant 3.200000e+01 : f32
        %mul3A_454 = vector.broadcast %mul3A_453 : f32 to vector<16xf32>
        %mul3A_455 = arith.mulf %get3A_452, %mul3A_454 : vector<16xf32>
        %swap3A_456 = arith.index_cast %shift_right_arithmetic3A_206 : i32 to index
        %swap3A_457 = arith.index_cast %add3A_448 : i32 to index
        %swap3A_458 = tpu.vector_load %arg7[%swap3A_456, %swap3A_457] {strides = array<i32>} : memref<16x1024xf32, #tpu.memory_space<vmem>>, vector<1x16xf32>,
        %swap3A_459 = vector.shape_cast %swap3A_458 : vector<1x16xf32> to vector<16xf32>
        %swap3A_460 = vector.shape_cast %mul3A_455 : vector<16xf32> to vector<1x16xf32>
        tpu.vector_store %arg7[%swap3A_456, %swap3A_457], %swap3A_460 {strides = array<i32>} : memref<16x1024xf32, #tpu.memory_space<vmem>>, vector<1x16xf32>,
        %add3A_461 = arith.constant 288 : i32
        %add3A_462 = arith.addi %mul3A_210, %add3A_461 : i32
        %get3A_463 = arith.index_cast %shift_right_arithmetic3A_206 : i32 to index
        %get3A_464 = arith.index_cast %add3A_462 : i32 to index
        %get3A_465 = tpu.vector_load %arg7[%get3A_463, %get3A_464] {strides = array<i32>} : memref<16x1024xf32, #tpu.memory_space<vmem>>, vector<1x16xf32>,
        %get3A_466 = vector.shape_cast %get3A_465 : vector<1x16xf32> to vector<16xf32>
        %mul3A_467 = arith.constant 3.200000e+01 : f32
        %mul3A_468 = vector.broadcast %mul3A_467 : f32 to vector<16xf32>
        %mul3A_469 = arith.mulf %get3A_466, %mul3A_468 : vector<16xf32>
        %swap3A_470 = arith.index_cast %shift_right_arithmetic3A_206 : i32 to index
        %swap3A_471 = arith.index_cast %add3A_462 : i32 to index
        %swap3A_472 = tpu.vector_load %arg7[%swap3A_470, %swap3A_471] {strides = array<i32>} : memref<16x1024xf32, #tpu.memory_space<vmem>>, vector<1x16xf32>,
        %swap3A_473 = vector.shape_cast %swap3A_472 : vector<1x16xf32> to vector<16xf32>
        %swap3A_474 = vector.shape_cast %mul3A_469 : vector<16xf32> to vector<1x16xf32>
        tpu.vector_store %arg7[%swap3A_470, %swap3A_471], %swap3A_474 {strides = array<i32>} : memref<16x1024xf32, #tpu.memory_space<vmem>>, vector<1x16xf32>,
        %add3A_475 = arith.constant 304 : i32
        %add3A_476 = arith.addi %mul3A_210, %add3A_475 : i32
        %get3A_477 = arith.index_cast %shift_right_arithmetic3A_206 : i32 to index
        %get3A_478 = arith.index_cast %add3A_476 : i32 to index
        %get3A_479 = tpu.vector_load %arg7[%get3A_477, %get3A_478] {strides = array<i32>} : memref<16x1024xf32, #tpu.memory_space<vmem>>, vector<1x16xf32>,
        %get3A_480 = vector.shape_cast %get3A_479 : vector<1x16xf32> to vector<16xf32>
        %mul3A_481 = arith.constant 3.200000e+01 : f32
        %mul3A_482 = vector.broadcast %mul3A_481 : f32 to vector<16xf32>
        %mul3A_483 = arith.mulf %get3A_480, %mul3A_482 : vector<16xf32>
        %swap3A_484 = arith.index_cast %shift_right_arithmetic3A_206 : i32 to index
        %swap3A_485 = arith.index_cast %add3A_476 : i32 to index
        %swap3A_486 = tpu.vector_load %arg7[%swap3A_484, %swap3A_485] {strides = array<i32>} : memref<16x1024xf32, #tpu.memory_space<vmem>>, vector<1x16xf32>,
        %swap3A_487 = vector.shape_cast %swap3A_486 : vector<1x16xf32> to vector<16xf32>
        %swap3A_488 = vector.shape_cast %mul3A_483 : vector<16xf32> to vector<1x16xf32>
        tpu.vector_store %arg7[%swap3A_484, %swap3A_485], %swap3A_488 {strides = array<i32>} : memref<16x1024xf32, #tpu.memory_space<vmem>>, vector<1x16xf32>,
        %add3A_489 = arith.constant 320 : i32
        %add3A_490 = arith.addi %mul3A_210, %add3A_489 : i32
        %get3A_491 = arith.index_cast %shift_right_arithmetic3A_206 : i32 to index
        %get3A_492 = arith.index_cast %add3A_490 : i32 to index
        %get3A_493 = tpu.vector_load %arg7[%get3A_491, %get3A_492] {strides = array<i32>} : memref<16x1024xf32, #tpu.memory_space<vmem>>, vector<1x16xf32>,
        %get3A_494 = vector.shape_cast %get3A_493 : vector<1x16xf32> to vector<16xf32>
        %mul3A_495 = arith.constant 3.200000e+01 : f32
        %mul3A_496 = vector.broadcast %mul3A_495 : f32 to vector<16xf32>
        %mul3A_497 = arith.mulf %get3A_494, %mul3A_496 : vector<16xf32>
        %swap3A_498 = arith.index_cast %shift_right_arithmetic3A_206 : i32 to index
        %swap3A_499 = arith.index_cast %add3A_490 : i32 to index
        %swap3A_500 = tpu.vector_load %arg7[%swap3A_498, %swap3A_499] {strides = array<i32>} : memref<16x1024xf32, #tpu.memory_space<vmem>>, vector<1x16xf32>,
        %swap3A_501 = vector.shape_cast %swap3A_500 : vector<1x16xf32> to vector<16xf32>
        %swap3A_502 = vector.shape_cast %mul3A_497 : vector<16xf32> to vector<1x16xf32>
        tpu.vector_store %arg7[%swap3A_498, %swap3A_499], %swap3A_502 {strides = array<i32>} : memref<16x1024xf32, #tpu.memory_space<vmem>>, vector<1x16xf32>,
        %add3A_503 = arith.constant 336 : i32
        %add3A_504 = arith.addi %mul3A_210, %add3A_503 : i32
        %get3A_505 = arith.index_cast %shift_right_arithmetic3A_206 : i32 to index
        %get3A_506 = arith.index_cast %add3A_504 : i32 to index
        %get3A_507 = tpu.vector_load %arg7[%get3A_505, %get3A_506] {strides = array<i32>} : memref<16x1024xf32, #tpu.memory_space<vmem>>, vector<1x16xf32>,
        %get3A_508 = vector.shape_cast %get3A_507 : vector<1x16xf32> to vector<16xf32>
        %mul3A_509 = arith.constant 3.200000e+01 : f32
        %mul3A_510 = vector.broadcast %mul3A_509 : f32 to vector<16xf32>
        %mul3A_511 = arith.mulf %get3A_508, %mul3A_510 : vector<16xf32>
        %swap3A_512 = arith.index_cast %shift_right_arithmetic3A_206 : i32 to index
        %swap3A_513 = arith.index_cast %add3A_504 : i32 to index
        %swap3A_514 = tpu.vector_load %arg7[%swap3A_512, %swap3A_513] {strides = array<i32>} : memref<16x1024xf32, #tpu.memory_space<vmem>>, vector<1x16xf32>,
        %swap3A_515 = vector.shape_cast %swap3A_514 : vector<1x16xf32> to vector<16xf32>
        %swap3A_516 = vector.shape_cast %mul3A_511 : vector<16xf32> to vector<1x16xf32>
        tpu.vector_store %arg7[%swap3A_512, %swap3A_513], %swap3A_516 {strides = array<i32>} : memref<16x1024xf32, #tpu.memory_space<vmem>>, vector<1x16xf32>,
        %add3A_517 = arith.constant 352 : i32
        %add3A_518 = arith.addi %mul3A_210, %add3A_517 : i32
        %get3A_519 = arith.index_cast %shift_right_arithmetic3A_206 : i32 to index
        %get3A_520 = arith.index_cast %add3A_518 : i32 to index
        %get3A_521 = tpu.vector_load %arg7[%get3A_519, %get3A_520] {strides = array<i32>} : memref<16x1024xf32, #tpu.memory_space<vmem>>, vector<1x16xf32>,
        %get3A_522 = vector.shape_cast %get3A_521 : vector<1x16xf32> to vector<16xf32>
        %mul3A_523 = arith.constant 3.200000e+01 : f32
        %mul3A_524 = vector.broadcast %mul3A_523 : f32 to vector<16xf32>
        %mul3A_525 = arith.mulf %get3A_522, %mul3A_524 : vector<16xf32>
        %swap3A_526 = arith.index_cast %shift_right_arithmetic3A_206 : i32 to index
        %swap3A_527 = arith.index_cast %add3A_518 : i32 to index
        %swap3A_528 = tpu.vector_load %arg7[%swap3A_526, %swap3A_527] {strides = array<i32>} : memref<16x1024xf32, #tpu.memory_space<vmem>>, vector<1x16xf32>,
        %swap3A_529 = vector.shape_cast %swap3A_528 : vector<1x16xf32> to vector<16xf32>
        %swap3A_530 = vector.shape_cast %mul3A_525 : vector<16xf32> to vector<1x16xf32>
        tpu.vector_store %arg7[%swap3A_526, %swap3A_527], %swap3A_530 {strides = array<i32>} : memref<16x1024xf32, #tpu.memory_space<vmem>>, vector<1x16xf32>,
        %add3A_531 = arith.constant 368 : i32
        %add3A_532 = arith.addi %mul3A_210, %add3A_531 : i32
        %get3A_533 = arith.index_cast %shift_right_arithmetic3A_206 : i32 to index
        %get3A_534 = arith.index_cast %add3A_532 : i32 to index
        %get3A_535 = tpu.vector_load %arg7[%get3A_533, %get3A_534] {strides = array<i32>} : memref<16x1024xf32, #tpu.memory_space<vmem>>, vector<1x16xf32>,
        %get3A_536 = vector.shape_cast %get3A_535 : vector<1x16xf32> to vector<16xf32>
        %mul3A_537 = arith.constant 3.200000e+01 : f32
        %mul3A_538 = vector.broadcast %mul3A_537 : f32 to vector<16xf32>
        %mul3A_539 = arith.mulf %get3A_536, %mul3A_538 : vector<16xf32>
        %swap3A_540 = arith.index_cast %shift_right_arithmetic3A_206 : i32 to index
        %swap3A_541 = arith.index_cast %add3A_532 : i32 to index
        %swap3A_542 = tpu.vector_load %arg7[%swap3A_540, %swap3A_541] {strides = array<i32>} : memref<16x1024xf32, #tpu.memory_space<vmem>>, vector<1x16xf32>,
        %swap3A_543 = vector.shape_cast %swap3A_542 : vector<1x16xf32> to vector<16xf32>
        %swap3A_544 = vector.shape_cast %mul3A_539 : vector<16xf32> to vector<1x16xf32>
        tpu.vector_store %arg7[%swap3A_540, %swap3A_541], %swap3A_544 {strides = array<i32>} : memref<16x1024xf32, #tpu.memory_space<vmem>>, vector<1x16xf32>,
        %add3A_545 = arith.constant 384 : i32
        %add3A_546 = arith.addi %mul3A_210, %add3A_545 : i32
        %get3A_547 = arith.index_cast %shift_right_arithmetic3A_206 : i32 to index
        %get3A_548 = arith.index_cast %add3A_546 : i32 to index
        %get3A_549 = tpu.vector_load %arg7[%get3A_547, %get3A_548] {strides = array<i32>} : memref<16x1024xf32, #tpu.memory_space<vmem>>, vector<1x16xf32>,
        %get3A_550 = vector.shape_cast %get3A_549 : vector<1x16xf32> to vector<16xf32>
        %mul3A_551 = arith.constant 3.200000e+01 : f32
        %mul3A_552 = vector.broadcast %mul3A_551 : f32 to vector<16xf32>
        %mul3A_553 = arith.mulf %get3A_550, %mul3A_552 : vector<16xf32>
        %swap3A_554 = arith.index_cast %shift_right_arithmetic3A_206 : i32 to index
        %swap3A_555 = arith.index_cast %add3A_546 : i32 to index
        %swap3A_556 = tpu.vector_load %arg7[%swap3A_554, %swap3A_555] {strides = array<i32>} : memref<16x1024xf32, #tpu.memory_space<vmem>>, vector<1x16xf32>,
        %swap3A_557 = vector.shape_cast %swap3A_556 : vector<1x16xf32> to vector<16xf32>
        %swap3A_558 = vector.shape_cast %mul3A_553 : vector<16xf32> to vector<1x16xf32>
        tpu.vector_store %arg7[%swap3A_554, %swap3A_555], %swap3A_558 {strides = array<i32>} : memref<16x1024xf32, #tpu.memory_space<vmem>>, vector<1x16xf32>,
        %add3A_559 = arith.constant 400 : i32
        %add3A_560 = arith.addi %mul3A_210, %add3A_559 : i32
        %get3A_561 = arith.index_cast %shift_right_arithmetic3A_206 : i32 to index
        %get3A_562 = arith.index_cast %add3A_560 : i32 to index
        %get3A_563 = tpu.vector_load %arg7[%get3A_561, %get3A_562] {strides = array<i32>} : memref<16x1024xf32, #tpu.memory_space<vmem>>, vector<1x16xf32>,
        %get3A_564 = vector.shape_cast %get3A_563 : vector<1x16xf32> to vector<16xf32>
        %mul3A_565 = arith.constant 3.200000e+01 : f32
        %mul3A_566 = vector.broadcast %mul3A_565 : f32 to vector<16xf32>
        %mul3A_567 = arith.mulf %get3A_564, %mul3A_566 : vector<16xf32>
        %swap3A_568 = arith.index_cast %shift_right_arithmetic3A_206 : i32 to index
        %swap3A_569 = arith.index_cast %add3A_560 : i32 to index
        %swap3A_570 = tpu.vector_load %arg7[%swap3A_568, %swap3A_569] {strides = array<i32>} : memref<16x1024xf32, #tpu.memory_space<vmem>>, vector<1x16xf32>,
        %swap3A_571 = vector.shape_cast %swap3A_570 : vector<1x16xf32> to vector<16xf32>
        %swap3A_572 = vector.shape_cast %mul3A_567 : vector<16xf32> to vector<1x16xf32>
        tpu.vector_store %arg7[%swap3A_568, %swap3A_569], %swap3A_572 {strides = array<i32>} : memref<16x1024xf32, #tpu.memory_space<vmem>>, vector<1x16xf32>,
        %add3A_573 = arith.constant 416 : i32
        %add3A_574 = arith.addi %mul3A_210, %add3A_573 : i32
        %get3A_575 = arith.index_cast %shift_right_arithmetic3A_206 : i32 to index
        %get3A_576 = arith.index_cast %add3A_574 : i32 to index
        %get3A_577 = tpu.vector_load %arg7[%get3A_575, %get3A_576] {strides = array<i32>} : memref<16x1024xf32, #tpu.memory_space<vmem>>, vector<1x16xf32>,
        %get3A_578 = vector.shape_cast %get3A_577 : vector<1x16xf32> to vector<16xf32>
        %mul3A_579 = arith.constant 3.200000e+01 : f32
        %mul3A_580 = vector.broadcast %mul3A_579 : f32 to vector<16xf32>
        %mul3A_581 = arith.mulf %get3A_578, %mul3A_580 : vector<16xf32>
        %swap3A_582 = arith.index_cast %shift_right_arithmetic3A_206 : i32 to index
        %swap3A_583 = arith.index_cast %add3A_574 : i32 to index
        %swap3A_584 = tpu.vector_load %arg7[%swap3A_582, %swap3A_583] {strides = array<i32>} : memref<16x1024xf32, #tpu.memory_space<vmem>>, vector<1x16xf32>,
        %swap3A_585 = vector.shape_cast %swap3A_584 : vector<1x16xf32> to vector<16xf32>
        %swap3A_586 = vector.shape_cast %mul3A_581 : vector<16xf32> to vector<1x16xf32>
        tpu.vector_store %arg7[%swap3A_582, %swap3A_583], %swap3A_586 {strides = array<i32>} : memref<16x1024xf32, #tpu.memory_space<vmem>>, vector<1x16xf32>,
        %add3A_587 = arith.constant 432 : i32
        %add3A_588 = arith.addi %mul3A_210, %add3A_587 : i32
        %get3A_589 = arith.index_cast %shift_right_arithmetic3A_206 : i32 to index
        %get3A_590 = arith.index_cast %add3A_588 : i32 to index
        %get3A_591 = tpu.vector_load %arg7[%get3A_589, %get3A_590] {strides = array<i32>} : memref<16x1024xf32, #tpu.memory_space<vmem>>, vector<1x16xf32>,
        %get3A_592 = vector.shape_cast %get3A_591 : vector<1x16xf32> to vector<16xf32>
        %mul3A_593 = arith.constant 3.200000e+01 : f32
        %mul3A_594 = vector.broadcast %mul3A_593 : f32 to vector<16xf32>
        %mul3A_595 = arith.mulf %get3A_592, %mul3A_594 : vector<16xf32>
        %swap3A_596 = arith.index_cast %shift_right_arithmetic3A_206 : i32 to index
        %swap3A_597 = arith.index_cast %add3A_588 : i32 to index
        %swap3A_598 = tpu.vector_load %arg7[%swap3A_596, %swap3A_597] {strides = array<i32>} : memref<16x1024xf32, #tpu.memory_space<vmem>>, vector<1x16xf32>,
        %swap3A_599 = vector.shape_cast %swap3A_598 : vector<1x16xf32> to vector<16xf32>
        %swap3A_600 = vector.shape_cast %mul3A_595 : vector<16xf32> to vector<1x16xf32>
        tpu.vector_store %arg7[%swap3A_596, %swap3A_597], %swap3A_600 {strides = array<i32>} : memref<16x1024xf32, #tpu.memory_space<vmem>>, vector<1x16xf32>,
        %add3A_601 = arith.constant 448 : i32
        %add3A_602 = arith.addi %mul3A_210, %add3A_601 : i32
        %get3A_603 = arith.index_cast %shift_right_arithmetic3A_206 : i32 to index
        %get3A_604 = arith.index_cast %add3A_602 : i32 to index
        %get3A_605 = tpu.vector_load %arg7[%get3A_603, %get3A_604] {strides = array<i32>} : memref<16x1024xf32, #tpu.memory_space<vmem>>, vector<1x16xf32>,
        %get3A_606 = vector.shape_cast %get3A_605 : vector<1x16xf32> to vector<16xf32>
        %mul3A_607 = arith.constant 3.200000e+01 : f32
        %mul3A_608 = vector.broadcast %mul3A_607 : f32 to vector<16xf32>
        %mul3A_609 = arith.mulf %get3A_606, %mul3A_608 : vector<16xf32>
        %swap3A_610 = arith.index_cast %shift_right_arithmetic3A_206 : i32 to index
        %swap3A_611 = arith.index_cast %add3A_602 : i32 to index
        %swap3A_612 = tpu.vector_load %arg7[%swap3A_610, %swap3A_611] {strides = array<i32>} : memref<16x1024xf32, #tpu.memory_space<vmem>>, vector<1x16xf32>,
        %swap3A_613 = vector.shape_cast %swap3A_612 : vector<1x16xf32> to vector<16xf32>
        %swap3A_614 = vector.shape_cast %mul3A_609 : vector<16xf32> to vector<1x16xf32>
        tpu.vector_store %arg7[%swap3A_610, %swap3A_611], %swap3A_614 {strides = array<i32>} : memref<16x1024xf32, #tpu.memory_space<vmem>>, vector<1x16xf32>,
        %add3A_615 = arith.constant 464 : i32
        %add3A_616 = arith.addi %mul3A_210, %add3A_615 : i32
        %get3A_617 = arith.index_cast %shift_right_arithmetic3A_206 : i32 to index
        %get3A_618 = arith.index_cast %add3A_616 : i32 to index
        %get3A_619 = tpu.vector_load %arg7[%get3A_617, %get3A_618] {strides = array<i32>} : memref<16x1024xf32, #tpu.memory_space<vmem>>, vector<1x16xf32>,
        %get3A_620 = vector.shape_cast %get3A_619 : vector<1x16xf32> to vector<16xf32>
        %mul3A_621 = arith.constant 3.200000e+01 : f32
        %mul3A_622 = vector.broadcast %mul3A_621 : f32 to vector<16xf32>
        %mul3A_623 = arith.mulf %get3A_620, %mul3A_622 : vector<16xf32>
        %swap3A_624 = arith.index_cast %shift_right_arithmetic3A_206 : i32 to index
        %swap3A_625 = arith.index_cast %add3A_616 : i32 to index
        %swap3A_626 = tpu.vector_load %arg7[%swap3A_624, %swap3A_625] {strides = array<i32>} : memref<16x1024xf32, #tpu.memory_space<vmem>>, vector<1x16xf32>,
        %swap3A_627 = vector.shape_cast %swap3A_626 : vector<1x16xf32> to vector<16xf32>
        %swap3A_628 = vector.shape_cast %mul3A_623 : vector<16xf32> to vector<1x16xf32>
        tpu.vector_store %arg7[%swap3A_624, %swap3A_625], %swap3A_628 {strides = array<i32>} : memref<16x1024xf32, #tpu.memory_space<vmem>>, vector<1x16xf32>,
        %add3A_629 = arith.constant 480 : i32
        %add3A_630 = arith.addi %mul3A_210, %add3A_629 : i32
        %get3A_631 = arith.index_cast %shift_right_arithmetic3A_206 : i32 to index
        %get3A_632 = arith.index_cast %add3A_630 : i32 to index
        %get3A_633 = tpu.vector_load %arg7[%get3A_631, %get3A_632] {strides = array<i32>} : memref<16x1024xf32, #tpu.memory_space<vmem>>, vector<1x16xf32>,
        %get3A_634 = vector.shape_cast %get3A_633 : vector<1x16xf32> to vector<16xf32>
        %mul3A_635 = arith.constant 3.200000e+01 : f32
        %mul3A_636 = vector.broadcast %mul3A_635 : f32 to vector<16xf32>
        %mul3A_637 = arith.mulf %get3A_634, %mul3A_636 : vector<16xf32>
        %swap3A_638 = arith.index_cast %shift_right_arithmetic3A_206 : i32 to index
        %swap3A_639 = arith.index_cast %add3A_630 : i32 to index
        %swap3A_640 = tpu.vector_load %arg7[%swap3A_638, %swap3A_639] {strides = array<i32>} : memref<16x1024xf32, #tpu.memory_space<vmem>>, vector<1x16xf32>,
        %swap3A_641 = vector.shape_cast %swap3A_640 : vector<1x16xf32> to vector<16xf32>
        %swap3A_642 = vector.shape_cast %mul3A_637 : vector<16xf32> to vector<1x16xf32>
        tpu.vector_store %arg7[%swap3A_638, %swap3A_639], %swap3A_642 {strides = array<i32>} : memref<16x1024xf32, #tpu.memory_space<vmem>>, vector<1x16xf32>,
        %add3A_643 = arith.constant 496 : i32
        %add3A_644 = arith.addi %mul3A_210, %add3A_643 : i32
        %get3A_645 = arith.index_cast %shift_right_arithmetic3A_206 : i32 to index
        %get3A_646 = arith.index_cast %add3A_644 : i32 to index
        %get3A_647 = tpu.vector_load %arg7[%get3A_645, %get3A_646] {strides = array<i32>} : memref<16x1024xf32, #tpu.memory_space<vmem>>, vector<1x16xf32>,
        %get3A_648 = vector.shape_cast %get3A_647 : vector<1x16xf32> to vector<16xf32>
        %mul3A_649 = arith.constant 3.200000e+01 : f32
        %mul3A_650 = vector.broadcast %mul3A_649 : f32 to vector<16xf32>
        %mul3A_651 = arith.mulf %get3A_648, %mul3A_650 : vector<16xf32>
        %swap3A_652 = arith.index_cast %shift_right_arithmetic3A_206 : i32 to index
        %swap3A_653 = arith.index_cast %add3A_644 : i32 to index
        %swap3A_654 = tpu.vector_load %arg7[%swap3A_652, %swap3A_653] {strides = array<i32>} : memref<16x1024xf32, #tpu.memory_space<vmem>>, vector<1x16xf32>,
        %swap3A_655 = vector.shape_cast %swap3A_654 : vector<1x16xf32> to vector<16xf32>
        %swap3A_656 = vector.shape_cast %mul3A_651 : vector<16xf32> to vector<1x16xf32>
        tpu.vector_store %arg7[%swap3A_652, %swap3A_653], %swap3A_656 {strides = array<i32>} : memref<16x1024xf32, #tpu.memory_space<vmem>>, vector<1x16xf32>,
      }
      %scan3A_131 = arith.constant 32 : i32
      %mul3A_132 = arith.constant 16 : i32
      %mul3A_133 = arith.muli %add3A_112, %mul3A_132 : i32
      %add3A_134 = arith.addi %mul3A_32, %mul3A_133 : i32
      %dma_start3A_135 = arith.constant 0 : i32
      %dma_start3A_136 = tpu.memref_slice %arg4[%select_n3A, %add3A_134, %dma_start3A_135] : memref<4x4096x1024xf32, #tpu.memory_space<hbm>> -> memref<1x16x1024xf32, #tpu.memory_space<hbm>>
      %dma_start3A_137 = tpu.memref_squeeze %dma_start3A_136 : memref<1x16x1024xf32, #tpu.memory_space<hbm>> -> memref<16x1024xf32, #tpu.memory_space<hbm>>
      %dma_start3A_138 = arith.constant 0 : i32
      %dma_start3A_139 = tpu.memref_slice %arg4[%select_n3A, %add3A_134, %dma_start3A_138] : memref<4x4096x1024xf32, #tpu.memory_space<hbm>> -> memref<1x16x1024xf32, #tpu.memory_space<hbm>>
      %dma_start3A_140 = tpu.memref_squeeze %dma_start3A_139 : memref<1x16x1024xf32, #tpu.memory_space<hbm>> -> memref<16x1024xf32, #tpu.memory_space<hbm>>
      tpu.enqueue_dma source(%arg7 : memref<16x1024xf32, #tpu.memory_space<vmem>>) target(%dma_start3A_140 : memref<16x1024xf32, #tpu.memory_space<hbm>>) target_semaphore(%arg15 : memref<!tpu.dma_semaphore, #tpu.memory_space<semaphore_mem>>)
      %mul3A_141 = arith.constant 4 : i32
      %mul3A_142 = arith.muli %scan3A_78, %mul3A_141 : i32
      %add3A_143 = arith.constant 2 : i32
      %add3A_144 = arith.addi %mul3A_142, %add3A_143 : i32
      %add3A_145 = arith.constant 2 : i32
      %add3A_146 = arith.addi %add3A_144, %add3A_145 : i32
      %lt3A_147 = arith.constant 32 : i32
      %lt3A_148 = arith.cmpi slt, %add3A_146, %lt3A_147 : i32
      %convert_element_type3A_149 = arith.extui %lt3A_148 : i1 to i32
      %cond3A_150 = arith.constant 0 : i32
      %cond3A_151 = arith.cmpi ne, %convert_element_type3A_149, %cond3A_150 : i32
      scf.if %cond3A_151 {
        %ge3A = arith.constant 4 : i32
        %ge3A_205 = arith.cmpi sge, %add3A_146, %ge3A : i32
        %convert_element_type3A_206 = arith.extui %ge3A_205 : i1 to i32
        %cond3A_207 = arith.constant 0 : i32
        %cond3A_208 = arith.cmpi ne, %convert_element_type3A_206, %cond3A_207 : i32
        scf.if %cond3A_208 {
          %sub3A_215 = arith.constant 4 : i32
          %sub3A_216 = arith.subi %add3A_146, %sub3A_215 : i32
          %mul3A_217 = arith.constant 16 : i32
          %mul3A_218 = arith.muli %sub3A_216, %mul3A_217 : i32
          %add3A_219 = arith.addi %mul3A_32, %mul3A_218 : i32
          %dma_wait3A_220 = arith.constant 0 : i32
          %dma_wait3A_221 = tpu.memref_slice %arg4[%select_n3A, %add3A_219, %dma_wait3A_220] : memref<4x4096x1024xf32, #tpu.memory_space<hbm>> -> memref<1x16x1024xf32, #tpu.memory_space<hbm>>
          %dma_wait3A_222 = tpu.memref_squeeze %dma_wait3A_221 : memref<1x16x1024xf32, #tpu.memory_space<hbm>> -> memref<16x1024xf32, #tpu.memory_space<hbm>>
          %dma_wait3A_223 = arith.constant 0 : i32
          %dma_wait3A_224 = tpu.memref_slice %arg4[%select_n3A, %add3A_219, %dma_wait3A_223] : memref<4x4096x1024xf32, #tpu.memory_space<hbm>> -> memref<1x16x1024xf32, #tpu.memory_space<hbm>>
          %dma_wait3A_225 = tpu.memref_squeeze %dma_wait3A_224 : memref<1x16x1024xf32, #tpu.memory_space<hbm>> -> memref<16x1024xf32, #tpu.memory_space<hbm>>
          tpu.wait_dma2 semaphore(%arg14 : memref<!tpu.dma_semaphore, #tpu.memory_space<semaphore_mem>>) src(%arg6 : memref<16x1024xf32, #tpu.memory_space<vmem>>) dst(%dma_wait3A_225 : memref<16x1024xf32, #tpu.memory_space<hbm>>)
        } else {
        }
        %mul3A_209 = arith.constant 16 : i32
        %mul3A_210 = arith.muli %add3A_146, %mul3A_209 : i32
        %dma_start3A_211 = tpu.memref_slice %arg5[%mul3A_210] : memref<512xi32, #tpu.memory_space<vmem>> -> memref<16xi32, #tpu.memory_space<vmem>>
        %dma_start3A_212 = arith.constant 0 : i32
        %dma_start3A_213 = arith.constant 0 : i32
        %dma_start3A_214 = tpu.memref_slice %arg3[%dma_start3A_212, %dma_start3A_213] : memref<100000x1024xf32, #tpu.memory_space<hbm>> -> memref<100000x1024xf32, #tpu.memory_space<hbm>>
        tpu.enqueue_indirect_dma source(%dma_start3A_214 : memref<100000x1024xf32, #tpu.memory_space<hbm>>) target(%arg6 : memref<16x1024xf32, #tpu.memory_space<vmem>>) offsets(%dma_start3A_211 : memref<16xi32, #tpu.memory_space<vmem>>) semaphore(%arg10 : memref<!tpu.dma_semaphore, #tpu.memory_space<semaphore_mem>>)
      } else {
      }
      %mul3A_152 = arith.constant 16 : i32
      %mul3A_153 = arith.muli %add3A_144, %mul3A_152 : i32
      %dma_wait3A_154 = tpu.memref_slice %arg5[%mul3A_153] : memref<512xi32, #tpu.memory_space<vmem>> -> memref<16xi32, #tpu.memory_space<vmem>>
      %dma_wait3A_155 = arith.constant 0 : i32
      %dma_wait3A_156 = arith.constant 0 : i32
      %dma_wait3A_157 = tpu.memref_slice %arg3[%dma_wait3A_155, %dma_wait3A_156] : memref<100000x1024xf32, #tpu.memory_space<hbm>> -> memref<100000x1024xf32, #tpu.memory_space<hbm>>
      tpu.wait_indirect_dma semaphore(%arg12 : memref<!tpu.dma_semaphore, #tpu.memory_space<semaphore_mem>>) src(%dma_wait3A_157 : memref<100000x1024xf32, #tpu.memory_space<hbm>>) dst(%arg8 : memref<16x1024xf32, #tpu.memory_space<vmem>>)
      %scan3A_158 = arith.constant 0 : i32
      %scan3A_159 = arith.constant 0 : i32
      %scan3A_160 = arith.constant 32 : i32
      %scan3A_161 = arith.addi %scan3A_159, %scan3A_160 : i32
      %scan3A_162 = arith.constant 1 : i32
      scf.for %scan3A_205 = %scan3A_159 to %scan3A_161 step %scan3A_162  : i32 {
        %shift_right_arithmetic3A = arith.constant 1 : i32
        %shift_right_arithmetic3A_206 = arith.shrsi %scan3A_205, %shift_right_arithmetic3A : i32
        %and3A_207 = arith.constant 1 : i32
        %and3A_208 = arith.andi %scan3A_205, %and3A_207 : i32
        %mul3A_209 = arith.constant 512 : i32
        %mul3A_210 = arith.muli %and3A_208, %mul3A_209 : i32
        %add3A_211 = arith.constant 0 : i32
        %add3A_212 = arith.addi %mul3A_210, %add3A_211 : i32
        %get3A = arith.index_cast %shift_right_arithmetic3A_206 : i32 to index
        %get3A_213 = arith.index_cast %add3A_212 : i32 to index
        %get3A_214 = tpu.vector_load %arg8[%get3A, %get3A_213] {strides = array<i32>} : memref<16x1024xf32, #tpu.memory_space<vmem>>, vector<1x16xf32>,
        %get3A_215 = vector.shape_cast %get3A_214 : vector<1x16xf32> to vector<16xf32>
        %mul3A_216 = arith.constant 3.200000e+01 : f32
        %mul3A_217 = vector.broadcast %mul3A_216 : f32 to vector<16xf32>
        %mul3A_218 = arith.mulf %get3A_215, %mul3A_217 : vector<16xf32>
        %swap3A = arith.index_cast %shift_right_arithmetic3A_206 : i32 to index
        %swap3A_219 = arith.index_cast %add3A_212 : i32 to index
        %swap3A_220 = tpu.vector_load %arg8[%swap3A, %swap3A_219] {strides = array<i32>} : memref<16x1024xf32, #tpu.memory_space<vmem>>, vector<1x16xf32>,
        %swap3A_221 = vector.shape_cast %swap3A_220 : vector<1x16xf32> to vector<16xf32>
        %swap3A_222 = vector.shape_cast %mul3A_218 : vector<16xf32> to vector<1x16xf32>
        tpu.vector_store %arg8[%swap3A, %swap3A_219], %swap3A_222 {strides = array<i32>} : memref<16x1024xf32, #tpu.memory_space<vmem>>, vector<1x16xf32>,
        %add3A_223 = arith.constant 16 : i32
        %add3A_224 = arith.addi %mul3A_210, %add3A_223 : i32
        %get3A_225 = arith.index_cast %shift_right_arithmetic3A_206 : i32 to index
        %get3A_226 = arith.index_cast %add3A_224 : i32 to index
        %get3A_227 = tpu.vector_load %arg8[%get3A_225, %get3A_226] {strides = array<i32>} : memref<16x1024xf32, #tpu.memory_space<vmem>>, vector<1x16xf32>,
        %get3A_228 = vector.shape_cast %get3A_227 : vector<1x16xf32> to vector<16xf32>
        %mul3A_229 = arith.constant 3.200000e+01 : f32
        %mul3A_230 = vector.broadcast %mul3A_229 : f32 to vector<16xf32>
        %mul3A_231 = arith.mulf %get3A_228, %mul3A_230 : vector<16xf32>
        %swap3A_232 = arith.index_cast %shift_right_arithmetic3A_206 : i32 to index
        %swap3A_233 = arith.index_cast %add3A_224 : i32 to index
        %swap3A_234 = tpu.vector_load %arg8[%swap3A_232, %swap3A_233] {strides = array<i32>} : memref<16x1024xf32, #tpu.memory_space<vmem>>, vector<1x16xf32>,
        %swap3A_235 = vector.shape_cast %swap3A_234 : vector<1x16xf32> to vector<16xf32>
        %swap3A_236 = vector.shape_cast %mul3A_231 : vector<16xf32> to vector<1x16xf32>
        tpu.vector_store %arg8[%swap3A_232, %swap3A_233], %swap3A_236 {strides = array<i32>} : memref<16x1024xf32, #tpu.memory_space<vmem>>, vector<1x16xf32>,
        %add3A_237 = arith.constant 32 : i32
        %add3A_238 = arith.addi %mul3A_210, %add3A_237 : i32
        %get3A_239 = arith.index_cast %shift_right_arithmetic3A_206 : i32 to index
        %get3A_240 = arith.index_cast %add3A_238 : i32 to index
        %get3A_241 = tpu.vector_load %arg8[%get3A_239, %get3A_240] {strides = array<i32>} : memref<16x1024xf32, #tpu.memory_space<vmem>>, vector<1x16xf32>,
        %get3A_242 = vector.shape_cast %get3A_241 : vector<1x16xf32> to vector<16xf32>
        %mul3A_243 = arith.constant 3.200000e+01 : f32
        %mul3A_244 = vector.broadcast %mul3A_243 : f32 to vector<16xf32>
        %mul3A_245 = arith.mulf %get3A_242, %mul3A_244 : vector<16xf32>
        %swap3A_246 = arith.index_cast %shift_right_arithmetic3A_206 : i32 to index
        %swap3A_247 = arith.index_cast %add3A_238 : i32 to index
        %swap3A_248 = tpu.vector_load %arg8[%swap3A_246, %swap3A_247] {strides = array<i32>} : memref<16x1024xf32, #tpu.memory_space<vmem>>, vector<1x16xf32>,
        %swap3A_249 = vector.shape_cast %swap3A_248 : vector<1x16xf32> to vector<16xf32>
        %swap3A_250 = vector.shape_cast %mul3A_245 : vector<16xf32> to vector<1x16xf32>
        tpu.vector_store %arg8[%swap3A_246, %swap3A_247], %swap3A_250 {strides = array<i32>} : memref<16x1024xf32, #tpu.memory_space<vmem>>, vector<1x16xf32>,
        %add3A_251 = arith.constant 48 : i32
        %add3A_252 = arith.addi %mul3A_210, %add3A_251 : i32
        %get3A_253 = arith.index_cast %shift_right_arithmetic3A_206 : i32 to index
        %get3A_254 = arith.index_cast %add3A_252 : i32 to index
        %get3A_255 = tpu.vector_load %arg8[%get3A_253, %get3A_254] {strides = array<i32>} : memref<16x1024xf32, #tpu.memory_space<vmem>>, vector<1x16xf32>,
        %get3A_256 = vector.shape_cast %get3A_255 : vector<1x16xf32> to vector<16xf32>
        %mul3A_257 = arith.constant 3.200000e+01 : f32
        %mul3A_258 = vector.broadcast %mul3A_257 : f32 to vector<16xf32>
        %mul3A_259 = arith.mulf %get3A_256, %mul3A_258 : vector<16xf32>
        %swap3A_260 = arith.index_cast %shift_right_arithmetic3A_206 : i32 to index
        %swap3A_261 = arith.index_cast %add3A_252 : i32 to index
        %swap3A_262 = tpu.vector_load %arg8[%swap3A_260, %swap3A_261] {strides = array<i32>} : memref<16x1024xf32, #tpu.memory_space<vmem>>, vector<1x16xf32>,
        %swap3A_263 = vector.shape_cast %swap3A_262 : vector<1x16xf32> to vector<16xf32>
        %swap3A_264 = vector.shape_cast %mul3A_259 : vector<16xf32> to vector<1x16xf32>
        tpu.vector_store %arg8[%swap3A_260, %swap3A_261], %swap3A_264 {strides = array<i32>} : memref<16x1024xf32, #tpu.memory_space<vmem>>, vector<1x16xf32>,
        %add3A_265 = arith.constant 64 : i32
        %add3A_266 = arith.addi %mul3A_210, %add3A_265 : i32
        %get3A_267 = arith.index_cast %shift_right_arithmetic3A_206 : i32 to index
        %get3A_268 = arith.index_cast %add3A_266 : i32 to index
        %get3A_269 = tpu.vector_load %arg8[%get3A_267, %get3A_268] {strides = array<i32>} : memref<16x1024xf32, #tpu.memory_space<vmem>>, vector<1x16xf32>,
        %get3A_270 = vector.shape_cast %get3A_269 : vector<1x16xf32> to vector<16xf32>
        %mul3A_271 = arith.constant 3.200000e+01 : f32
        %mul3A_272 = vector.broadcast %mul3A_271 : f32 to vector<16xf32>
        %mul3A_273 = arith.mulf %get3A_270, %mul3A_272 : vector<16xf32>
        %swap3A_274 = arith.index_cast %shift_right_arithmetic3A_206 : i32 to index
        %swap3A_275 = arith.index_cast %add3A_266 : i32 to index
        %swap3A_276 = tpu.vector_load %arg8[%swap3A_274, %swap3A_275] {strides = array<i32>} : memref<16x1024xf32, #tpu.memory_space<vmem>>, vector<1x16xf32>,
        %swap3A_277 = vector.shape_cast %swap3A_276 : vector<1x16xf32> to vector<16xf32>
        %swap3A_278 = vector.shape_cast %mul3A_273 : vector<16xf32> to vector<1x16xf32>
        tpu.vector_store %arg8[%swap3A_274, %swap3A_275], %swap3A_278 {strides = array<i32>} : memref<16x1024xf32, #tpu.memory_space<vmem>>, vector<1x16xf32>,
        %add3A_279 = arith.constant 80 : i32
        %add3A_280 = arith.addi %mul3A_210, %add3A_279 : i32
        %get3A_281 = arith.index_cast %shift_right_arithmetic3A_206 : i32 to index
        %get3A_282 = arith.index_cast %add3A_280 : i32 to index
        %get3A_283 = tpu.vector_load %arg8[%get3A_281, %get3A_282] {strides = array<i32>} : memref<16x1024xf32, #tpu.memory_space<vmem>>, vector<1x16xf32>,
        %get3A_284 = vector.shape_cast %get3A_283 : vector<1x16xf32> to vector<16xf32>
        %mul3A_285 = arith.constant 3.200000e+01 : f32
        %mul3A_286 = vector.broadcast %mul3A_285 : f32 to vector<16xf32>
        %mul3A_287 = arith.mulf %get3A_284, %mul3A_286 : vector<16xf32>
        %swap3A_288 = arith.index_cast %shift_right_arithmetic3A_206 : i32 to index
        %swap3A_289 = arith.index_cast %add3A_280 : i32 to index
        %swap3A_290 = tpu.vector_load %arg8[%swap3A_288, %swap3A_289] {strides = array<i32>} : memref<16x1024xf32, #tpu.memory_space<vmem>>, vector<1x16xf32>,
        %swap3A_291 = vector.shape_cast %swap3A_290 : vector<1x16xf32> to vector<16xf32>
        %swap3A_292 = vector.shape_cast %mul3A_287 : vector<16xf32> to vector<1x16xf32>
        tpu.vector_store %arg8[%swap3A_288, %swap3A_289], %swap3A_292 {strides = array<i32>} : memref<16x1024xf32, #tpu.memory_space<vmem>>, vector<1x16xf32>,
        %add3A_293 = arith.constant 96 : i32
        %add3A_294 = arith.addi %mul3A_210, %add3A_293 : i32
        %get3A_295 = arith.index_cast %shift_right_arithmetic3A_206 : i32 to index
        %get3A_296 = arith.index_cast %add3A_294 : i32 to index
        %get3A_297 = tpu.vector_load %arg8[%get3A_295, %get3A_296] {strides = array<i32>} : memref<16x1024xf32, #tpu.memory_space<vmem>>, vector<1x16xf32>,
        %get3A_298 = vector.shape_cast %get3A_297 : vector<1x16xf32> to vector<16xf32>
        %mul3A_299 = arith.constant 3.200000e+01 : f32
        %mul3A_300 = vector.broadcast %mul3A_299 : f32 to vector<16xf32>
        %mul3A_301 = arith.mulf %get3A_298, %mul3A_300 : vector<16xf32>
        %swap3A_302 = arith.index_cast %shift_right_arithmetic3A_206 : i32 to index
        %swap3A_303 = arith.index_cast %add3A_294 : i32 to index
        %swap3A_304 = tpu.vector_load %arg8[%swap3A_302, %swap3A_303] {strides = array<i32>} : memref<16x1024xf32, #tpu.memory_space<vmem>>, vector<1x16xf32>,
        %swap3A_305 = vector.shape_cast %swap3A_304 : vector<1x16xf32> to vector<16xf32>
        %swap3A_306 = vector.shape_cast %mul3A_301 : vector<16xf32> to vector<1x16xf32>
        tpu.vector_store %arg8[%swap3A_302, %swap3A_303], %swap3A_306 {strides = array<i32>} : memref<16x1024xf32, #tpu.memory_space<vmem>>, vector<1x16xf32>,
        %add3A_307 = arith.constant 112 : i32
        %add3A_308 = arith.addi %mul3A_210, %add3A_307 : i32
        %get3A_309 = arith.index_cast %shift_right_arithmetic3A_206 : i32 to index
        %get3A_310 = arith.index_cast %add3A_308 : i32 to index
        %get3A_311 = tpu.vector_load %arg8[%get3A_309, %get3A_310] {strides = array<i32>} : memref<16x1024xf32, #tpu.memory_space<vmem>>, vector<1x16xf32>,
        %get3A_312 = vector.shape_cast %get3A_311 : vector<1x16xf32> to vector<16xf32>
        %mul3A_313 = arith.constant 3.200000e+01 : f32
        %mul3A_314 = vector.broadcast %mul3A_313 : f32 to vector<16xf32>
        %mul3A_315 = arith.mulf %get3A_312, %mul3A_314 : vector<16xf32>
        %swap3A_316 = arith.index_cast %shift_right_arithmetic3A_206 : i32 to index
        %swap3A_317 = arith.index_cast %add3A_308 : i32 to index
        %swap3A_318 = tpu.vector_load %arg8[%swap3A_316, %swap3A_317] {strides = array<i32>} : memref<16x1024xf32, #tpu.memory_space<vmem>>, vector<1x16xf32>,
        %swap3A_319 = vector.shape_cast %swap3A_318 : vector<1x16xf32> to vector<16xf32>
        %swap3A_320 = vector.shape_cast %mul3A_315 : vector<16xf32> to vector<1x16xf32>
        tpu.vector_store %arg8[%swap3A_316, %swap3A_317], %swap3A_320 {strides = array<i32>} : memref<16x1024xf32, #tpu.memory_space<vmem>>, vector<1x16xf32>,
        %add3A_321 = arith.constant 128 : i32
        %add3A_322 = arith.addi %mul3A_210, %add3A_321 : i32
        %get3A_323 = arith.index_cast %shift_right_arithmetic3A_206 : i32 to index
        %get3A_324 = arith.index_cast %add3A_322 : i32 to index
        %get3A_325 = tpu.vector_load %arg8[%get3A_323, %get3A_324] {strides = array<i32>} : memref<16x1024xf32, #tpu.memory_space<vmem>>, vector<1x16xf32>,
        %get3A_326 = vector.shape_cast %get3A_325 : vector<1x16xf32> to vector<16xf32>
        %mul3A_327 = arith.constant 3.200000e+01 : f32
        %mul3A_328 = vector.broadcast %mul3A_327 : f32 to vector<16xf32>
        %mul3A_329 = arith.mulf %get3A_326, %mul3A_328 : vector<16xf32>
        %swap3A_330 = arith.index_cast %shift_right_arithmetic3A_206 : i32 to index
        %swap3A_331 = arith.index_cast %add3A_322 : i32 to index
        %swap3A_332 = tpu.vector_load %arg8[%swap3A_330, %swap3A_331] {strides = array<i32>} : memref<16x1024xf32, #tpu.memory_space<vmem>>, vector<1x16xf32>,
        %swap3A_333 = vector.shape_cast %swap3A_332 : vector<1x16xf32> to vector<16xf32>
        %swap3A_334 = vector.shape_cast %mul3A_329 : vector<16xf32> to vector<1x16xf32>
        tpu.vector_store %arg8[%swap3A_330, %swap3A_331], %swap3A_334 {strides = array<i32>} : memref<16x1024xf32, #tpu.memory_space<vmem>>, vector<1x16xf32>,
        %add3A_335 = arith.constant 144 : i32
        %add3A_336 = arith.addi %mul3A_210, %add3A_335 : i32
        %get3A_337 = arith.index_cast %shift_right_arithmetic3A_206 : i32 to index
        %get3A_338 = arith.index_cast %add3A_336 : i32 to index
        %get3A_339 = tpu.vector_load %arg8[%get3A_337, %get3A_338] {strides = array<i32>} : memref<16x1024xf32, #tpu.memory_space<vmem>>, vector<1x16xf32>,
        %get3A_340 = vector.shape_cast %get3A_339 : vector<1x16xf32> to vector<16xf32>
        %mul3A_341 = arith.constant 3.200000e+01 : f32
        %mul3A_342 = vector.broadcast %mul3A_341 : f32 to vector<16xf32>
        %mul3A_343 = arith.mulf %get3A_340, %mul3A_342 : vector<16xf32>
        %swap3A_344 = arith.index_cast %shift_right_arithmetic3A_206 : i32 to index
        %swap3A_345 = arith.index_cast %add3A_336 : i32 to index
        %swap3A_346 = tpu.vector_load %arg8[%swap3A_344, %swap3A_345] {strides = array<i32>} : memref<16x1024xf32, #tpu.memory_space<vmem>>, vector<1x16xf32>,
        %swap3A_347 = vector.shape_cast %swap3A_346 : vector<1x16xf32> to vector<16xf32>
        %swap3A_348 = vector.shape_cast %mul3A_343 : vector<16xf32> to vector<1x16xf32>
        tpu.vector_store %arg8[%swap3A_344, %swap3A_345], %swap3A_348 {strides = array<i32>} : memref<16x1024xf32, #tpu.memory_space<vmem>>, vector<1x16xf32>,
        %add3A_349 = arith.constant 160 : i32
        %add3A_350 = arith.addi %mul3A_210, %add3A_349 : i32
        %get3A_351 = arith.index_cast %shift_right_arithmetic3A_206 : i32 to index
        %get3A_352 = arith.index_cast %add3A_350 : i32 to index
        %get3A_353 = tpu.vector_load %arg8[%get3A_351, %get3A_352] {strides = array<i32>} : memref<16x1024xf32, #tpu.memory_space<vmem>>, vector<1x16xf32>,
        %get3A_354 = vector.shape_cast %get3A_353 : vector<1x16xf32> to vector<16xf32>
        %mul3A_355 = arith.constant 3.200000e+01 : f32
        %mul3A_356 = vector.broadcast %mul3A_355 : f32 to vector<16xf32>
        %mul3A_357 = arith.mulf %get3A_354, %mul3A_356 : vector<16xf32>
        %swap3A_358 = arith.index_cast %shift_right_arithmetic3A_206 : i32 to index
        %swap3A_359 = arith.index_cast %add3A_350 : i32 to index
        %swap3A_360 = tpu.vector_load %arg8[%swap3A_358, %swap3A_359] {strides = array<i32>} : memref<16x1024xf32, #tpu.memory_space<vmem>>, vector<1x16xf32>,
        %swap3A_361 = vector.shape_cast %swap3A_360 : vector<1x16xf32> to vector<16xf32>
        %swap3A_362 = vector.shape_cast %mul3A_357 : vector<16xf32> to vector<1x16xf32>
        tpu.vector_store %arg8[%swap3A_358, %swap3A_359], %swap3A_362 {strides = array<i32>} : memref<16x1024xf32, #tpu.memory_space<vmem>>, vector<1x16xf32>,
        %add3A_363 = arith.constant 176 : i32
        %add3A_364 = arith.addi %mul3A_210, %add3A_363 : i32
        %get3A_365 = arith.index_cast %shift_right_arithmetic3A_206 : i32 to index
        %get3A_366 = arith.index_cast %add3A_364 : i32 to index
        %get3A_367 = tpu.vector_load %arg8[%get3A_365, %get3A_366] {strides = array<i32>} : memref<16x1024xf32, #tpu.memory_space<vmem>>, vector<1x16xf32>,
        %get3A_368 = vector.shape_cast %get3A_367 : vector<1x16xf32> to vector<16xf32>
        %mul3A_369 = arith.constant 3.200000e+01 : f32
        %mul3A_370 = vector.broadcast %mul3A_369 : f32 to vector<16xf32>
        %mul3A_371 = arith.mulf %get3A_368, %mul3A_370 : vector<16xf32>
        %swap3A_372 = arith.index_cast %shift_right_arithmetic3A_206 : i32 to index
        %swap3A_373 = arith.index_cast %add3A_364 : i32 to index
        %swap3A_374 = tpu.vector_load %arg8[%swap3A_372, %swap3A_373] {strides = array<i32>} : memref<16x1024xf32, #tpu.memory_space<vmem>>, vector<1x16xf32>,
        %swap3A_375 = vector.shape_cast %swap3A_374 : vector<1x16xf32> to vector<16xf32>
        %swap3A_376 = vector.shape_cast %mul3A_371 : vector<16xf32> to vector<1x16xf32>
        tpu.vector_store %arg8[%swap3A_372, %swap3A_373], %swap3A_376 {strides = array<i32>} : memref<16x1024xf32, #tpu.memory_space<vmem>>, vector<1x16xf32>,
        %add3A_377 = arith.constant 192 : i32
        %add3A_378 = arith.addi %mul3A_210, %add3A_377 : i32
        %get3A_379 = arith.index_cast %shift_right_arithmetic3A_206 : i32 to index
        %get3A_380 = arith.index_cast %add3A_378 : i32 to index
        %get3A_381 = tpu.vector_load %arg8[%get3A_379, %get3A_380] {strides = array<i32>} : memref<16x1024xf32, #tpu.memory_space<vmem>>, vector<1x16xf32>,
        %get3A_382 = vector.shape_cast %get3A_381 : vector<1x16xf32> to vector<16xf32>
        %mul3A_383 = arith.constant 3.200000e+01 : f32
        %mul3A_384 = vector.broadcast %mul3A_383 : f32 to vector<16xf32>
        %mul3A_385 = arith.mulf %get3A_382, %mul3A_384 : vector<16xf32>
        %swap3A_386 = arith.index_cast %shift_right_arithmetic3A_206 : i32 to index
        %swap3A_387 = arith.index_cast %add3A_378 : i32 to index
        %swap3A_388 = tpu.vector_load %arg8[%swap3A_386, %swap3A_387] {strides = array<i32>} : memref<16x1024xf32, #tpu.memory_space<vmem>>, vector<1x16xf32>,
        %swap3A_389 = vector.shape_cast %swap3A_388 : vector<1x16xf32> to vector<16xf32>
        %swap3A_390 = vector.shape_cast %mul3A_385 : vector<16xf32> to vector<1x16xf32>
        tpu.vector_store %arg8[%swap3A_386, %swap3A_387], %swap3A_390 {strides = array<i32>} : memref<16x1024xf32, #tpu.memory_space<vmem>>, vector<1x16xf32>,
        %add3A_391 = arith.constant 208 : i32
        %add3A_392 = arith.addi %mul3A_210, %add3A_391 : i32
        %get3A_393 = arith.index_cast %shift_right_arithmetic3A_206 : i32 to index
        %get3A_394 = arith.index_cast %add3A_392 : i32 to index
        %get3A_395 = tpu.vector_load %arg8[%get3A_393, %get3A_394] {strides = array<i32>} : memref<16x1024xf32, #tpu.memory_space<vmem>>, vector<1x16xf32>,
        %get3A_396 = vector.shape_cast %get3A_395 : vector<1x16xf32> to vector<16xf32>
        %mul3A_397 = arith.constant 3.200000e+01 : f32
        %mul3A_398 = vector.broadcast %mul3A_397 : f32 to vector<16xf32>
        %mul3A_399 = arith.mulf %get3A_396, %mul3A_398 : vector<16xf32>
        %swap3A_400 = arith.index_cast %shift_right_arithmetic3A_206 : i32 to index
        %swap3A_401 = arith.index_cast %add3A_392 : i32 to index
        %swap3A_402 = tpu.vector_load %arg8[%swap3A_400, %swap3A_401] {strides = array<i32>} : memref<16x1024xf32, #tpu.memory_space<vmem>>, vector<1x16xf32>,
        %swap3A_403 = vector.shape_cast %swap3A_402 : vector<1x16xf32> to vector<16xf32>
        %swap3A_404 = vector.shape_cast %mul3A_399 : vector<16xf32> to vector<1x16xf32>
        tpu.vector_store %arg8[%swap3A_400, %swap3A_401], %swap3A_404 {strides = array<i32>} : memref<16x1024xf32, #tpu.memory_space<vmem>>, vector<1x16xf32>,
        %add3A_405 = arith.constant 224 : i32
        %add3A_406 = arith.addi %mul3A_210, %add3A_405 : i32
        %get3A_407 = arith.index_cast %shift_right_arithmetic3A_206 : i32 to index
        %get3A_408 = arith.index_cast %add3A_406 : i32 to index
        %get3A_409 = tpu.vector_load %arg8[%get3A_407, %get3A_408] {strides = array<i32>} : memref<16x1024xf32, #tpu.memory_space<vmem>>, vector<1x16xf32>,
        %get3A_410 = vector.shape_cast %get3A_409 : vector<1x16xf32> to vector<16xf32>
        %mul3A_411 = arith.constant 3.200000e+01 : f32
        %mul3A_412 = vector.broadcast %mul3A_411 : f32 to vector<16xf32>
        %mul3A_413 = arith.mulf %get3A_410, %mul3A_412 : vector<16xf32>
        %swap3A_414 = arith.index_cast %shift_right_arithmetic3A_206 : i32 to index
        %swap3A_415 = arith.index_cast %add3A_406 : i32 to index
        %swap3A_416 = tpu.vector_load %arg8[%swap3A_414, %swap3A_415] {strides = array<i32>} : memref<16x1024xf32, #tpu.memory_space<vmem>>, vector<1x16xf32>,
        %swap3A_417 = vector.shape_cast %swap3A_416 : vector<1x16xf32> to vector<16xf32>
        %swap3A_418 = vector.shape_cast %mul3A_413 : vector<16xf32> to vector<1x16xf32>
        tpu.vector_store %arg8[%swap3A_414, %swap3A_415], %swap3A_418 {strides = array<i32>} : memref<16x1024xf32, #tpu.memory_space<vmem>>, vector<1x16xf32>,
        %add3A_419 = arith.constant 240 : i32
        %add3A_420 = arith.addi %mul3A_210, %add3A_419 : i32
        %get3A_421 = arith.index_cast %shift_right_arithmetic3A_206 : i32 to index
        %get3A_422 = arith.index_cast %add3A_420 : i32 to index
        %get3A_423 = tpu.vector_load %arg8[%get3A_421, %get3A_422] {strides = array<i32>} : memref<16x1024xf32, #tpu.memory_space<vmem>>, vector<1x16xf32>,
        %get3A_424 = vector.shape_cast %get3A_423 : vector<1x16xf32> to vector<16xf32>
        %mul3A_425 = arith.constant 3.200000e+01 : f32
        %mul3A_426 = vector.broadcast %mul3A_425 : f32 to vector<16xf32>
        %mul3A_427 = arith.mulf %get3A_424, %mul3A_426 : vector<16xf32>
        %swap3A_428 = arith.index_cast %shift_right_arithmetic3A_206 : i32 to index
        %swap3A_429 = arith.index_cast %add3A_420 : i32 to index
        %swap3A_430 = tpu.vector_load %arg8[%swap3A_428, %swap3A_429] {strides = array<i32>} : memref<16x1024xf32, #tpu.memory_space<vmem>>, vector<1x16xf32>,
        %swap3A_431 = vector.shape_cast %swap3A_430 : vector<1x16xf32> to vector<16xf32>
        %swap3A_432 = vector.shape_cast %mul3A_427 : vector<16xf32> to vector<1x16xf32>
        tpu.vector_store %arg8[%swap3A_428, %swap3A_429], %swap3A_432 {strides = array<i32>} : memref<16x1024xf32, #tpu.memory_space<vmem>>, vector<1x16xf32>,
        %add3A_433 = arith.constant 256 : i32
        %add3A_434 = arith.addi %mul3A_210, %add3A_433 : i32
        %get3A_435 = arith.index_cast %shift_right_arithmetic3A_206 : i32 to index
        %get3A_436 = arith.index_cast %add3A_434 : i32 to index
        %get3A_437 = tpu.vector_load %arg8[%get3A_435, %get3A_436] {strides = array<i32>} : memref<16x1024xf32, #tpu.memory_space<vmem>>, vector<1x16xf32>,
        %get3A_438 = vector.shape_cast %get3A_437 : vector<1x16xf32> to vector<16xf32>
        %mul3A_439 = arith.constant 3.200000e+01 : f32
        %mul3A_440 = vector.broadcast %mul3A_439 : f32 to vector<16xf32>
        %mul3A_441 = arith.mulf %get3A_438, %mul3A_440 : vector<16xf32>
        %swap3A_442 = arith.index_cast %shift_right_arithmetic3A_206 : i32 to index
        %swap3A_443 = arith.index_cast %add3A_434 : i32 to index
        %swap3A_444 = tpu.vector_load %arg8[%swap3A_442, %swap3A_443] {strides = array<i32>} : memref<16x1024xf32, #tpu.memory_space<vmem>>, vector<1x16xf32>,
        %swap3A_445 = vector.shape_cast %swap3A_444 : vector<1x16xf32> to vector<16xf32>
        %swap3A_446 = vector.shape_cast %mul3A_441 : vector<16xf32> to vector<1x16xf32>
        tpu.vector_store %arg8[%swap3A_442, %swap3A_443], %swap3A_446 {strides = array<i32>} : memref<16x1024xf32, #tpu.memory_space<vmem>>, vector<1x16xf32>,
        %add3A_447 = arith.constant 272 : i32
        %add3A_448 = arith.addi %mul3A_210, %add3A_447 : i32
        %get3A_449 = arith.index_cast %shift_right_arithmetic3A_206 : i32 to index
        %get3A_450 = arith.index_cast %add3A_448 : i32 to index
        %get3A_451 = tpu.vector_load %arg8[%get3A_449, %get3A_450] {strides = array<i32>} : memref<16x1024xf32, #tpu.memory_space<vmem>>, vector<1x16xf32>,
        %get3A_452 = vector.shape_cast %get3A_451 : vector<1x16xf32> to vector<16xf32>
        %mul3A_453 = arith.constant 3.200000e+01 : f32
        %mul3A_454 = vector.broadcast %mul3A_453 : f32 to vector<16xf32>
        %mul3A_455 = arith.mulf %get3A_452, %mul3A_454 : vector<16xf32>
        %swap3A_456 = arith.index_cast %shift_right_arithmetic3A_206 : i32 to index
        %swap3A_457 = arith.index_cast %add3A_448 : i32 to index
        %swap3A_458 = tpu.vector_load %arg8[%swap3A_456, %swap3A_457] {strides = array<i32>} : memref<16x1024xf32, #tpu.memory_space<vmem>>, vector<1x16xf32>,
        %swap3A_459 = vector.shape_cast %swap3A_458 : vector<1x16xf32> to vector<16xf32>
        %swap3A_460 = vector.shape_cast %mul3A_455 : vector<16xf32> to vector<1x16xf32>
        tpu.vector_store %arg8[%swap3A_456, %swap3A_457], %swap3A_460 {strides = array<i32>} : memref<16x1024xf32, #tpu.memory_space<vmem>>, vector<1x16xf32>,
        %add3A_461 = arith.constant 288 : i32
        %add3A_462 = arith.addi %mul3A_210, %add3A_461 : i32
        %get3A_463 = arith.index_cast %shift_right_arithmetic3A_206 : i32 to index
        %get3A_464 = arith.index_cast %add3A_462 : i32 to index
        %get3A_465 = tpu.vector_load %arg8[%get3A_463, %get3A_464] {strides = array<i32>} : memref<16x1024xf32, #tpu.memory_space<vmem>>, vector<1x16xf32>,
        %get3A_466 = vector.shape_cast %get3A_465 : vector<1x16xf32> to vector<16xf32>
        %mul3A_467 = arith.constant 3.200000e+01 : f32
        %mul3A_468 = vector.broadcast %mul3A_467 : f32 to vector<16xf32>
        %mul3A_469 = arith.mulf %get3A_466, %mul3A_468 : vector<16xf32>
        %swap3A_470 = arith.index_cast %shift_right_arithmetic3A_206 : i32 to index
        %swap3A_471 = arith.index_cast %add3A_462 : i32 to index
        %swap3A_472 = tpu.vector_load %arg8[%swap3A_470, %swap3A_471] {strides = array<i32>} : memref<16x1024xf32, #tpu.memory_space<vmem>>, vector<1x16xf32>,
        %swap3A_473 = vector.shape_cast %swap3A_472 : vector<1x16xf32> to vector<16xf32>
        %swap3A_474 = vector.shape_cast %mul3A_469 : vector<16xf32> to vector<1x16xf32>
        tpu.vector_store %arg8[%swap3A_470, %swap3A_471], %swap3A_474 {strides = array<i32>} : memref<16x1024xf32, #tpu.memory_space<vmem>>, vector<1x16xf32>,
        %add3A_475 = arith.constant 304 : i32
        %add3A_476 = arith.addi %mul3A_210, %add3A_475 : i32
        %get3A_477 = arith.index_cast %shift_right_arithmetic3A_206 : i32 to index
        %get3A_478 = arith.index_cast %add3A_476 : i32 to index
        %get3A_479 = tpu.vector_load %arg8[%get3A_477, %get3A_478] {strides = array<i32>} : memref<16x1024xf32, #tpu.memory_space<vmem>>, vector<1x16xf32>,
        %get3A_480 = vector.shape_cast %get3A_479 : vector<1x16xf32> to vector<16xf32>
        %mul3A_481 = arith.constant 3.200000e+01 : f32
        %mul3A_482 = vector.broadcast %mul3A_481 : f32 to vector<16xf32>
        %mul3A_483 = arith.mulf %get3A_480, %mul3A_482 : vector<16xf32>
        %swap3A_484 = arith.index_cast %shift_right_arithmetic3A_206 : i32 to index
        %swap3A_485 = arith.index_cast %add3A_476 : i32 to index
        %swap3A_486 = tpu.vector_load %arg8[%swap3A_484, %swap3A_485] {strides = array<i32>} : memref<16x1024xf32, #tpu.memory_space<vmem>>, vector<1x16xf32>,
        %swap3A_487 = vector.shape_cast %swap3A_486 : vector<1x16xf32> to vector<16xf32>
        %swap3A_488 = vector.shape_cast %mul3A_483 : vector<16xf32> to vector<1x16xf32>
        tpu.vector_store %arg8[%swap3A_484, %swap3A_485], %swap3A_488 {strides = array<i32>} : memref<16x1024xf32, #tpu.memory_space<vmem>>, vector<1x16xf32>,
        %add3A_489 = arith.constant 320 : i32
        %add3A_490 = arith.addi %mul3A_210, %add3A_489 : i32
        %get3A_491 = arith.index_cast %shift_right_arithmetic3A_206 : i32 to index
        %get3A_492 = arith.index_cast %add3A_490 : i32 to index
        %get3A_493 = tpu.vector_load %arg8[%get3A_491, %get3A_492] {strides = array<i32>} : memref<16x1024xf32, #tpu.memory_space<vmem>>, vector<1x16xf32>,
        %get3A_494 = vector.shape_cast %get3A_493 : vector<1x16xf32> to vector<16xf32>
        %mul3A_495 = arith.constant 3.200000e+01 : f32
        %mul3A_496 = vector.broadcast %mul3A_495 : f32 to vector<16xf32>
        %mul3A_497 = arith.mulf %get3A_494, %mul3A_496 : vector<16xf32>
        %swap3A_498 = arith.index_cast %shift_right_arithmetic3A_206 : i32 to index
        %swap3A_499 = arith.index_cast %add3A_490 : i32 to index
        %swap3A_500 = tpu.vector_load %arg8[%swap3A_498, %swap3A_499] {strides = array<i32>} : memref<16x1024xf32, #tpu.memory_space<vmem>>, vector<1x16xf32>,
        %swap3A_501 = vector.shape_cast %swap3A_500 : vector<1x16xf32> to vector<16xf32>
        %swap3A_502 = vector.shape_cast %mul3A_497 : vector<16xf32> to vector<1x16xf32>
        tpu.vector_store %arg8[%swap3A_498, %swap3A_499], %swap3A_502 {strides = array<i32>} : memref<16x1024xf32, #tpu.memory_space<vmem>>, vector<1x16xf32>,
        %add3A_503 = arith.constant 336 : i32
        %add3A_504 = arith.addi %mul3A_210, %add3A_503 : i32
        %get3A_505 = arith.index_cast %shift_right_arithmetic3A_206 : i32 to index
        %get3A_506 = arith.index_cast %add3A_504 : i32 to index
        %get3A_507 = tpu.vector_load %arg8[%get3A_505, %get3A_506] {strides = array<i32>} : memref<16x1024xf32, #tpu.memory_space<vmem>>, vector<1x16xf32>,
        %get3A_508 = vector.shape_cast %get3A_507 : vector<1x16xf32> to vector<16xf32>
        %mul3A_509 = arith.constant 3.200000e+01 : f32
        %mul3A_510 = vector.broadcast %mul3A_509 : f32 to vector<16xf32>
        %mul3A_511 = arith.mulf %get3A_508, %mul3A_510 : vector<16xf32>
        %swap3A_512 = arith.index_cast %shift_right_arithmetic3A_206 : i32 to index
        %swap3A_513 = arith.index_cast %add3A_504 : i32 to index
        %swap3A_514 = tpu.vector_load %arg8[%swap3A_512, %swap3A_513] {strides = array<i32>} : memref<16x1024xf32, #tpu.memory_space<vmem>>, vector<1x16xf32>,
        %swap3A_515 = vector.shape_cast %swap3A_514 : vector<1x16xf32> to vector<16xf32>
        %swap3A_516 = vector.shape_cast %mul3A_511 : vector<16xf32> to vector<1x16xf32>
        tpu.vector_store %arg8[%swap3A_512, %swap3A_513], %swap3A_516 {strides = array<i32>} : memref<16x1024xf32, #tpu.memory_space<vmem>>, vector<1x16xf32>,
        %add3A_517 = arith.constant 352 : i32
        %add3A_518 = arith.addi %mul3A_210, %add3A_517 : i32
        %get3A_519 = arith.index_cast %shift_right_arithmetic3A_206 : i32 to index
        %get3A_520 = arith.index_cast %add3A_518 : i32 to index
        %get3A_521 = tpu.vector_load %arg8[%get3A_519, %get3A_520] {strides = array<i32>} : memref<16x1024xf32, #tpu.memory_space<vmem>>, vector<1x16xf32>,
        %get3A_522 = vector.shape_cast %get3A_521 : vector<1x16xf32> to vector<16xf32>
        %mul3A_523 = arith.constant 3.200000e+01 : f32
        %mul3A_524 = vector.broadcast %mul3A_523 : f32 to vector<16xf32>
        %mul3A_525 = arith.mulf %get3A_522, %mul3A_524 : vector<16xf32>
        %swap3A_526 = arith.index_cast %shift_right_arithmetic3A_206 : i32 to index
        %swap3A_527 = arith.index_cast %add3A_518 : i32 to index
        %swap3A_528 = tpu.vector_load %arg8[%swap3A_526, %swap3A_527] {strides = array<i32>} : memref<16x1024xf32, #tpu.memory_space<vmem>>, vector<1x16xf32>,
        %swap3A_529 = vector.shape_cast %swap3A_528 : vector<1x16xf32> to vector<16xf32>
        %swap3A_530 = vector.shape_cast %mul3A_525 : vector<16xf32> to vector<1x16xf32>
        tpu.vector_store %arg8[%swap3A_526, %swap3A_527], %swap3A_530 {strides = array<i32>} : memref<16x1024xf32, #tpu.memory_space<vmem>>, vector<1x16xf32>,
        %add3A_531 = arith.constant 368 : i32
        %add3A_532 = arith.addi %mul3A_210, %add3A_531 : i32
        %get3A_533 = arith.index_cast %shift_right_arithmetic3A_206 : i32 to index
        %get3A_534 = arith.index_cast %add3A_532 : i32 to index
        %get3A_535 = tpu.vector_load %arg8[%get3A_533, %get3A_534] {strides = array<i32>} : memref<16x1024xf32, #tpu.memory_space<vmem>>, vector<1x16xf32>,
        %get3A_536 = vector.shape_cast %get3A_535 : vector<1x16xf32> to vector<16xf32>
        %mul3A_537 = arith.constant 3.200000e+01 : f32
        %mul3A_538 = vector.broadcast %mul3A_537 : f32 to vector<16xf32>
        %mul3A_539 = arith.mulf %get3A_536, %mul3A_538 : vector<16xf32>
        %swap3A_540 = arith.index_cast %shift_right_arithmetic3A_206 : i32 to index
        %swap3A_541 = arith.index_cast %add3A_532 : i32 to index
        %swap3A_542 = tpu.vector_load %arg8[%swap3A_540, %swap3A_541] {strides = array<i32>} : memref<16x1024xf32, #tpu.memory_space<vmem>>, vector<1x16xf32>,
        %swap3A_543 = vector.shape_cast %swap3A_542 : vector<1x16xf32> to vector<16xf32>
        %swap3A_544 = vector.shape_cast %mul3A_539 : vector<16xf32> to vector<1x16xf32>
        tpu.vector_store %arg8[%swap3A_540, %swap3A_541], %swap3A_544 {strides = array<i32>} : memref<16x1024xf32, #tpu.memory_space<vmem>>, vector<1x16xf32>,
        %add3A_545 = arith.constant 384 : i32
        %add3A_546 = arith.addi %mul3A_210, %add3A_545 : i32
        %get3A_547 = arith.index_cast %shift_right_arithmetic3A_206 : i32 to index
        %get3A_548 = arith.index_cast %add3A_546 : i32 to index
        %get3A_549 = tpu.vector_load %arg8[%get3A_547, %get3A_548] {strides = array<i32>} : memref<16x1024xf32, #tpu.memory_space<vmem>>, vector<1x16xf32>,
        %get3A_550 = vector.shape_cast %get3A_549 : vector<1x16xf32> to vector<16xf32>
        %mul3A_551 = arith.constant 3.200000e+01 : f32
        %mul3A_552 = vector.broadcast %mul3A_551 : f32 to vector<16xf32>
        %mul3A_553 = arith.mulf %get3A_550, %mul3A_552 : vector<16xf32>
        %swap3A_554 = arith.index_cast %shift_right_arithmetic3A_206 : i32 to index
        %swap3A_555 = arith.index_cast %add3A_546 : i32 to index
        %swap3A_556 = tpu.vector_load %arg8[%swap3A_554, %swap3A_555] {strides = array<i32>} : memref<16x1024xf32, #tpu.memory_space<vmem>>, vector<1x16xf32>,
        %swap3A_557 = vector.shape_cast %swap3A_556 : vector<1x16xf32> to vector<16xf32>
        %swap3A_558 = vector.shape_cast %mul3A_553 : vector<16xf32> to vector<1x16xf32>
        tpu.vector_store %arg8[%swap3A_554, %swap3A_555], %swap3A_558 {strides = array<i32>} : memref<16x1024xf32, #tpu.memory_space<vmem>>, vector<1x16xf32>,
        %add3A_559 = arith.constant 400 : i32
        %add3A_560 = arith.addi %mul3A_210, %add3A_559 : i32
        %get3A_561 = arith.index_cast %shift_right_arithmetic3A_206 : i32 to index
        %get3A_562 = arith.index_cast %add3A_560 : i32 to index
        %get3A_563 = tpu.vector_load %arg8[%get3A_561, %get3A_562] {strides = array<i32>} : memref<16x1024xf32, #tpu.memory_space<vmem>>, vector<1x16xf32>,
        %get3A_564 = vector.shape_cast %get3A_563 : vector<1x16xf32> to vector<16xf32>
        %mul3A_565 = arith.constant 3.200000e+01 : f32
        %mul3A_566 = vector.broadcast %mul3A_565 : f32 to vector<16xf32>
        %mul3A_567 = arith.mulf %get3A_564, %mul3A_566 : vector<16xf32>
        %swap3A_568 = arith.index_cast %shift_right_arithmetic3A_206 : i32 to index
        %swap3A_569 = arith.index_cast %add3A_560 : i32 to index
        %swap3A_570 = tpu.vector_load %arg8[%swap3A_568, %swap3A_569] {strides = array<i32>} : memref<16x1024xf32, #tpu.memory_space<vmem>>, vector<1x16xf32>,
        %swap3A_571 = vector.shape_cast %swap3A_570 : vector<1x16xf32> to vector<16xf32>
        %swap3A_572 = vector.shape_cast %mul3A_567 : vector<16xf32> to vector<1x16xf32>
        tpu.vector_store %arg8[%swap3A_568, %swap3A_569], %swap3A_572 {strides = array<i32>} : memref<16x1024xf32, #tpu.memory_space<vmem>>, vector<1x16xf32>,
        %add3A_573 = arith.constant 416 : i32
        %add3A_574 = arith.addi %mul3A_210, %add3A_573 : i32
        %get3A_575 = arith.index_cast %shift_right_arithmetic3A_206 : i32 to index
        %get3A_576 = arith.index_cast %add3A_574 : i32 to index
        %get3A_577 = tpu.vector_load %arg8[%get3A_575, %get3A_576] {strides = array<i32>} : memref<16x1024xf32, #tpu.memory_space<vmem>>, vector<1x16xf32>,
        %get3A_578 = vector.shape_cast %get3A_577 : vector<1x16xf32> to vector<16xf32>
        %mul3A_579 = arith.constant 3.200000e+01 : f32
        %mul3A_580 = vector.broadcast %mul3A_579 : f32 to vector<16xf32>
        %mul3A_581 = arith.mulf %get3A_578, %mul3A_580 : vector<16xf32>
        %swap3A_582 = arith.index_cast %shift_right_arithmetic3A_206 : i32 to index
        %swap3A_583 = arith.index_cast %add3A_574 : i32 to index
        %swap3A_584 = tpu.vector_load %arg8[%swap3A_582, %swap3A_583] {strides = array<i32>} : memref<16x1024xf32, #tpu.memory_space<vmem>>, vector<1x16xf32>,
        %swap3A_585 = vector.shape_cast %swap3A_584 : vector<1x16xf32> to vector<16xf32>
        %swap3A_586 = vector.shape_cast %mul3A_581 : vector<16xf32> to vector<1x16xf32>
        tpu.vector_store %arg8[%swap3A_582, %swap3A_583], %swap3A_586 {strides = array<i32>} : memref<16x1024xf32, #tpu.memory_space<vmem>>, vector<1x16xf32>,
        %add3A_587 = arith.constant 432 : i32
        %add3A_588 = arith.addi %mul3A_210, %add3A_587 : i32
        %get3A_589 = arith.index_cast %shift_right_arithmetic3A_206 : i32 to index
        %get3A_590 = arith.index_cast %add3A_588 : i32 to index
        %get3A_591 = tpu.vector_load %arg8[%get3A_589, %get3A_590] {strides = array<i32>} : memref<16x1024xf32, #tpu.memory_space<vmem>>, vector<1x16xf32>,
        %get3A_592 = vector.shape_cast %get3A_591 : vector<1x16xf32> to vector<16xf32>
        %mul3A_593 = arith.constant 3.200000e+01 : f32
        %mul3A_594 = vector.broadcast %mul3A_593 : f32 to vector<16xf32>
        %mul3A_595 = arith.mulf %get3A_592, %mul3A_594 : vector<16xf32>
        %swap3A_596 = arith.index_cast %shift_right_arithmetic3A_206 : i32 to index
        %swap3A_597 = arith.index_cast %add3A_588 : i32 to index
        %swap3A_598 = tpu.vector_load %arg8[%swap3A_596, %swap3A_597] {strides = array<i32>} : memref<16x1024xf32, #tpu.memory_space<vmem>>, vector<1x16xf32>,
        %swap3A_599 = vector.shape_cast %swap3A_598 : vector<1x16xf32> to vector<16xf32>
        %swap3A_600 = vector.shape_cast %mul3A_595 : vector<16xf32> to vector<1x16xf32>
        tpu.vector_store %arg8[%swap3A_596, %swap3A_597], %swap3A_600 {strides = array<i32>} : memref<16x1024xf32, #tpu.memory_space<vmem>>, vector<1x16xf32>,
        %add3A_601 = arith.constant 448 : i32
        %add3A_602 = arith.addi %mul3A_210, %add3A_601 : i32
        %get3A_603 = arith.index_cast %shift_right_arithmetic3A_206 : i32 to index
        %get3A_604 = arith.index_cast %add3A_602 : i32 to index
        %get3A_605 = tpu.vector_load %arg8[%get3A_603, %get3A_604] {strides = array<i32>} : memref<16x1024xf32, #tpu.memory_space<vmem>>, vector<1x16xf32>,
        %get3A_606 = vector.shape_cast %get3A_605 : vector<1x16xf32> to vector<16xf32>
        %mul3A_607 = arith.constant 3.200000e+01 : f32
        %mul3A_608 = vector.broadcast %mul3A_607 : f32 to vector<16xf32>
        %mul3A_609 = arith.mulf %get3A_606, %mul3A_608 : vector<16xf32>
        %swap3A_610 = arith.index_cast %shift_right_arithmetic3A_206 : i32 to index
        %swap3A_611 = arith.index_cast %add3A_602 : i32 to index
        %swap3A_612 = tpu.vector_load %arg8[%swap3A_610, %swap3A_611] {strides = array<i32>} : memref<16x1024xf32, #tpu.memory_space<vmem>>, vector<1x16xf32>,
        %swap3A_613 = vector.shape_cast %swap3A_612 : vector<1x16xf32> to vector<16xf32>
        %swap3A_614 = vector.shape_cast %mul3A_609 : vector<16xf32> to vector<1x16xf32>
        tpu.vector_store %arg8[%swap3A_610, %swap3A_611], %swap3A_614 {strides = array<i32>} : memref<16x1024xf32, #tpu.memory_space<vmem>>, vector<1x16xf32>,
        %add3A_615 = arith.constant 464 : i32
        %add3A_616 = arith.addi %mul3A_210, %add3A_615 : i32
        %get3A_617 = arith.index_cast %shift_right_arithmetic3A_206 : i32 to index
        %get3A_618 = arith.index_cast %add3A_616 : i32 to index
        %get3A_619 = tpu.vector_load %arg8[%get3A_617, %get3A_618] {strides = array<i32>} : memref<16x1024xf32, #tpu.memory_space<vmem>>, vector<1x16xf32>,
        %get3A_620 = vector.shape_cast %get3A_619 : vector<1x16xf32> to vector<16xf32>
        %mul3A_621 = arith.constant 3.200000e+01 : f32
        %mul3A_622 = vector.broadcast %mul3A_621 : f32 to vector<16xf32>
        %mul3A_623 = arith.mulf %get3A_620, %mul3A_622 : vector<16xf32>
        %swap3A_624 = arith.index_cast %shift_right_arithmetic3A_206 : i32 to index
        %swap3A_625 = arith.index_cast %add3A_616 : i32 to index
        %swap3A_626 = tpu.vector_load %arg8[%swap3A_624, %swap3A_625] {strides = array<i32>} : memref<16x1024xf32, #tpu.memory_space<vmem>>, vector<1x16xf32>,
        %swap3A_627 = vector.shape_cast %swap3A_626 : vector<1x16xf32> to vector<16xf32>
        %swap3A_628 = vector.shape_cast %mul3A_623 : vector<16xf32> to vector<1x16xf32>
        tpu.vector_store %arg8[%swap3A_624, %swap3A_625], %swap3A_628 {strides = array<i32>} : memref<16x1024xf32, #tpu.memory_space<vmem>>, vector<1x16xf32>,
        %add3A_629 = arith.constant 480 : i32
        %add3A_630 = arith.addi %mul3A_210, %add3A_629 : i32
        %get3A_631 = arith.index_cast %shift_right_arithmetic3A_206 : i32 to index
        %get3A_632 = arith.index_cast %add3A_630 : i32 to index
        %get3A_633 = tpu.vector_load %arg8[%get3A_631, %get3A_632] {strides = array<i32>} : memref<16x1024xf32, #tpu.memory_space<vmem>>, vector<1x16xf32>,
        %get3A_634 = vector.shape_cast %get3A_633 : vector<1x16xf32> to vector<16xf32>
        %mul3A_635 = arith.constant 3.200000e+01 : f32
        %mul3A_636 = vector.broadcast %mul3A_635 : f32 to vector<16xf32>
        %mul3A_637 = arith.mulf %get3A_634, %mul3A_636 : vector<16xf32>
        %swap3A_638 = arith.index_cast %shift_right_arithmetic3A_206 : i32 to index
        %swap3A_639 = arith.index_cast %add3A_630 : i32 to index
        %swap3A_640 = tpu.vector_load %arg8[%swap3A_638, %swap3A_639] {strides = array<i32>} : memref<16x1024xf32, #tpu.memory_space<vmem>>, vector<1x16xf32>,
        %swap3A_641 = vector.shape_cast %swap3A_640 : vector<1x16xf32> to vector<16xf32>
        %swap3A_642 = vector.shape_cast %mul3A_637 : vector<16xf32> to vector<1x16xf32>
        tpu.vector_store %arg8[%swap3A_638, %swap3A_639], %swap3A_642 {strides = array<i32>} : memref<16x1024xf32, #tpu.memory_space<vmem>>, vector<1x16xf32>,
        %add3A_643 = arith.constant 496 : i32
        %add3A_644 = arith.addi %mul3A_210, %add3A_643 : i32
        %get3A_645 = arith.index_cast %shift_right_arithmetic3A_206 : i32 to index
        %get3A_646 = arith.index_cast %add3A_644 : i32 to index
        %get3A_647 = tpu.vector_load %arg8[%get3A_645, %get3A_646] {strides = array<i32>} : memref<16x1024xf32, #tpu.memory_space<vmem>>, vector<1x16xf32>,
        %get3A_648 = vector.shape_cast %get3A_647 : vector<1x16xf32> to vector<16xf32>
        %mul3A_649 = arith.constant 3.200000e+01 : f32
        %mul3A_650 = vector.broadcast %mul3A_649 : f32 to vector<16xf32>
        %mul3A_651 = arith.mulf %get3A_648, %mul3A_650 : vector<16xf32>
        %swap3A_652 = arith.index_cast %shift_right_arithmetic3A_206 : i32 to index
        %swap3A_653 = arith.index_cast %add3A_644 : i32 to index
        %swap3A_654 = tpu.vector_load %arg8[%swap3A_652, %swap3A_653] {strides = array<i32>} : memref<16x1024xf32, #tpu.memory_space<vmem>>, vector<1x16xf32>,
        %swap3A_655 = vector.shape_cast %swap3A_654 : vector<1x16xf32> to vector<16xf32>
        %swap3A_656 = vector.shape_cast %mul3A_651 : vector<16xf32> to vector<1x16xf32>
        tpu.vector_store %arg8[%swap3A_652, %swap3A_653], %swap3A_656 {strides = array<i32>} : memref<16x1024xf32, #tpu.memory_space<vmem>>, vector<1x16xf32>,
      }
      %scan3A_163 = arith.constant 32 : i32
      %mul3A_164 = arith.constant 16 : i32
      %mul3A_165 = arith.muli %add3A_144, %mul3A_164 : i32
      %add3A_166 = arith.addi %mul3A_32, %mul3A_165 : i32
      %dma_start3A_167 = arith.constant 0 : i32
      %dma_start3A_168 = tpu.memref_slice %arg4[%select_n3A, %add3A_166, %dma_start3A_167] : memref<4x4096x1024xf32, #tpu.memory_space<hbm>> -> memref<1x16x1024xf32, #tpu.memory_space<hbm>>
      %dma_start3A_169 = tpu.memref_squeeze %dma_start3A_168 : memref<1x16x1024xf32, #tpu.memory_space<hbm>> -> memref<16x1024xf32, #tpu.memory_space<hbm>>
      %dma_start3A_170 = arith.constant 0 : i32
      %dma_start3A_171 = tpu.memref_slice %arg4[%select_n3A, %add3A_166, %dma_start3A_170] : memref<4x4096x1024xf32, #tpu.memory_space<hbm>> -> memref<1x16x1024xf32, #tpu.memory_space<hbm>>
      %dma_start3A_172 = tpu.memref_squeeze %dma_start3A_171 : memref<1x16x1024xf32, #tpu.memory_space<hbm>> -> memref<16x1024xf32, #tpu.memory_space<hbm>>
      tpu.enqueue_dma source(%arg8 : memref<16x1024xf32, #tpu.memory_space<vmem>>) target(%dma_start3A_172 : memref<16x1024xf32, #tpu.memory_space<hbm>>) target_semaphore(%arg16 : memref<!tpu.dma_semaphore, #tpu.memory_space<semaphore_mem>>)
      %mul3A_173 = arith.constant 4 : i32
      %mul3A_174 = arith.muli %scan3A_78, %mul3A_173 : i32
      %add3A_175 = arith.constant 3 : i32
      %add3A_176 = arith.addi %mul3A_174, %add3A_175 : i32
      %add3A_177 = arith.constant 2 : i32
      %add3A_178 = arith.addi %add3A_176, %add3A_177 : i32
      %lt3A_179 = arith.constant 32 : i32
      %lt3A_180 = arith.cmpi slt, %add3A_178, %lt3A_179 : i32
      %convert_element_type3A_181 = arith.extui %lt3A_180 : i1 to i32
      %cond3A_182 = arith.constant 0 : i32
      %cond3A_183 = arith.cmpi ne, %convert_element_type3A_181, %cond3A_182 : i32
      scf.if %cond3A_183 {
        %ge3A = arith.constant 4 : i32
        %ge3A_205 = arith.cmpi sge, %add3A_178, %ge3A : i32
        %convert_element_type3A_206 = arith.extui %ge3A_205 : i1 to i32
        %cond3A_207 = arith.constant 0 : i32
        %cond3A_208 = arith.cmpi ne, %convert_element_type3A_206, %cond3A_207 : i32
        scf.if %cond3A_208 {
          %sub3A_215 = arith.constant 4 : i32
          %sub3A_216 = arith.subi %add3A_178, %sub3A_215 : i32
          %mul3A_217 = arith.constant 16 : i32
          %mul3A_218 = arith.muli %sub3A_216, %mul3A_217 : i32
          %add3A_219 = arith.addi %mul3A_32, %mul3A_218 : i32
          %dma_wait3A_220 = arith.constant 0 : i32
          %dma_wait3A_221 = tpu.memref_slice %arg4[%select_n3A, %add3A_219, %dma_wait3A_220] : memref<4x4096x1024xf32, #tpu.memory_space<hbm>> -> memref<1x16x1024xf32, #tpu.memory_space<hbm>>
          %dma_wait3A_222 = tpu.memref_squeeze %dma_wait3A_221 : memref<1x16x1024xf32, #tpu.memory_space<hbm>> -> memref<16x1024xf32, #tpu.memory_space<hbm>>
          %dma_wait3A_223 = arith.constant 0 : i32
          %dma_wait3A_224 = tpu.memref_slice %arg4[%select_n3A, %add3A_219, %dma_wait3A_223] : memref<4x4096x1024xf32, #tpu.memory_space<hbm>> -> memref<1x16x1024xf32, #tpu.memory_space<hbm>>
          %dma_wait3A_225 = tpu.memref_squeeze %dma_wait3A_224 : memref<1x16x1024xf32, #tpu.memory_space<hbm>> -> memref<16x1024xf32, #tpu.memory_space<hbm>>
          tpu.wait_dma2 semaphore(%arg15 : memref<!tpu.dma_semaphore, #tpu.memory_space<semaphore_mem>>) src(%arg7 : memref<16x1024xf32, #tpu.memory_space<vmem>>) dst(%dma_wait3A_225 : memref<16x1024xf32, #tpu.memory_space<hbm>>)
        } else {
        }
        %mul3A_209 = arith.constant 16 : i32
        %mul3A_210 = arith.muli %add3A_178, %mul3A_209 : i32
        %dma_start3A_211 = tpu.memref_slice %arg5[%mul3A_210] : memref<512xi32, #tpu.memory_space<vmem>> -> memref<16xi32, #tpu.memory_space<vmem>>
        %dma_start3A_212 = arith.constant 0 : i32
        %dma_start3A_213 = arith.constant 0 : i32
        %dma_start3A_214 = tpu.memref_slice %arg3[%dma_start3A_212, %dma_start3A_213] : memref<100000x1024xf32, #tpu.memory_space<hbm>> -> memref<100000x1024xf32, #tpu.memory_space<hbm>>
        tpu.enqueue_indirect_dma source(%dma_start3A_214 : memref<100000x1024xf32, #tpu.memory_space<hbm>>) target(%arg7 : memref<16x1024xf32, #tpu.memory_space<vmem>>) offsets(%dma_start3A_211 : memref<16xi32, #tpu.memory_space<vmem>>) semaphore(%arg11 : memref<!tpu.dma_semaphore, #tpu.memory_space<semaphore_mem>>)
      } else {
      }
      %mul3A_184 = arith.constant 16 : i32
      %mul3A_185 = arith.muli %add3A_176, %mul3A_184 : i32
      %dma_wait3A_186 = tpu.memref_slice %arg5[%mul3A_185] : memref<512xi32, #tpu.memory_space<vmem>> -> memref<16xi32, #tpu.memory_space<vmem>>
      %dma_wait3A_187 = arith.constant 0 : i32
      %dma_wait3A_188 = arith.constant 0 : i32
      %dma_wait3A_189 = tpu.memref_slice %arg3[%dma_wait3A_187, %dma_wait3A_188] : memref<100000x1024xf32, #tpu.memory_space<hbm>> -> memref<100000x1024xf32, #tpu.memory_space<hbm>>
      tpu.wait_indirect_dma semaphore(%arg13 : memref<!tpu.dma_semaphore, #tpu.memory_space<semaphore_mem>>) src(%dma_wait3A_189 : memref<100000x1024xf32, #tpu.memory_space<hbm>>) dst(%arg9 : memref<16x1024xf32, #tpu.memory_space<vmem>>)
      %scan3A_190 = arith.constant 0 : i32
      %scan3A_191 = arith.constant 0 : i32
      %scan3A_192 = arith.constant 32 : i32
      %scan3A_193 = arith.addi %scan3A_191, %scan3A_192 : i32
      %scan3A_194 = arith.constant 1 : i32
      scf.for %scan3A_205 = %scan3A_191 to %scan3A_193 step %scan3A_194  : i32 {
        %shift_right_arithmetic3A = arith.constant 1 : i32
        %shift_right_arithmetic3A_206 = arith.shrsi %scan3A_205, %shift_right_arithmetic3A : i32
        %and3A_207 = arith.constant 1 : i32
        %and3A_208 = arith.andi %scan3A_205, %and3A_207 : i32
        %mul3A_209 = arith.constant 512 : i32
        %mul3A_210 = arith.muli %and3A_208, %mul3A_209 : i32
        %add3A_211 = arith.constant 0 : i32
        %add3A_212 = arith.addi %mul3A_210, %add3A_211 : i32
        %get3A = arith.index_cast %shift_right_arithmetic3A_206 : i32 to index
        %get3A_213 = arith.index_cast %add3A_212 : i32 to index
        %get3A_214 = tpu.vector_load %arg9[%get3A, %get3A_213] {strides = array<i32>} : memref<16x1024xf32, #tpu.memory_space<vmem>>, vector<1x16xf32>,
        %get3A_215 = vector.shape_cast %get3A_214 : vector<1x16xf32> to vector<16xf32>
        %mul3A_216 = arith.constant 3.200000e+01 : f32
        %mul3A_217 = vector.broadcast %mul3A_216 : f32 to vector<16xf32>
        %mul3A_218 = arith.mulf %get3A_215, %mul3A_217 : vector<16xf32>
        %swap3A = arith.index_cast %shift_right_arithmetic3A_206 : i32 to index
        %swap3A_219 = arith.index_cast %add3A_212 : i32 to index
        %swap3A_220 = tpu.vector_load %arg9[%swap3A, %swap3A_219] {strides = array<i32>} : memref<16x1024xf32, #tpu.memory_space<vmem>>, vector<1x16xf32>,
        %swap3A_221 = vector.shape_cast %swap3A_220 : vector<1x16xf32> to vector<16xf32>
        %swap3A_222 = vector.shape_cast %mul3A_218 : vector<16xf32> to vector<1x16xf32>
        tpu.vector_store %arg9[%swap3A, %swap3A_219], %swap3A_222 {strides = array<i32>} : memref<16x1024xf32, #tpu.memory_space<vmem>>, vector<1x16xf32>,
        %add3A_223 = arith.constant 16 : i32
        %add3A_224 = arith.addi %mul3A_210, %add3A_223 : i32
        %get3A_225 = arith.index_cast %shift_right_arithmetic3A_206 : i32 to index
        %get3A_226 = arith.index_cast %add3A_224 : i32 to index
        %get3A_227 = tpu.vector_load %arg9[%get3A_225, %get3A_226] {strides = array<i32>} : memref<16x1024xf32, #tpu.memory_space<vmem>>, vector<1x16xf32>,
        %get3A_228 = vector.shape_cast %get3A_227 : vector<1x16xf32> to vector<16xf32>
        %mul3A_229 = arith.constant 3.200000e+01 : f32
        %mul3A_230 = vector.broadcast %mul3A_229 : f32 to vector<16xf32>
        %mul3A_231 = arith.mulf %get3A_228, %mul3A_230 : vector<16xf32>
        %swap3A_232 = arith.index_cast %shift_right_arithmetic3A_206 : i32 to index
        %swap3A_233 = arith.index_cast %add3A_224 : i32 to index
        %swap3A_234 = tpu.vector_load %arg9[%swap3A_232, %swap3A_233] {strides = array<i32>} : memref<16x1024xf32, #tpu.memory_space<vmem>>, vector<1x16xf32>,
        %swap3A_235 = vector.shape_cast %swap3A_234 : vector<1x16xf32> to vector<16xf32>
        %swap3A_236 = vector.shape_cast %mul3A_231 : vector<16xf32> to vector<1x16xf32>
        tpu.vector_store %arg9[%swap3A_232, %swap3A_233], %swap3A_236 {strides = array<i32>} : memref<16x1024xf32, #tpu.memory_space<vmem>>, vector<1x16xf32>,
        %add3A_237 = arith.constant 32 : i32
        %add3A_238 = arith.addi %mul3A_210, %add3A_237 : i32
        %get3A_239 = arith.index_cast %shift_right_arithmetic3A_206 : i32 to index
        %get3A_240 = arith.index_cast %add3A_238 : i32 to index
        %get3A_241 = tpu.vector_load %arg9[%get3A_239, %get3A_240] {strides = array<i32>} : memref<16x1024xf32, #tpu.memory_space<vmem>>, vector<1x16xf32>,
        %get3A_242 = vector.shape_cast %get3A_241 : vector<1x16xf32> to vector<16xf32>
        %mul3A_243 = arith.constant 3.200000e+01 : f32
        %mul3A_244 = vector.broadcast %mul3A_243 : f32 to vector<16xf32>
        %mul3A_245 = arith.mulf %get3A_242, %mul3A_244 : vector<16xf32>
        %swap3A_246 = arith.index_cast %shift_right_arithmetic3A_206 : i32 to index
        %swap3A_247 = arith.index_cast %add3A_238 : i32 to index
        %swap3A_248 = tpu.vector_load %arg9[%swap3A_246, %swap3A_247] {strides = array<i32>} : memref<16x1024xf32, #tpu.memory_space<vmem>>, vector<1x16xf32>,
        %swap3A_249 = vector.shape_cast %swap3A_248 : vector<1x16xf32> to vector<16xf32>
        %swap3A_250 = vector.shape_cast %mul3A_245 : vector<16xf32> to vector<1x16xf32>
        tpu.vector_store %arg9[%swap3A_246, %swap3A_247], %swap3A_250 {strides = array<i32>} : memref<16x1024xf32, #tpu.memory_space<vmem>>, vector<1x16xf32>,
        %add3A_251 = arith.constant 48 : i32
        %add3A_252 = arith.addi %mul3A_210, %add3A_251 : i32
        %get3A_253 = arith.index_cast %shift_right_arithmetic3A_206 : i32 to index
        %get3A_254 = arith.index_cast %add3A_252 : i32 to index
        %get3A_255 = tpu.vector_load %arg9[%get3A_253, %get3A_254] {strides = array<i32>} : memref<16x1024xf32, #tpu.memory_space<vmem>>, vector<1x16xf32>,
        %get3A_256 = vector.shape_cast %get3A_255 : vector<1x16xf32> to vector<16xf32>
        %mul3A_257 = arith.constant 3.200000e+01 : f32
        %mul3A_258 = vector.broadcast %mul3A_257 : f32 to vector<16xf32>
        %mul3A_259 = arith.mulf %get3A_256, %mul3A_258 : vector<16xf32>
        %swap3A_260 = arith.index_cast %shift_right_arithmetic3A_206 : i32 to index
        %swap3A_261 = arith.index_cast %add3A_252 : i32 to index
        %swap3A_262 = tpu.vector_load %arg9[%swap3A_260, %swap3A_261] {strides = array<i32>} : memref<16x1024xf32, #tpu.memory_space<vmem>>, vector<1x16xf32>,
        %swap3A_263 = vector.shape_cast %swap3A_262 : vector<1x16xf32> to vector<16xf32>
        %swap3A_264 = vector.shape_cast %mul3A_259 : vector<16xf32> to vector<1x16xf32>
        tpu.vector_store %arg9[%swap3A_260, %swap3A_261], %swap3A_264 {strides = array<i32>} : memref<16x1024xf32, #tpu.memory_space<vmem>>, vector<1x16xf32>,
        %add3A_265 = arith.constant 64 : i32
        %add3A_266 = arith.addi %mul3A_210, %add3A_265 : i32
        %get3A_267 = arith.index_cast %shift_right_arithmetic3A_206 : i32 to index
        %get3A_268 = arith.index_cast %add3A_266 : i32 to index
        %get3A_269 = tpu.vector_load %arg9[%get3A_267, %get3A_268] {strides = array<i32>} : memref<16x1024xf32, #tpu.memory_space<vmem>>, vector<1x16xf32>,
        %get3A_270 = vector.shape_cast %get3A_269 : vector<1x16xf32> to vector<16xf32>
        %mul3A_271 = arith.constant 3.200000e+01 : f32
        %mul3A_272 = vector.broadcast %mul3A_271 : f32 to vector<16xf32>
        %mul3A_273 = arith.mulf %get3A_270, %mul3A_272 : vector<16xf32>
        %swap3A_274 = arith.index_cast %shift_right_arithmetic3A_206 : i32 to index
        %swap3A_275 = arith.index_cast %add3A_266 : i32 to index
        %swap3A_276 = tpu.vector_load %arg9[%swap3A_274, %swap3A_275] {strides = array<i32>} : memref<16x1024xf32, #tpu.memory_space<vmem>>, vector<1x16xf32>,
        %swap3A_277 = vector.shape_cast %swap3A_276 : vector<1x16xf32> to vector<16xf32>
        %swap3A_278 = vector.shape_cast %mul3A_273 : vector<16xf32> to vector<1x16xf32>
        tpu.vector_store %arg9[%swap3A_274, %swap3A_275], %swap3A_278 {strides = array<i32>} : memref<16x1024xf32, #tpu.memory_space<vmem>>, vector<1x16xf32>,
        %add3A_279 = arith.constant 80 : i32
        %add3A_280 = arith.addi %mul3A_210, %add3A_279 : i32
        %get3A_281 = arith.index_cast %shift_right_arithmetic3A_206 : i32 to index
        %get3A_282 = arith.index_cast %add3A_280 : i32 to index
        %get3A_283 = tpu.vector_load %arg9[%get3A_281, %get3A_282] {strides = array<i32>} : memref<16x1024xf32, #tpu.memory_space<vmem>>, vector<1x16xf32>,
        %get3A_284 = vector.shape_cast %get3A_283 : vector<1x16xf32> to vector<16xf32>
        %mul3A_285 = arith.constant 3.200000e+01 : f32
        %mul3A_286 = vector.broadcast %mul3A_285 : f32 to vector<16xf32>
        %mul3A_287 = arith.mulf %get3A_284, %mul3A_286 : vector<16xf32>
        %swap3A_288 = arith.index_cast %shift_right_arithmetic3A_206 : i32 to index
        %swap3A_289 = arith.index_cast %add3A_280 : i32 to index
        %swap3A_290 = tpu.vector_load %arg9[%swap3A_288, %swap3A_289] {strides = array<i32>} : memref<16x1024xf32, #tpu.memory_space<vmem>>, vector<1x16xf32>,
        %swap3A_291 = vector.shape_cast %swap3A_290 : vector<1x16xf32> to vector<16xf32>
        %swap3A_292 = vector.shape_cast %mul3A_287 : vector<16xf32> to vector<1x16xf32>
        tpu.vector_store %arg9[%swap3A_288, %swap3A_289], %swap3A_292 {strides = array<i32>} : memref<16x1024xf32, #tpu.memory_space<vmem>>, vector<1x16xf32>,
        %add3A_293 = arith.constant 96 : i32
        %add3A_294 = arith.addi %mul3A_210, %add3A_293 : i32
        %get3A_295 = arith.index_cast %shift_right_arithmetic3A_206 : i32 to index
        %get3A_296 = arith.index_cast %add3A_294 : i32 to index
        %get3A_297 = tpu.vector_load %arg9[%get3A_295, %get3A_296] {strides = array<i32>} : memref<16x1024xf32, #tpu.memory_space<vmem>>, vector<1x16xf32>,
        %get3A_298 = vector.shape_cast %get3A_297 : vector<1x16xf32> to vector<16xf32>
        %mul3A_299 = arith.constant 3.200000e+01 : f32
        %mul3A_300 = vector.broadcast %mul3A_299 : f32 to vector<16xf32>
        %mul3A_301 = arith.mulf %get3A_298, %mul3A_300 : vector<16xf32>
        %swap3A_302 = arith.index_cast %shift_right_arithmetic3A_206 : i32 to index
        %swap3A_303 = arith.index_cast %add3A_294 : i32 to index
        %swap3A_304 = tpu.vector_load %arg9[%swap3A_302, %swap3A_303] {strides = array<i32>} : memref<16x1024xf32, #tpu.memory_space<vmem>>, vector<1x16xf32>,
        %swap3A_305 = vector.shape_cast %swap3A_304 : vector<1x16xf32> to vector<16xf32>
        %swap3A_306 = vector.shape_cast %mul3A_301 : vector<16xf32> to vector<1x16xf32>
        tpu.vector_store %arg9[%swap3A_302, %swap3A_303], %swap3A_306 {strides = array<i32>} : memref<16x1024xf32, #tpu.memory_space<vmem>>, vector<1x16xf32>,
        %add3A_307 = arith.constant 112 : i32
        %add3A_308 = arith.addi %mul3A_210, %add3A_307 : i32
        %get3A_309 = arith.index_cast %shift_right_arithmetic3A_206 : i32 to index
        %get3A_310 = arith.index_cast %add3A_308 : i32 to index
        %get3A_311 = tpu.vector_load %arg9[%get3A_309, %get3A_310] {strides = array<i32>} : memref<16x1024xf32, #tpu.memory_space<vmem>>, vector<1x16xf32>,
        %get3A_312 = vector.shape_cast %get3A_311 : vector<1x16xf32> to vector<16xf32>
        %mul3A_313 = arith.constant 3.200000e+01 : f32
        %mul3A_314 = vector.broadcast %mul3A_313 : f32 to vector<16xf32>
        %mul3A_315 = arith.mulf %get3A_312, %mul3A_314 : vector<16xf32>
        %swap3A_316 = arith.index_cast %shift_right_arithmetic3A_206 : i32 to index
        %swap3A_317 = arith.index_cast %add3A_308 : i32 to index
        %swap3A_318 = tpu.vector_load %arg9[%swap3A_316, %swap3A_317] {strides = array<i32>} : memref<16x1024xf32, #tpu.memory_space<vmem>>, vector<1x16xf32>,
        %swap3A_319 = vector.shape_cast %swap3A_318 : vector<1x16xf32> to vector<16xf32>
        %swap3A_320 = vector.shape_cast %mul3A_315 : vector<16xf32> to vector<1x16xf32>
        tpu.vector_store %arg9[%swap3A_316, %swap3A_317], %swap3A_320 {strides = array<i32>} : memref<16x1024xf32, #tpu.memory_space<vmem>>, vector<1x16xf32>,
        %add3A_321 = arith.constant 128 : i32
        %add3A_322 = arith.addi %mul3A_210, %add3A_321 : i32
        %get3A_323 = arith.index_cast %shift_right_arithmetic3A_206 : i32 to index
        %get3A_324 = arith.index_cast %add3A_322 : i32 to index
        %get3A_325 = tpu.vector_load %arg9[%get3A_323, %get3A_324] {strides = array<i32>} : memref<16x1024xf32, #tpu.memory_space<vmem>>, vector<1x16xf32>,
        %get3A_326 = vector.shape_cast %get3A_325 : vector<1x16xf32> to vector<16xf32>
        %mul3A_327 = arith.constant 3.200000e+01 : f32
        %mul3A_328 = vector.broadcast %mul3A_327 : f32 to vector<16xf32>
        %mul3A_329 = arith.mulf %get3A_326, %mul3A_328 : vector<16xf32>
        %swap3A_330 = arith.index_cast %shift_right_arithmetic3A_206 : i32 to index
        %swap3A_331 = arith.index_cast %add3A_322 : i32 to index
        %swap3A_332 = tpu.vector_load %arg9[%swap3A_330, %swap3A_331] {strides = array<i32>} : memref<16x1024xf32, #tpu.memory_space<vmem>>, vector<1x16xf32>,
        %swap3A_333 = vector.shape_cast %swap3A_332 : vector<1x16xf32> to vector<16xf32>
        %swap3A_334 = vector.shape_cast %mul3A_329 : vector<16xf32> to vector<1x16xf32>
        tpu.vector_store %arg9[%swap3A_330, %swap3A_331], %swap3A_334 {strides = array<i32>} : memref<16x1024xf32, #tpu.memory_space<vmem>>, vector<1x16xf32>,
        %add3A_335 = arith.constant 144 : i32
        %add3A_336 = arith.addi %mul3A_210, %add3A_335 : i32
        %get3A_337 = arith.index_cast %shift_right_arithmetic3A_206 : i32 to index
        %get3A_338 = arith.index_cast %add3A_336 : i32 to index
        %get3A_339 = tpu.vector_load %arg9[%get3A_337, %get3A_338] {strides = array<i32>} : memref<16x1024xf32, #tpu.memory_space<vmem>>, vector<1x16xf32>,
        %get3A_340 = vector.shape_cast %get3A_339 : vector<1x16xf32> to vector<16xf32>
        %mul3A_341 = arith.constant 3.200000e+01 : f32
        %mul3A_342 = vector.broadcast %mul3A_341 : f32 to vector<16xf32>
        %mul3A_343 = arith.mulf %get3A_340, %mul3A_342 : vector<16xf32>
        %swap3A_344 = arith.index_cast %shift_right_arithmetic3A_206 : i32 to index
        %swap3A_345 = arith.index_cast %add3A_336 : i32 to index
        %swap3A_346 = tpu.vector_load %arg9[%swap3A_344, %swap3A_345] {strides = array<i32>} : memref<16x1024xf32, #tpu.memory_space<vmem>>, vector<1x16xf32>,
        %swap3A_347 = vector.shape_cast %swap3A_346 : vector<1x16xf32> to vector<16xf32>
        %swap3A_348 = vector.shape_cast %mul3A_343 : vector<16xf32> to vector<1x16xf32>
        tpu.vector_store %arg9[%swap3A_344, %swap3A_345], %swap3A_348 {strides = array<i32>} : memref<16x1024xf32, #tpu.memory_space<vmem>>, vector<1x16xf32>,
        %add3A_349 = arith.constant 160 : i32
        %add3A_350 = arith.addi %mul3A_210, %add3A_349 : i32
        %get3A_351 = arith.index_cast %shift_right_arithmetic3A_206 : i32 to index
        %get3A_352 = arith.index_cast %add3A_350 : i32 to index
        %get3A_353 = tpu.vector_load %arg9[%get3A_351, %get3A_352] {strides = array<i32>} : memref<16x1024xf32, #tpu.memory_space<vmem>>, vector<1x16xf32>,
        %get3A_354 = vector.shape_cast %get3A_353 : vector<1x16xf32> to vector<16xf32>
        %mul3A_355 = arith.constant 3.200000e+01 : f32
        %mul3A_356 = vector.broadcast %mul3A_355 : f32 to vector<16xf32>
        %mul3A_357 = arith.mulf %get3A_354, %mul3A_356 : vector<16xf32>
        %swap3A_358 = arith.index_cast %shift_right_arithmetic3A_206 : i32 to index
        %swap3A_359 = arith.index_cast %add3A_350 : i32 to index
        %swap3A_360 = tpu.vector_load %arg9[%swap3A_358, %swap3A_359] {strides = array<i32>} : memref<16x1024xf32, #tpu.memory_space<vmem>>, vector<1x16xf32>,
        %swap3A_361 = vector.shape_cast %swap3A_360 : vector<1x16xf32> to vector<16xf32>
        %swap3A_362 = vector.shape_cast %mul3A_357 : vector<16xf32> to vector<1x16xf32>
        tpu.vector_store %arg9[%swap3A_358, %swap3A_359], %swap3A_362 {strides = array<i32>} : memref<16x1024xf32, #tpu.memory_space<vmem>>, vector<1x16xf32>,
        %add3A_363 = arith.constant 176 : i32
        %add3A_364 = arith.addi %mul3A_210, %add3A_363 : i32
        %get3A_365 = arith.index_cast %shift_right_arithmetic3A_206 : i32 to index
        %get3A_366 = arith.index_cast %add3A_364 : i32 to index
        %get3A_367 = tpu.vector_load %arg9[%get3A_365, %get3A_366] {strides = array<i32>} : memref<16x1024xf32, #tpu.memory_space<vmem>>, vector<1x16xf32>,
        %get3A_368 = vector.shape_cast %get3A_367 : vector<1x16xf32> to vector<16xf32>
        %mul3A_369 = arith.constant 3.200000e+01 : f32
        %mul3A_370 = vector.broadcast %mul3A_369 : f32 to vector<16xf32>
        %mul3A_371 = arith.mulf %get3A_368, %mul3A_370 : vector<16xf32>
        %swap3A_372 = arith.index_cast %shift_right_arithmetic3A_206 : i32 to index
        %swap3A_373 = arith.index_cast %add3A_364 : i32 to index
        %swap3A_374 = tpu.vector_load %arg9[%swap3A_372, %swap3A_373] {strides = array<i32>} : memref<16x1024xf32, #tpu.memory_space<vmem>>, vector<1x16xf32>,
        %swap3A_375 = vector.shape_cast %swap3A_374 : vector<1x16xf32> to vector<16xf32>
        %swap3A_376 = vector.shape_cast %mul3A_371 : vector<16xf32> to vector<1x16xf32>
        tpu.vector_store %arg9[%swap3A_372, %swap3A_373], %swap3A_376 {strides = array<i32>} : memref<16x1024xf32, #tpu.memory_space<vmem>>, vector<1x16xf32>,
        %add3A_377 = arith.constant 192 : i32
        %add3A_378 = arith.addi %mul3A_210, %add3A_377 : i32
        %get3A_379 = arith.index_cast %shift_right_arithmetic3A_206 : i32 to index
        %get3A_380 = arith.index_cast %add3A_378 : i32 to index
        %get3A_381 = tpu.vector_load %arg9[%get3A_379, %get3A_380] {strides = array<i32>} : memref<16x1024xf32, #tpu.memory_space<vmem>>, vector<1x16xf32>,
        %get3A_382 = vector.shape_cast %get3A_381 : vector<1x16xf32> to vector<16xf32>
        %mul3A_383 = arith.constant 3.200000e+01 : f32
        %mul3A_384 = vector.broadcast %mul3A_383 : f32 to vector<16xf32>
        %mul3A_385 = arith.mulf %get3A_382, %mul3A_384 : vector<16xf32>
        %swap3A_386 = arith.index_cast %shift_right_arithmetic3A_206 : i32 to index
        %swap3A_387 = arith.index_cast %add3A_378 : i32 to index
        %swap3A_388 = tpu.vector_load %arg9[%swap3A_386, %swap3A_387] {strides = array<i32>} : memref<16x1024xf32, #tpu.memory_space<vmem>>, vector<1x16xf32>,
        %swap3A_389 = vector.shape_cast %swap3A_388 : vector<1x16xf32> to vector<16xf32>
        %swap3A_390 = vector.shape_cast %mul3A_385 : vector<16xf32> to vector<1x16xf32>
        tpu.vector_store %arg9[%swap3A_386, %swap3A_387], %swap3A_390 {strides = array<i32>} : memref<16x1024xf32, #tpu.memory_space<vmem>>, vector<1x16xf32>,
        %add3A_391 = arith.constant 208 : i32
        %add3A_392 = arith.addi %mul3A_210, %add3A_391 : i32
        %get3A_393 = arith.index_cast %shift_right_arithmetic3A_206 : i32 to index
        %get3A_394 = arith.index_cast %add3A_392 : i32 to index
        %get3A_395 = tpu.vector_load %arg9[%get3A_393, %get3A_394] {strides = array<i32>} : memref<16x1024xf32, #tpu.memory_space<vmem>>, vector<1x16xf32>,
        %get3A_396 = vector.shape_cast %get3A_395 : vector<1x16xf32> to vector<16xf32>
        %mul3A_397 = arith.constant 3.200000e+01 : f32
        %mul3A_398 = vector.broadcast %mul3A_397 : f32 to vector<16xf32>
        %mul3A_399 = arith.mulf %get3A_396, %mul3A_398 : vector<16xf32>
        %swap3A_400 = arith.index_cast %shift_right_arithmetic3A_206 : i32 to index
        %swap3A_401 = arith.index_cast %add3A_392 : i32 to index
        %swap3A_402 = tpu.vector_load %arg9[%swap3A_400, %swap3A_401] {strides = array<i32>} : memref<16x1024xf32, #tpu.memory_space<vmem>>, vector<1x16xf32>,
        %swap3A_403 = vector.shape_cast %swap3A_402 : vector<1x16xf32> to vector<16xf32>
        %swap3A_404 = vector.shape_cast %mul3A_399 : vector<16xf32> to vector<1x16xf32>
        tpu.vector_store %arg9[%swap3A_400, %swap3A_401], %swap3A_404 {strides = array<i32>} : memref<16x1024xf32, #tpu.memory_space<vmem>>, vector<1x16xf32>,
        %add3A_405 = arith.constant 224 : i32
        %add3A_406 = arith.addi %mul3A_210, %add3A_405 : i32
        %get3A_407 = arith.index_cast %shift_right_arithmetic3A_206 : i32 to index
        %get3A_408 = arith.index_cast %add3A_406 : i32 to index
        %get3A_409 = tpu.vector_load %arg9[%get3A_407, %get3A_408] {strides = array<i32>} : memref<16x1024xf32, #tpu.memory_space<vmem>>, vector<1x16xf32>,
        %get3A_410 = vector.shape_cast %get3A_409 : vector<1x16xf32> to vector<16xf32>
        %mul3A_411 = arith.constant 3.200000e+01 : f32
        %mul3A_412 = vector.broadcast %mul3A_411 : f32 to vector<16xf32>
        %mul3A_413 = arith.mulf %get3A_410, %mul3A_412 : vector<16xf32>
        %swap3A_414 = arith.index_cast %shift_right_arithmetic3A_206 : i32 to index
        %swap3A_415 = arith.index_cast %add3A_406 : i32 to index
        %swap3A_416 = tpu.vector_load %arg9[%swap3A_414, %swap3A_415] {strides = array<i32>} : memref<16x1024xf32, #tpu.memory_space<vmem>>, vector<1x16xf32>,
        %swap3A_417 = vector.shape_cast %swap3A_416 : vector<1x16xf32> to vector<16xf32>
        %swap3A_418 = vector.shape_cast %mul3A_413 : vector<16xf32> to vector<1x16xf32>
        tpu.vector_store %arg9[%swap3A_414, %swap3A_415], %swap3A_418 {strides = array<i32>} : memref<16x1024xf32, #tpu.memory_space<vmem>>, vector<1x16xf32>,
        %add3A_419 = arith.constant 240 : i32
        %add3A_420 = arith.addi %mul3A_210, %add3A_419 : i32
        %get3A_421 = arith.index_cast %shift_right_arithmetic3A_206 : i32 to index
        %get3A_422 = arith.index_cast %add3A_420 : i32 to index
        %get3A_423 = tpu.vector_load %arg9[%get3A_421, %get3A_422] {strides = array<i32>} : memref<16x1024xf32, #tpu.memory_space<vmem>>, vector<1x16xf32>,
        %get3A_424 = vector.shape_cast %get3A_423 : vector<1x16xf32> to vector<16xf32>
        %mul3A_425 = arith.constant 3.200000e+01 : f32
        %mul3A_426 = vector.broadcast %mul3A_425 : f32 to vector<16xf32>
        %mul3A_427 = arith.mulf %get3A_424, %mul3A_426 : vector<16xf32>
        %swap3A_428 = arith.index_cast %shift_right_arithmetic3A_206 : i32 to index
        %swap3A_429 = arith.index_cast %add3A_420 : i32 to index
        %swap3A_430 = tpu.vector_load %arg9[%swap3A_428, %swap3A_429] {strides = array<i32>} : memref<16x1024xf32, #tpu.memory_space<vmem>>, vector<1x16xf32>,
        %swap3A_431 = vector.shape_cast %swap3A_430 : vector<1x16xf32> to vector<16xf32>
        %swap3A_432 = vector.shape_cast %mul3A_427 : vector<16xf32> to vector<1x16xf32>
        tpu.vector_store %arg9[%swap3A_428, %swap3A_429], %swap3A_432 {strides = array<i32>} : memref<16x1024xf32, #tpu.memory_space<vmem>>, vector<1x16xf32>,
        %add3A_433 = arith.constant 256 : i32
        %add3A_434 = arith.addi %mul3A_210, %add3A_433 : i32
        %get3A_435 = arith.index_cast %shift_right_arithmetic3A_206 : i32 to index
        %get3A_436 = arith.index_cast %add3A_434 : i32 to index
        %get3A_437 = tpu.vector_load %arg9[%get3A_435, %get3A_436] {strides = array<i32>} : memref<16x1024xf32, #tpu.memory_space<vmem>>, vector<1x16xf32>,
        %get3A_438 = vector.shape_cast %get3A_437 : vector<1x16xf32> to vector<16xf32>
        %mul3A_439 = arith.constant 3.200000e+01 : f32
        %mul3A_440 = vector.broadcast %mul3A_439 : f32 to vector<16xf32>
        %mul3A_441 = arith.mulf %get3A_438, %mul3A_440 : vector<16xf32>
        %swap3A_442 = arith.index_cast %shift_right_arithmetic3A_206 : i32 to index
        %swap3A_443 = arith.index_cast %add3A_434 : i32 to index
        %swap3A_444 = tpu.vector_load %arg9[%swap3A_442, %swap3A_443] {strides = array<i32>} : memref<16x1024xf32, #tpu.memory_space<vmem>>, vector<1x16xf32>,
        %swap3A_445 = vector.shape_cast %swap3A_444 : vector<1x16xf32> to vector<16xf32>
        %swap3A_446 = vector.shape_cast %mul3A_441 : vector<16xf32> to vector<1x16xf32>
        tpu.vector_store %arg9[%swap3A_442, %swap3A_443], %swap3A_446 {strides = array<i32>} : memref<16x1024xf32, #tpu.memory_space<vmem>>, vector<1x16xf32>,
        %add3A_447 = arith.constant 272 : i32
        %add3A_448 = arith.addi %mul3A_210, %add3A_447 : i32
        %get3A_449 = arith.index_cast %shift_right_arithmetic3A_206 : i32 to index
        %get3A_450 = arith.index_cast %add3A_448 : i32 to index
        %get3A_451 = tpu.vector_load %arg9[%get3A_449, %get3A_450] {strides = array<i32>} : memref<16x1024xf32, #tpu.memory_space<vmem>>, vector<1x16xf32>,
        %get3A_452 = vector.shape_cast %get3A_451 : vector<1x16xf32> to vector<16xf32>
        %mul3A_453 = arith.constant 3.200000e+01 : f32
        %mul3A_454 = vector.broadcast %mul3A_453 : f32 to vector<16xf32>
        %mul3A_455 = arith.mulf %get3A_452, %mul3A_454 : vector<16xf32>
        %swap3A_456 = arith.index_cast %shift_right_arithmetic3A_206 : i32 to index
        %swap3A_457 = arith.index_cast %add3A_448 : i32 to index
        %swap3A_458 = tpu.vector_load %arg9[%swap3A_456, %swap3A_457] {strides = array<i32>} : memref<16x1024xf32, #tpu.memory_space<vmem>>, vector<1x16xf32>,
        %swap3A_459 = vector.shape_cast %swap3A_458 : vector<1x16xf32> to vector<16xf32>
        %swap3A_460 = vector.shape_cast %mul3A_455 : vector<16xf32> to vector<1x16xf32>
        tpu.vector_store %arg9[%swap3A_456, %swap3A_457], %swap3A_460 {strides = array<i32>} : memref<16x1024xf32, #tpu.memory_space<vmem>>, vector<1x16xf32>,
        %add3A_461 = arith.constant 288 : i32
        %add3A_462 = arith.addi %mul3A_210, %add3A_461 : i32
        %get3A_463 = arith.index_cast %shift_right_arithmetic3A_206 : i32 to index
        %get3A_464 = arith.index_cast %add3A_462 : i32 to index
        %get3A_465 = tpu.vector_load %arg9[%get3A_463, %get3A_464] {strides = array<i32>} : memref<16x1024xf32, #tpu.memory_space<vmem>>, vector<1x16xf32>,
        %get3A_466 = vector.shape_cast %get3A_465 : vector<1x16xf32> to vector<16xf32>
        %mul3A_467 = arith.constant 3.200000e+01 : f32
        %mul3A_468 = vector.broadcast %mul3A_467 : f32 to vector<16xf32>
        %mul3A_469 = arith.mulf %get3A_466, %mul3A_468 : vector<16xf32>
        %swap3A_470 = arith.index_cast %shift_right_arithmetic3A_206 : i32 to index
        %swap3A_471 = arith.index_cast %add3A_462 : i32 to index
        %swap3A_472 = tpu.vector_load %arg9[%swap3A_470, %swap3A_471] {strides = array<i32>} : memref<16x1024xf32, #tpu.memory_space<vmem>>, vector<1x16xf32>,
        %swap3A_473 = vector.shape_cast %swap3A_472 : vector<1x16xf32> to vector<16xf32>
        %swap3A_474 = vector.shape_cast %mul3A_469 : vector<16xf32> to vector<1x16xf32>
        tpu.vector_store %arg9[%swap3A_470, %swap3A_471], %swap3A_474 {strides = array<i32>} : memref<16x1024xf32, #tpu.memory_space<vmem>>, vector<1x16xf32>,
        %add3A_475 = arith.constant 304 : i32
        %add3A_476 = arith.addi %mul3A_210, %add3A_475 : i32
        %get3A_477 = arith.index_cast %shift_right_arithmetic3A_206 : i32 to index
        %get3A_478 = arith.index_cast %add3A_476 : i32 to index
        %get3A_479 = tpu.vector_load %arg9[%get3A_477, %get3A_478] {strides = array<i32>} : memref<16x1024xf32, #tpu.memory_space<vmem>>, vector<1x16xf32>,
        %get3A_480 = vector.shape_cast %get3A_479 : vector<1x16xf32> to vector<16xf32>
        %mul3A_481 = arith.constant 3.200000e+01 : f32
        %mul3A_482 = vector.broadcast %mul3A_481 : f32 to vector<16xf32>
        %mul3A_483 = arith.mulf %get3A_480, %mul3A_482 : vector<16xf32>
        %swap3A_484 = arith.index_cast %shift_right_arithmetic3A_206 : i32 to index
        %swap3A_485 = arith.index_cast %add3A_476 : i32 to index
        %swap3A_486 = tpu.vector_load %arg9[%swap3A_484, %swap3A_485] {strides = array<i32>} : memref<16x1024xf32, #tpu.memory_space<vmem>>, vector<1x16xf32>,
        %swap3A_487 = vector.shape_cast %swap3A_486 : vector<1x16xf32> to vector<16xf32>
        %swap3A_488 = vector.shape_cast %mul3A_483 : vector<16xf32> to vector<1x16xf32>
        tpu.vector_store %arg9[%swap3A_484, %swap3A_485], %swap3A_488 {strides = array<i32>} : memref<16x1024xf32, #tpu.memory_space<vmem>>, vector<1x16xf32>,
        %add3A_489 = arith.constant 320 : i32
        %add3A_490 = arith.addi %mul3A_210, %add3A_489 : i32
        %get3A_491 = arith.index_cast %shift_right_arithmetic3A_206 : i32 to index
        %get3A_492 = arith.index_cast %add3A_490 : i32 to index
        %get3A_493 = tpu.vector_load %arg9[%get3A_491, %get3A_492] {strides = array<i32>} : memref<16x1024xf32, #tpu.memory_space<vmem>>, vector<1x16xf32>,
        %get3A_494 = vector.shape_cast %get3A_493 : vector<1x16xf32> to vector<16xf32>
        %mul3A_495 = arith.constant 3.200000e+01 : f32
        %mul3A_496 = vector.broadcast %mul3A_495 : f32 to vector<16xf32>
        %mul3A_497 = arith.mulf %get3A_494, %mul3A_496 : vector<16xf32>
        %swap3A_498 = arith.index_cast %shift_right_arithmetic3A_206 : i32 to index
        %swap3A_499 = arith.index_cast %add3A_490 : i32 to index
        %swap3A_500 = tpu.vector_load %arg9[%swap3A_498, %swap3A_499] {strides = array<i32>} : memref<16x1024xf32, #tpu.memory_space<vmem>>, vector<1x16xf32>,
        %swap3A_501 = vector.shape_cast %swap3A_500 : vector<1x16xf32> to vector<16xf32>
        %swap3A_502 = vector.shape_cast %mul3A_497 : vector<16xf32> to vector<1x16xf32>
        tpu.vector_store %arg9[%swap3A_498, %swap3A_499], %swap3A_502 {strides = array<i32>} : memref<16x1024xf32, #tpu.memory_space<vmem>>, vector<1x16xf32>,
        %add3A_503 = arith.constant 336 : i32
        %add3A_504 = arith.addi %mul3A_210, %add3A_503 : i32
        %get3A_505 = arith.index_cast %shift_right_arithmetic3A_206 : i32 to index
        %get3A_506 = arith.index_cast %add3A_504 : i32 to index
        %get3A_507 = tpu.vector_load %arg9[%get3A_505, %get3A_506] {strides = array<i32>} : memref<16x1024xf32, #tpu.memory_space<vmem>>, vector<1x16xf32>,
        %get3A_508 = vector.shape_cast %get3A_507 : vector<1x16xf32> to vector<16xf32>
        %mul3A_509 = arith.constant 3.200000e+01 : f32
        %mul3A_510 = vector.broadcast %mul3A_509 : f32 to vector<16xf32>
        %mul3A_511 = arith.mulf %get3A_508, %mul3A_510 : vector<16xf32>
        %swap3A_512 = arith.index_cast %shift_right_arithmetic3A_206 : i32 to index
        %swap3A_513 = arith.index_cast %add3A_504 : i32 to index
        %swap3A_514 = tpu.vector_load %arg9[%swap3A_512, %swap3A_513] {strides = array<i32>} : memref<16x1024xf32, #tpu.memory_space<vmem>>, vector<1x16xf32>,
        %swap3A_515 = vector.shape_cast %swap3A_514 : vector<1x16xf32> to vector<16xf32>
        %swap3A_516 = vector.shape_cast %mul3A_511 : vector<16xf32> to vector<1x16xf32>
        tpu.vector_store %arg9[%swap3A_512, %swap3A_513], %swap3A_516 {strides = array<i32>} : memref<16x1024xf32, #tpu.memory_space<vmem>>, vector<1x16xf32>,
        %add3A_517 = arith.constant 352 : i32
        %add3A_518 = arith.addi %mul3A_210, %add3A_517 : i32
        %get3A_519 = arith.index_cast %shift_right_arithmetic3A_206 : i32 to index
        %get3A_520 = arith.index_cast %add3A_518 : i32 to index
        %get3A_521 = tpu.vector_load %arg9[%get3A_519, %get3A_520] {strides = array<i32>} : memref<16x1024xf32, #tpu.memory_space<vmem>>, vector<1x16xf32>,
        %get3A_522 = vector.shape_cast %get3A_521 : vector<1x16xf32> to vector<16xf32>
        %mul3A_523 = arith.constant 3.200000e+01 : f32
        %mul3A_524 = vector.broadcast %mul3A_523 : f32 to vector<16xf32>
        %mul3A_525 = arith.mulf %get3A_522, %mul3A_524 : vector<16xf32>
        %swap3A_526 = arith.index_cast %shift_right_arithmetic3A_206 : i32 to index
        %swap3A_527 = arith.index_cast %add3A_518 : i32 to index
        %swap3A_528 = tpu.vector_load %arg9[%swap3A_526, %swap3A_527] {strides = array<i32>} : memref<16x1024xf32, #tpu.memory_space<vmem>>, vector<1x16xf32>,
        %swap3A_529 = vector.shape_cast %swap3A_528 : vector<1x16xf32> to vector<16xf32>
        %swap3A_530 = vector.shape_cast %mul3A_525 : vector<16xf32> to vector<1x16xf32>
        tpu.vector_store %arg9[%swap3A_526, %swap3A_527], %swap3A_530 {strides = array<i32>} : memref<16x1024xf32, #tpu.memory_space<vmem>>, vector<1x16xf32>,
        %add3A_531 = arith.constant 368 : i32
        %add3A_532 = arith.addi %mul3A_210, %add3A_531 : i32
        %get3A_533 = arith.index_cast %shift_right_arithmetic3A_206 : i32 to index
        %get3A_534 = arith.index_cast %add3A_532 : i32 to index
        %get3A_535 = tpu.vector_load %arg9[%get3A_533, %get3A_534] {strides = array<i32>} : memref<16x1024xf32, #tpu.memory_space<vmem>>, vector<1x16xf32>,
        %get3A_536 = vector.shape_cast %get3A_535 : vector<1x16xf32> to vector<16xf32>
        %mul3A_537 = arith.constant 3.200000e+01 : f32
        %mul3A_538 = vector.broadcast %mul3A_537 : f32 to vector<16xf32>
        %mul3A_539 = arith.mulf %get3A_536, %mul3A_538 : vector<16xf32>
        %swap3A_540 = arith.index_cast %shift_right_arithmetic3A_206 : i32 to index
        %swap3A_541 = arith.index_cast %add3A_532 : i32 to index
        %swap3A_542 = tpu.vector_load %arg9[%swap3A_540, %swap3A_541] {strides = array<i32>} : memref<16x1024xf32, #tpu.memory_space<vmem>>, vector<1x16xf32>,
        %swap3A_543 = vector.shape_cast %swap3A_542 : vector<1x16xf32> to vector<16xf32>
        %swap3A_544 = vector.shape_cast %mul3A_539 : vector<16xf32> to vector<1x16xf32>
        tpu.vector_store %arg9[%swap3A_540, %swap3A_541], %swap3A_544 {strides = array<i32>} : memref<16x1024xf32, #tpu.memory_space<vmem>>, vector<1x16xf32>,
        %add3A_545 = arith.constant 384 : i32
        %add3A_546 = arith.addi %mul3A_210, %add3A_545 : i32
        %get3A_547 = arith.index_cast %shift_right_arithmetic3A_206 : i32 to index
        %get3A_548 = arith.index_cast %add3A_546 : i32 to index
        %get3A_549 = tpu.vector_load %arg9[%get3A_547, %get3A_548] {strides = array<i32>} : memref<16x1024xf32, #tpu.memory_space<vmem>>, vector<1x16xf32>,
        %get3A_550 = vector.shape_cast %get3A_549 : vector<1x16xf32> to vector<16xf32>
        %mul3A_551 = arith.constant 3.200000e+01 : f32
        %mul3A_552 = vector.broadcast %mul3A_551 : f32 to vector<16xf32>
        %mul3A_553 = arith.mulf %get3A_550, %mul3A_552 : vector<16xf32>
        %swap3A_554 = arith.index_cast %shift_right_arithmetic3A_206 : i32 to index
        %swap3A_555 = arith.index_cast %add3A_546 : i32 to index
        %swap3A_556 = tpu.vector_load %arg9[%swap3A_554, %swap3A_555] {strides = array<i32>} : memref<16x1024xf32, #tpu.memory_space<vmem>>, vector<1x16xf32>,
        %swap3A_557 = vector.shape_cast %swap3A_556 : vector<1x16xf32> to vector<16xf32>
        %swap3A_558 = vector.shape_cast %mul3A_553 : vector<16xf32> to vector<1x16xf32>
        tpu.vector_store %arg9[%swap3A_554, %swap3A_555], %swap3A_558 {strides = array<i32>} : memref<16x1024xf32, #tpu.memory_space<vmem>>, vector<1x16xf32>,
        %add3A_559 = arith.constant 400 : i32
        %add3A_560 = arith.addi %mul3A_210, %add3A_559 : i32
        %get3A_561 = arith.index_cast %shift_right_arithmetic3A_206 : i32 to index
        %get3A_562 = arith.index_cast %add3A_560 : i32 to index
        %get3A_563 = tpu.vector_load %arg9[%get3A_561, %get3A_562] {strides = array<i32>} : memref<16x1024xf32, #tpu.memory_space<vmem>>, vector<1x16xf32>,
        %get3A_564 = vector.shape_cast %get3A_563 : vector<1x16xf32> to vector<16xf32>
        %mul3A_565 = arith.constant 3.200000e+01 : f32
        %mul3A_566 = vector.broadcast %mul3A_565 : f32 to vector<16xf32>
        %mul3A_567 = arith.mulf %get3A_564, %mul3A_566 : vector<16xf32>
        %swap3A_568 = arith.index_cast %shift_right_arithmetic3A_206 : i32 to index
        %swap3A_569 = arith.index_cast %add3A_560 : i32 to index
        %swap3A_570 = tpu.vector_load %arg9[%swap3A_568, %swap3A_569] {strides = array<i32>} : memref<16x1024xf32, #tpu.memory_space<vmem>>, vector<1x16xf32>,
        %swap3A_571 = vector.shape_cast %swap3A_570 : vector<1x16xf32> to vector<16xf32>
        %swap3A_572 = vector.shape_cast %mul3A_567 : vector<16xf32> to vector<1x16xf32>
        tpu.vector_store %arg9[%swap3A_568, %swap3A_569], %swap3A_572 {strides = array<i32>} : memref<16x1024xf32, #tpu.memory_space<vmem>>, vector<1x16xf32>,
        %add3A_573 = arith.constant 416 : i32
        %add3A_574 = arith.addi %mul3A_210, %add3A_573 : i32
        %get3A_575 = arith.index_cast %shift_right_arithmetic3A_206 : i32 to index
        %get3A_576 = arith.index_cast %add3A_574 : i32 to index
        %get3A_577 = tpu.vector_load %arg9[%get3A_575, %get3A_576] {strides = array<i32>} : memref<16x1024xf32, #tpu.memory_space<vmem>>, vector<1x16xf32>,
        %get3A_578 = vector.shape_cast %get3A_577 : vector<1x16xf32> to vector<16xf32>
        %mul3A_579 = arith.constant 3.200000e+01 : f32
        %mul3A_580 = vector.broadcast %mul3A_579 : f32 to vector<16xf32>
        %mul3A_581 = arith.mulf %get3A_578, %mul3A_580 : vector<16xf32>
        %swap3A_582 = arith.index_cast %shift_right_arithmetic3A_206 : i32 to index
        %swap3A_583 = arith.index_cast %add3A_574 : i32 to index
        %swap3A_584 = tpu.vector_load %arg9[%swap3A_582, %swap3A_583] {strides = array<i32>} : memref<16x1024xf32, #tpu.memory_space<vmem>>, vector<1x16xf32>,
        %swap3A_585 = vector.shape_cast %swap3A_584 : vector<1x16xf32> to vector<16xf32>
        %swap3A_586 = vector.shape_cast %mul3A_581 : vector<16xf32> to vector<1x16xf32>
        tpu.vector_store %arg9[%swap3A_582, %swap3A_583], %swap3A_586 {strides = array<i32>} : memref<16x1024xf32, #tpu.memory_space<vmem>>, vector<1x16xf32>,
        %add3A_587 = arith.constant 432 : i32
        %add3A_588 = arith.addi %mul3A_210, %add3A_587 : i32
        %get3A_589 = arith.index_cast %shift_right_arithmetic3A_206 : i32 to index
        %get3A_590 = arith.index_cast %add3A_588 : i32 to index
        %get3A_591 = tpu.vector_load %arg9[%get3A_589, %get3A_590] {strides = array<i32>} : memref<16x1024xf32, #tpu.memory_space<vmem>>, vector<1x16xf32>,
        %get3A_592 = vector.shape_cast %get3A_591 : vector<1x16xf32> to vector<16xf32>
        %mul3A_593 = arith.constant 3.200000e+01 : f32
        %mul3A_594 = vector.broadcast %mul3A_593 : f32 to vector<16xf32>
        %mul3A_595 = arith.mulf %get3A_592, %mul3A_594 : vector<16xf32>
        %swap3A_596 = arith.index_cast %shift_right_arithmetic3A_206 : i32 to index
        %swap3A_597 = arith.index_cast %add3A_588 : i32 to index
        %swap3A_598 = tpu.vector_load %arg9[%swap3A_596, %swap3A_597] {strides = array<i32>} : memref<16x1024xf32, #tpu.memory_space<vmem>>, vector<1x16xf32>,
        %swap3A_599 = vector.shape_cast %swap3A_598 : vector<1x16xf32> to vector<16xf32>
        %swap3A_600 = vector.shape_cast %mul3A_595 : vector<16xf32> to vector<1x16xf32>
        tpu.vector_store %arg9[%swap3A_596, %swap3A_597], %swap3A_600 {strides = array<i32>} : memref<16x1024xf32, #tpu.memory_space<vmem>>, vector<1x16xf32>,
        %add3A_601 = arith.constant 448 : i32
        %add3A_602 = arith.addi %mul3A_210, %add3A_601 : i32
        %get3A_603 = arith.index_cast %shift_right_arithmetic3A_206 : i32 to index
        %get3A_604 = arith.index_cast %add3A_602 : i32 to index
        %get3A_605 = tpu.vector_load %arg9[%get3A_603, %get3A_604] {strides = array<i32>} : memref<16x1024xf32, #tpu.memory_space<vmem>>, vector<1x16xf32>,
        %get3A_606 = vector.shape_cast %get3A_605 : vector<1x16xf32> to vector<16xf32>
        %mul3A_607 = arith.constant 3.200000e+01 : f32
        %mul3A_608 = vector.broadcast %mul3A_607 : f32 to vector<16xf32>
        %mul3A_609 = arith.mulf %get3A_606, %mul3A_608 : vector<16xf32>
        %swap3A_610 = arith.index_cast %shift_right_arithmetic3A_206 : i32 to index
        %swap3A_611 = arith.index_cast %add3A_602 : i32 to index
        %swap3A_612 = tpu.vector_load %arg9[%swap3A_610, %swap3A_611] {strides = array<i32>} : memref<16x1024xf32, #tpu.memory_space<vmem>>, vector<1x16xf32>,
        %swap3A_613 = vector.shape_cast %swap3A_612 : vector<1x16xf32> to vector<16xf32>
        %swap3A_614 = vector.shape_cast %mul3A_609 : vector<16xf32> to vector<1x16xf32>
        tpu.vector_store %arg9[%swap3A_610, %swap3A_611], %swap3A_614 {strides = array<i32>} : memref<16x1024xf32, #tpu.memory_space<vmem>>, vector<1x16xf32>,
        %add3A_615 = arith.constant 464 : i32
        %add3A_616 = arith.addi %mul3A_210, %add3A_615 : i32
        %get3A_617 = arith.index_cast %shift_right_arithmetic3A_206 : i32 to index
        %get3A_618 = arith.index_cast %add3A_616 : i32 to index
        %get3A_619 = tpu.vector_load %arg9[%get3A_617, %get3A_618] {strides = array<i32>} : memref<16x1024xf32, #tpu.memory_space<vmem>>, vector<1x16xf32>,
        %get3A_620 = vector.shape_cast %get3A_619 : vector<1x16xf32> to vector<16xf32>
        %mul3A_621 = arith.constant 3.200000e+01 : f32
        %mul3A_622 = vector.broadcast %mul3A_621 : f32 to vector<16xf32>
        %mul3A_623 = arith.mulf %get3A_620, %mul3A_622 : vector<16xf32>
        %swap3A_624 = arith.index_cast %shift_right_arithmetic3A_206 : i32 to index
        %swap3A_625 = arith.index_cast %add3A_616 : i32 to index
        %swap3A_626 = tpu.vector_load %arg9[%swap3A_624, %swap3A_625] {strides = array<i32>} : memref<16x1024xf32, #tpu.memory_space<vmem>>, vector<1x16xf32>,
        %swap3A_627 = vector.shape_cast %swap3A_626 : vector<1x16xf32> to vector<16xf32>
        %swap3A_628 = vector.shape_cast %mul3A_623 : vector<16xf32> to vector<1x16xf32>
        tpu.vector_store %arg9[%swap3A_624, %swap3A_625], %swap3A_628 {strides = array<i32>} : memref<16x1024xf32, #tpu.memory_space<vmem>>, vector<1x16xf32>,
        %add3A_629 = arith.constant 480 : i32
        %add3A_630 = arith.addi %mul3A_210, %add3A_629 : i32
        %get3A_631 = arith.index_cast %shift_right_arithmetic3A_206 : i32 to index
        %get3A_632 = arith.index_cast %add3A_630 : i32 to index
        %get3A_633 = tpu.vector_load %arg9[%get3A_631, %get3A_632] {strides = array<i32>} : memref<16x1024xf32, #tpu.memory_space<vmem>>, vector<1x16xf32>,
        %get3A_634 = vector.shape_cast %get3A_633 : vector<1x16xf32> to vector<16xf32>
        %mul3A_635 = arith.constant 3.200000e+01 : f32
        %mul3A_636 = vector.broadcast %mul3A_635 : f32 to vector<16xf32>
        %mul3A_637 = arith.mulf %get3A_634, %mul3A_636 : vector<16xf32>
        %swap3A_638 = arith.index_cast %shift_right_arithmetic3A_206 : i32 to index
        %swap3A_639 = arith.index_cast %add3A_630 : i32 to index
        %swap3A_640 = tpu.vector_load %arg9[%swap3A_638, %swap3A_639] {strides = array<i32>} : memref<16x1024xf32, #tpu.memory_space<vmem>>, vector<1x16xf32>,
        %swap3A_641 = vector.shape_cast %swap3A_640 : vector<1x16xf32> to vector<16xf32>
        %swap3A_642 = vector.shape_cast %mul3A_637 : vector<16xf32> to vector<1x16xf32>
        tpu.vector_store %arg9[%swap3A_638, %swap3A_639], %swap3A_642 {strides = array<i32>} : memref<16x1024xf32, #tpu.memory_space<vmem>>, vector<1x16xf32>,
        %add3A_643 = arith.constant 496 : i32
        %add3A_644 = arith.addi %mul3A_210, %add3A_643 : i32
        %get3A_645 = arith.index_cast %shift_right_arithmetic3A_206 : i32 to index
        %get3A_646 = arith.index_cast %add3A_644 : i32 to index
        %get3A_647 = tpu.vector_load %arg9[%get3A_645, %get3A_646] {strides = array<i32>} : memref<16x1024xf32, #tpu.memory_space<vmem>>, vector<1x16xf32>,
        %get3A_648 = vector.shape_cast %get3A_647 : vector<1x16xf32> to vector<16xf32>
        %mul3A_649 = arith.constant 3.200000e+01 : f32
        %mul3A_650 = vector.broadcast %mul3A_649 : f32 to vector<16xf32>
        %mul3A_651 = arith.mulf %get3A_648, %mul3A_650 : vector<16xf32>
        %swap3A_652 = arith.index_cast %shift_right_arithmetic3A_206 : i32 to index
        %swap3A_653 = arith.index_cast %add3A_644 : i32 to index
        %swap3A_654 = tpu.vector_load %arg9[%swap3A_652, %swap3A_653] {strides = array<i32>} : memref<16x1024xf32, #tpu.memory_space<vmem>>, vector<1x16xf32>,
        %swap3A_655 = vector.shape_cast %swap3A_654 : vector<1x16xf32> to vector<16xf32>
        %swap3A_656 = vector.shape_cast %mul3A_651 : vector<16xf32> to vector<1x16xf32>
        tpu.vector_store %arg9[%swap3A_652, %swap3A_653], %swap3A_656 {strides = array<i32>} : memref<16x1024xf32, #tpu.memory_space<vmem>>, vector<1x16xf32>,
      }
      %scan3A_195 = arith.constant 32 : i32
      %mul3A_196 = arith.constant 16 : i32
      %mul3A_197 = arith.muli %add3A_176, %mul3A_196 : i32
      %add3A_198 = arith.addi %mul3A_32, %mul3A_197 : i32
      %dma_start3A_199 = arith.constant 0 : i32
      %dma_start3A_200 = tpu.memref_slice %arg4[%select_n3A, %add3A_198, %dma_start3A_199] : memref<4x4096x1024xf32, #tpu.memory_space<hbm>> -> memref<1x16x1024xf32, #tpu.memory_space<hbm>>
      %dma_start3A_201 = tpu.memref_squeeze %dma_start3A_200 : memref<1x16x1024xf32, #tpu.memory_space<hbm>> -> memref<16x1024xf32, #tpu.memory_space<hbm>>
      %dma_start3A_202 = arith.constant 0 : i32
      %dma_start3A_203 = tpu.memref_slice %arg4[%select_n3A, %add3A_198, %dma_start3A_202] : memref<4x4096x1024xf32, #tpu.memory_space<hbm>> -> memref<1x16x1024xf32, #tpu.memory_space<hbm>>
      %dma_start3A_204 = tpu.memref_squeeze %dma_start3A_203 : memref<1x16x1024xf32, #tpu.memory_space<hbm>> -> memref<16x1024xf32, #tpu.memory_space<hbm>>
      tpu.enqueue_dma source(%arg9 : memref<16x1024xf32, #tpu.memory_space<vmem>>) target(%dma_start3A_204 : memref<16x1024xf32, #tpu.memory_space<hbm>>) target_semaphore(%arg17 : memref<!tpu.dma_semaphore, #tpu.memory_space<semaphore_mem>>)
    }
    %scan3A_46 = arith.constant 8 : i32
    %add3A_47 = arith.constant 448 : i32
    %add3A_48 = arith.addi %mul3A_32, %add3A_47 : i32
    %dma_wait3A = arith.constant 0 : i32
    %dma_wait3A_49 = tpu.memref_slice %arg4[%select_n3A, %add3A_48, %dma_wait3A] : memref<4x4096x1024xf32, #tpu.memory_space<hbm>> -> memref<1x16x1024xf32, #tpu.memory_space<hbm>>
    %dma_wait3A_50 = tpu.memref_squeeze %dma_wait3A_49 : memref<1x16x1024xf32, #tpu.memory_space<hbm>> -> memref<16x1024xf32, #tpu.memory_space<hbm>>
    %dma_wait3A_51 = arith.constant 0 : i32
    %dma_wait3A_52 = tpu.memref_slice %arg4[%select_n3A, %add3A_48, %dma_wait3A_51] : memref<4x4096x1024xf32, #tpu.memory_space<hbm>> -> memref<1x16x1024xf32, #tpu.memory_space<hbm>>
    %dma_wait3A_53 = tpu.memref_squeeze %dma_wait3A_52 : memref<1x16x1024xf32, #tpu.memory_space<hbm>> -> memref<16x1024xf32, #tpu.memory_space<hbm>>
    tpu.wait_dma2 semaphore(%arg14 : memref<!tpu.dma_semaphore, #tpu.memory_space<semaphore_mem>>) src(%arg6 : memref<16x1024xf32, #tpu.memory_space<vmem>>) dst(%dma_wait3A_53 : memref<16x1024xf32, #tpu.memory_space<hbm>>)
    %add3A_54 = arith.constant 464 : i32
    %add3A_55 = arith.addi %mul3A_32, %add3A_54 : i32
    %dma_wait3A_56 = arith.constant 0 : i32
    %dma_wait3A_57 = tpu.memref_slice %arg4[%select_n3A, %add3A_55, %dma_wait3A_56] : memref<4x4096x1024xf32, #tpu.memory_space<hbm>> -> memref<1x16x1024xf32, #tpu.memory_space<hbm>>
    %dma_wait3A_58 = tpu.memref_squeeze %dma_wait3A_57 : memref<1x16x1024xf32, #tpu.memory_space<hbm>> -> memref<16x1024xf32, #tpu.memory_space<hbm>>
    %dma_wait3A_59 = arith.constant 0 : i32
    %dma_wait3A_60 = tpu.memref_slice %arg4[%select_n3A, %add3A_55, %dma_wait3A_59] : memref<4x4096x1024xf32, #tpu.memory_space<hbm>> -> memref<1x16x1024xf32, #tpu.memory_space<hbm>>
    %dma_wait3A_61 = tpu.memref_squeeze %dma_wait3A_60 : memref<1x16x1024xf32, #tpu.memory_space<hbm>> -> memref<16x1024xf32, #tpu.memory_space<hbm>>
    tpu.wait_dma2 semaphore(%arg15 : memref<!tpu.dma_semaphore, #tpu.memory_space<semaphore_mem>>) src(%arg7 : memref<16x1024xf32, #tpu.memory_space<vmem>>) dst(%dma_wait3A_61 : memref<16x1024xf32, #tpu.memory_space<hbm>>)
    %add3A_62 = arith.constant 480 : i32
    %add3A_63 = arith.addi %mul3A_32, %add3A_62 : i32
    %dma_wait3A_64 = arith.constant 0 : i32
    %dma_wait3A_65 = tpu.memref_slice %arg4[%select_n3A, %add3A_63, %dma_wait3A_64] : memref<4x4096x1024xf32, #tpu.memory_space<hbm>> -> memref<1x16x1024xf32, #tpu.memory_space<hbm>>
    %dma_wait3A_66 = tpu.memref_squeeze %dma_wait3A_65 : memref<1x16x1024xf32, #tpu.memory_space<hbm>> -> memref<16x1024xf32, #tpu.memory_space<hbm>>
    %dma_wait3A_67 = arith.constant 0 : i32
    %dma_wait3A_68 = tpu.memref_slice %arg4[%select_n3A, %add3A_63, %dma_wait3A_67] : memref<4x4096x1024xf32, #tpu.memory_space<hbm>> -> memref<1x16x1024xf32, #tpu.memory_space<hbm>>
    %dma_wait3A_69 = tpu.memref_squeeze %dma_wait3A_68 : memref<1x16x1024xf32, #tpu.memory_space<hbm>> -> memref<16x1024xf32, #tpu.memory_space<hbm>>
    tpu.wait_dma2 semaphore(%arg16 : memref<!tpu.dma_semaphore, #tpu.memory_space<semaphore_mem>>) src(%arg8 : memref<16x1024xf32, #tpu.memory_space<vmem>>) dst(%dma_wait3A_69 : memref<16x1024xf32, #tpu.memory_space<hbm>>)
    %add3A_70 = arith.constant 496 : i32
    %add3A_71 = arith.addi %mul3A_32, %add3A_70 : i32
    %dma_wait3A_72 = arith.constant 0 : i32
    %dma_wait3A_73 = tpu.memref_slice %arg4[%select_n3A, %add3A_71, %dma_wait3A_72] : memref<4x4096x1024xf32, #tpu.memory_space<hbm>> -> memref<1x16x1024xf32, #tpu.memory_space<hbm>>
    %dma_wait3A_74 = tpu.memref_squeeze %dma_wait3A_73 : memref<1x16x1024xf32, #tpu.memory_space<hbm>> -> memref<16x1024xf32, #tpu.memory_space<hbm>>
    %dma_wait3A_75 = arith.constant 0 : i32
    %dma_wait3A_76 = tpu.memref_slice %arg4[%select_n3A, %add3A_71, %dma_wait3A_75] : memref<4x4096x1024xf32, #tpu.memory_space<hbm>> -> memref<1x16x1024xf32, #tpu.memory_space<hbm>>
    %dma_wait3A_77 = tpu.memref_squeeze %dma_wait3A_76 : memref<1x16x1024xf32, #tpu.memory_space<hbm>> -> memref<16x1024xf32, #tpu.memory_space<hbm>>
    tpu.wait_dma2 semaphore(%arg17 : memref<!tpu.dma_semaphore, #tpu.memory_space<semaphore_mem>>) src(%arg9 : memref<16x1024xf32, #tpu.memory_space<vmem>>) dst(%dma_wait3A_77 : memref<16x1024xf32, #tpu.memory_space<hbm>>)
    return
  }
}

</mosaic_0001>

<sc_bundles>
// kernel: kernel.3.cloned.1.call-start
scs
__scs_entry_jumppad:
0x0: {  	(pc) =	sbr.rel $0x88, $3  }
0x1: {  	(tag) =	ssettag $0x0;
	lr =	simm.s32 $0x1  }
0x2: {  	[smem:$0x3F9F] =	sst lr;
	_ =	strace $0xD0000000  }
0x3: {  	_ = 	snop  }
0x4: {  	_ = 	snop  }
0x5: {  	_ = 	snop  }
0x6: {  	_ = 	snop  }
0x7: {  	_ = 	snop  }
__scs_overlays_trampoline_lowered:
0x8: {  	[smem:$0x3FAE] =	sst s0  }
0x9: {  	[smem:$0x3FAF] =	sst s1  }
0xa: {  	[smem:$0x3FB0] =	sst s2  }
0xb: {  	[smem:$0x3FB1] =	sst s3  }
0xc: {  	[smem:$0x3FB2] =	sst s4  }
0xd: {  	[smem:$0x3FB3] =	sst s5  }
0xe: {  	[smem:$0x3FB4] =	sst s6  }
0xf: {  	[smem:$0x3FB5] =	sst s7  }
0x10: {  	[smem:$0x3FB6] =	sst s8  }
0x11: {  	[smem:$0x3FB7] =	sst s9;
	s0 =	simm.s32 @!p0 $0x0  }
0x12: {  	s1 =	sld [smem:$0x3F9D];
	s0 =	simm.s32 @p0 $0x1  }
0x13: {  	[smem:$0x3FB8] =	sst s0;
	s0 =	simm.s32 @!p1 $0x0  }
0x14: {  	s2 =	sld [smem:$0x3F9C];
	s0 =	simm.s32 @p1 $0x1  }
0x15: {  	[smem:$0x3FB9] =	sst s0;
	s0 =	simm.s32 @!p2 $0x0  }
0x16: {  	s3 =	sld [smem:$0x3FDB];
	s0 =	simm.s32 @p2 $0x1  }
0x17: {  	s4 =	simm.s32 $0x1BF5;
	[smem:$0x3FBB] =	sst s0  }
0x18: {  	s0 =	sld [smem:$0x3F9E];
	_ =	swait.ge [sflag:s4], $0x0  }
0x19: {  	s7 =	sld [smem:$0x3F9F]  }
0x1a: {  	s8 =	sadd.s32 $0xFFFFE003, lr  }
0x1b: {  	s9 =	sadd.s32 $0xFFFFFEF7, lr;
	s5 =	simm.s32 $0xFFFFFFFF;
	p2 =	slt.u32 s8, $0xFFFFF086  }
0x1c: {  	p1 =	slt.u32 s9, $0xF7A;
	s5 =	simm.s32 @!p2 $0x0  }
0x1d: {  	s5 =	simm.s32 @p1 $0x1;
	p0 =	seq.s32 s7, s2  }
0x1e: {  	s7 =	smul.u32 @!p0 $0xF7A, s2;
	p2 =	seq.s32 @!p0 s5, $0x0  }
0x1f: {  	s9 =	smul.u32 $0xF7A, s1;
	s8 =	simm.s32 @!p0 $0x1BF5;
	p2 =	por !p2, p0  }
0x20: {  	[sflag:s8] =	ssyncset.s32 @!p0 $0xFFFFF086;
	s6 =	sadd.s32 @!p0 s3, s7;
	s7 =	simm.s32 @!p0 $0x108  }
0x21: {  	s3 =	sadd.s32 s3, s9;
	s6 =	sadd.s32 @!p0 $0x88, s6;
	s7 =	simm.s32 @p2 $0x1082  }
0x22: {  	[simem:s7], [sflag:s8] =	dma.local @!p0 [hbm:s6], $0xF7A  }
0x23: {  	s9 =	sor.u32 $0xD0000000, s2;
	s6 =	simm.s32 $0x108;
	_ =	swait.ge @!p0 [sflag:s8], $0x0  }
0x24: {  	s3 =	sadd.s32 $0x88, s3;
	s6 =	simm.s32 @!p1 $0x1082;
	[sflag:s4] =	ssyncset.s32 $0xFFFFF086  }
0x25: {  	[simem:s6], [sflag:s4] =	dma.local [hbm:s3], $0xF7A  }
0x26: {  	[smem:$0x3F9F] =	sst s1;
	(tag) =	ssettag s2;
	_ =	strace s9  }
0x27: {  	s1 =	sld [smem:$0x3FAF]  }
0x28: {  	s2 =	sld [smem:$0x3FB0]  }
0x29: {  	s4 =	sld [smem:$0x3FB2]  }
0x2a: {  	p0 =	seq.s32 s5, $0x0;
	s5 =	sld [smem:$0x3FB3]  }
0x2b: {  	s6 =	sld [smem:$0x3FB4]  }
0x2c: {  	s7 =	sld [smem:$0x3FB5]  }
0x2d: {  	s3 =	simm.s32 $0x108;
	s8 =	sld [smem:$0x3FB6]  }
0x2e: {  	s3 =	simm.s32 @!p0 $0x1082;
	s9 =	sld [smem:$0x3FB7]  }
0x2f: {  	lr =	sadd.s32 s0, s3;
	s0 =	sld [smem:$0x3FAE]  }
0x30: {  	s3 =	sld [smem:$0x3FB1]  }
0x31: {  	[smem:$0x3FBA] =	sst s10  }
0x32: {  	s10 =	sld [smem:$0x3FB8];
	_ =	sdelay $0x3  }
0x33: {  	p0 =	seq.s32 s10, $0x1;
	s10 =	sld [smem:$0x3FBA];
	_ =	sdelay $0x3  }
0x34: {  	[smem:$0x3FBA] =	sst s10  }
0x35: {  	s10 =	sld [smem:$0x3FB9];
	_ =	sdelay $0x3  }
0x36: {  	p1 =	seq.s32 s10, $0x1;
	s10 =	sld [smem:$0x3FBA];
	_ =	sdelay $0x3  }
0x37: {  	[smem:$0x3FBA] =	sst s10  }
0x38: {  	s10 =	sld [smem:$0x3FBB]  }
0x39: {  	_ = 	snop;
	(pc) =	sbr.ind lr, $3  }
0x3a: {  	_ = 	snop  }
0x3b: {  	_ = 	snop  }
0x3c: {  	p2 =	seq.s32 s10, $0x1;
	s10 =	sld [smem:$0x3FBA]  }
0x3d: {  	_ =	shalt  }
0x3e: {  	_ =	shalt  }
0x3f: {  	_ =	shalt  }
0x40: {  	_ =	shalt  }
0x41: {  	_ =	shalt  }
0x42: {  	_ =	shalt  }
0x43: {  	_ =	shalt  }
0x44: {  	_ =	shalt  }
0x45: {  	_ =	shalt  }
0x46: {  	_ =	shalt  }
0x47: {  	_ =	shalt  }
0x48: {  	_ =	shalt  }
0x49: {  	_ =	shalt  }
0x4a: {  	_ =	shalt  }
0x4b: {  	_ =	shalt  }
0x4c: {  	_ =	shalt  }
0x4d: {  	_ =	shalt  }
0x4e: {  	_ =	shalt  }
0x4f: {  	_ =	shalt  }
0x50: {  	_ =	shalt  }
0x51: {  	_ =	shalt  }
0x52: {  	_ =	shalt  }
0x53: {  	_ =	shalt  }
0x54: {  	_ =	shalt  }
0x55: {  	_ =	shalt  }
0x56: {  	_ =	shalt  }
0x57: {  	_ =	shalt  }
0x58: {  	_ =	shalt  }
0x59: {  	_ =	shalt  }
0x5a: {  	_ =	shalt  }
0x5b: {  	_ =	shalt  }
0x5c: {  	_ =	shalt  }
0x5d: {  	_ =	shalt  }
0x5e: {  	_ =	shalt  }
0x5f: {  	_ =	shalt  }
0x60: {  	_ =	shalt  }
0x61: {  	_ =	shalt  }
0x62: {  	_ =	shalt  }
0x63: {  	_ =	shalt  }
0x64: {  	_ =	shalt  }
0x65: {  	_ =	shalt  }
0x66: {  	_ =	shalt  }
0x67: {  	_ =	shalt  }
0x68: {  	_ =	shalt  }
0x69: {  	_ =	shalt  }
0x6a: {  	_ =	shalt  }
0x6b: {  	_ =	shalt  }
0x6c: {  	_ =	shalt  }
0x6d: {  	_ =	shalt  }
0x6e: {  	_ =	shalt  }
0x6f: {  	_ =	shalt  }
0x70: {  	_ =	shalt  }
0x71: {  	_ =	shalt  }
0x72: {  	_ =	shalt  }
0x73: {  	_ =	shalt  }
0x74: {  	_ =	shalt  }
0x75: {  	_ =	shalt  }
0x76: {  	_ =	shalt  }
0x77: {  	_ =	shalt  }
0x78: {  	_ =	shalt  }
0x79: {  	_ =	shalt  }
0x7a: {  	_ =	shalt  }
0x7b: {  	_ =	shalt  }
0x7c: {  	_ =	shalt  }
0x7d: {  	_ =	shalt  }
0x7e: {  	_ =	shalt  }
0x7f: {  	_ =	shalt  }
0x80: {  	_ =	shalt  }
0x81: {  	_ =	shalt  }
0x82: {  	_ =	shalt  }
0x83: {  	_ =	shalt  }
0x84: {  	_ =	shalt  }
0x85: {  	_ =	shalt  }
0x86: {  	_ =	shalt  }
0x87: {  	_ =	shalt  }
.Lfunc_end0:
.L_simem_size_0:
called_computation_lowered:
.L_overlay_start_0:
0x88: {  	s2 =	sld [smem:$0x3FD9]  }
0x89: {  	s3 =	sld [smem:$0x3FFE];
	_ =	sdelay $0x1  }
0x8a: {  	s1 =	srdreg.scid  }
0x8b: {  	s0 =	sand.u32 $0x1, s1  }
0x8c: {  	s18 =	sshll.u32 s0, $0xA;
	s2 =	sadd.s32 s3, s2  }
0x8d: {  	s2 =	sadd.s32 s2, s18  }
0x8e: {  	[smem:$0x3FC6] =	sst s2  }
0x8f: {  	_ = 	snop  }
0x90: {  	s2 =	sld [smem:$0x3FC9]  }
0x91: {  	s19 =	sld [smem:$0x3FC8]  }
0x92: {  	s4 =	sld [smem:$0x3FD0];
	(tm) =	ssettm $0x1  }
0x93: {  	s5 =	sld [smem:$0x3FFB];
	_ =	sdelay $0x3  }
0x94: {  	_ =	strace s5  }
0x95: {  	s5 =	sld [smem:$0x3FFC];
	_ =	sdelay $0x3  }
0x96: {  	_ =	strace s5  }
0x97: {  	s5 =	sld [smem:$0x3FFD];
	_ =	sdelay $0x3  }
0x98: {  	_ =	strace s5  }
0x99: {  	_ =	strace $0x8FFFFFFF  }
0x9a: {  	s20 =	sld [smem:$0x3FDB];
	_ =	sdelay $0x1  }
0x9b: {  	s6 =	simm.s32 $_scs_section_size  }
0x9c: {  	s7 =	simm.s32 $_size__tile_overlayer_lowered;
	s8 =	simm.s32 $_tile_overlayer_lowered  }
0x9d: {  	s23 =	simm.s32 $0x1BFF;
	s22 =	sshll.u32 s8, $0x1;
	s5 =	sadd.s32 s6, s20  }
0x9e: {  	s9 =	simm.s32 $0x0;
	s21 =	sshll.u32 s7, $0x1;
	s7 =	sadd.s32 s22, s5  }
0x9f: {  	[timem:s9], [sflag:s23] =	dma.local [hbm:s7], s21  }
0xa0: {  	_ =	swait.ge [sflag:s23], s21  }
0xa1: {  	s6 =	ssub.s32 $0x0, s21;
	[sflag:s23] =	ssyncset.done $0x0  }
0xa2: {  	[sflag:s23] =	ssyncadd.s32 s6;
	_ =	sdelay $0x1  }
0xa3: {  	s24 =	simm.s32 $0x1B8B  }
0xa4: {  	_ =	swait.ge [sflag:s24], $0x1  }
0xa5: {  	[sflag:s24] =	ssyncset.done $0x0  }
0xa6: {  	s25 =	simm.s32 $0x1B8E;
	[sflag:s24] =	ssyncadd.s32 $0xFFFFFFFF  }
0xa7: {  	s26 =	simm.s32 $execute0_lowered;
	[smem:$0x3FD2] =	sst s25  }
0xa8: {  	s6 =	sshll.u32 s26, $0x1;
	_ =	strace $0x80000046;
	[dreg:$0x1] =	wrdreg $0xFFFFFFFF  }
0xa9: {  	s28 =	simm.s32 $_size_execute0_lowered;
	s5 =	sadd.s32 s5, s6;
	[dreg:$0x0] =	wrdreg $0x0  }
0xaa: {  	s6 =	sshll.u32 s28, $0x1;
	[dreg:$0x2] =	wrdreg s5  }
0xab: {  	[dreg:$0x3] =	wrdreg s6  }
0xac: {  	[dreg:$0x4] =	wrdreg $0xC0  }
0xad: {  	_ =	task [dreg:s9], $0x5FFFF  }
0xae: {  	[dreg:$0x1] =	wrdreg $0xFFFFFFFF  }
0xaf: {  	[dreg:$0x0] =	wrdreg $0x60  }
0xb0: {  	[dreg:$0x2] =	wrdreg s2  }
0xb1: {  	[dreg:$0x3] =	wrdreg s19  }
0xb2: {  	[dreg:$0x4] =	wrdreg s4  }
0xb3: {  	[dreg:$0x5] =	wrdreg $0x9  }
0xb4: {  	_ =	task.clear_ibuf [dreg:s9], $0x6FFFF;
	_ =	strace $0x90000046  }
0xb5: {  	s29 =	simm.s32 $0x9;
	_ =	strace $0x80000048  }
0xb6: {  	_ =	swait.ge [sflag:s29], $0x1  }
0xb7: {  	[sflag:s29] =	ssyncadd.s32 $0xFFFFFFFF  }
0xb8: {  	_ =	strace $0x90000048  }
0xb9: {  	_ =	sfence  }
0xba: {  	s30 =	sld [smem:$0x0];
	_ =	sdelay $0x2  }
0xbb: {  	s31 =	sshll.u32 s1, $0xD;
	s1 =	sshrl.u32 s1, $0x2  }
0xbc: {  	s3 =	sand.u32 $0x4000, s31;
	s1 =	sadd.s32 s1, s30  }
0xbd: {  	s0 =	sor.u32 s3, s0;
	s1 =	sshll.u32 s1, $0x11  }
0xbe: {  	s0 =	sor.u32 s1, s0  }
0xbf: {  	s0 =	sadd.s32 $0x8F2B, s0  }
0xc0: {  	[sflag:s0] =	ssyncadd.remote.s32 $0x1  }
0xc1: {  	_ =	sfence.sel $0xFFFF  }
0xc2: {  	[dreg:$0x0] =	wrdreg $0xFFFFFFFF;
	(pc) =	sbr.abs _section_cstart, $3  }
0xc3: {  	[dreg:$0x1] =	wrdreg $0xFFFFFFFF  }
0xc4: {  	_ =	task.clear_ibuf [dreg:s9], $0x2FFFF;
	_ =	strace $0x9FFFFFFF  }
0xc5: {  	(tm) =	ssettm $0x7FFFFFFF  }
tec
execute0_lowered:
.L_overlay_start_1:
0x0: {  	(tag) =	ssettag $0x1  }
0x1: {  	s0 =	rddreg [dreg:$0x0]  }
0x2: {  	s1 =	rddreg [dreg:$0x1]  }
0x3: {  	s2 =	rddreg [dreg:$0x2];
	s4 =	simm.s32 $0x0;
	s3 =	srdreg.scid  }
0x4: {  	s8 =	stileid.u32;
	s13 =	simm.s32 $0x200;
	s22 =	simm.s32 $0x4200  }
0x5: {  	s31 =	simm.s32 $0x8200;
	s19 =	simm.s32 $0x1;
	s20 =	simm.s32 $0xC200  }
0x6: {  	s28 =	simm.s32 $0xF200;
	s29 =	simm.s32 $0xFA00;
	s30 =	simm.s32 $0x2  }
0x7: {  	s11 =	simm.s32 $0x4;
	s12 =	simm.s32 $0x0;
	[smem:$0x7FF] =	sst s4  }
0x8: {  	s3 =	sand.u32 $0x1, s3;
	s6 =	sshll.u32 s8, $0x1;
	s8 =	sshrl.u32 s8, $0x2  }
0x9: {  	_ =	strace $0x80000047;
	s5 =	ssub.s32 $0x2, s3;
	s6 =	sand.u32 $0x6, s6  }
0xa: {  	s24 =	sshll.u32 s8, $0x4;
	s25 =	sshll.u32 s8, $0x16;
	s8 =	sadd.s32 $0x300, s1  }
0xb: {  	s7 =	sshrl.u32 s5, $0x1;
	s3 =	sor.u32 s3, s6;
	s0 =	sadd.s32 s0, s24  }
0xc: {  	s6 =	sadd.s32 $0x100, s1;
	s24 =	simm.s32 $0xDA00;
	s5 =	ssub.s32 s5, s7  }
0xd: {  	s9 =	sshll.u32 s3, $0x13;
	s3 =	sshll.u32 s3, $0x8;
	s7 =	sadd.s32 $0x200, s1  }
0xe: {  	v2 =	vlaneseq.u32;
	s0 =	sadd.s32 s3, s0;
	s9 =	sor.u32 s25, s9;
	s26 =	smax.u32 s5, $0x1  }
0xf: {  	vm0 =	vmmov $0xffff;
	v1 =	vshrl.u32 v2, $0x3;
	s25 =	simm.s32 $0xE200;
	s5 =	simm.s32 $0x3;
	[dreg:$0x4] =	wrdreg s0  }
0x10: {  	v0 =	vand.u32 $0x7, v2;
	v2 =	vor.u32 $0x8, v2;
	v1 =	vmul.u32 $0x8, v1;
	s10 =	sor.u32 $0x4000, s9;
	[dreg:$0x5] =	wrdreg s26;
	s26 =	simm.s32 $0xEA00  }
.LBB2_1:
0x11: {  	[dreg:$0x6] =	wrdreg s12  }
0x12: {  	s0 =	rddreg [dreg:$0x4];
	s3 =	simm.s32 $0x80;
	s15 =	simm.s32 $0x9  }
0x13: {  	[tilespmem:s4], [sflag:$0x9] =	stream.strided.gather [hbm4b:s0+s3], $0x200, s13, s3, $0x38;
	[tilespmem:$0x10200] =	vst v63  }
0x14: {  	_ =	swait.ge [sflag:s15], $0x200  }
0x15: {  	[sflag:s15] =	ssyncset.done $0x0  }
0x16: {  	[sflag:s15] =	ssyncadd.s32 $0xFFFFFE00  }
0x17: {  	v3 =	vld [tilespmem:$0x0];
	_ =	sdelay $0x4  }
0x18: {  	v4 =	vshll.u32 v3, $0x3  }
0x19: {  	v3 =	vand.u32 $0x7, v3;
	v4 =	vand.u32 $0xFFFFFFC0, v4  }
0x1a: {  	v3 =	vor.u32 v3, v4  }
0x1b: {  	v4 =	vperm.xlane v3, v0;
	_ =	sdelay $0x1  }
0x1c: {  	v4 =	vadd.s32 v1, v4;
	_ =	sdelay $0x4  }
0x1d: {  	[tilespmem:s13], [sflag:$0x1] =	stream.indirect_vreg.gather [hbm4b:s1+s4], $0x80, v4, vm0, $0xb8;
	[tilespmem:$0x10200] =	vst v63  }
0x1e: {  	s16 =	simm.s32 $0xA00;
	v3 =	vperm.xlane v3, v2  }
0x1f: {  	[tilespmem:s16], [sflag:$0x1] =	stream.indirect_vreg.gather [hbm4b:s6+s4], $0x80, v4, vm0, $0xb8;
	[tilespmem:$0x10200] =	vst v63  }
0x20: {  	s17 =	simm.s32 $0x1200;
	v3 =	vadd.s32 v1, v3  }
0x21: {  	[tilespmem:s17], [sflag:$0x1] =	stream.indirect_vreg.gather [hbm4b:s7+s4], $0x80, v4, vm0, $0xb8;
	[tilespmem:$0x10200] =	vst v63  }
0x22: {  	s18 =	simm.s32 $0x1A00  }
0x23: {  	[tilespmem:s18], [sflag:$0x1] =	stream.indirect_vreg.gather [hbm4b:s8+s4], $0x80, v4, vm0, $0xb8;
	[tilespmem:$0x10200] =	vst v63  }
0x24: {  	s21 =	simm.s32 $0x2200  }
0x25: {  	[tilespmem:s21], [sflag:$0x1] =	stream.indirect_vreg.gather [hbm4b:s1+s4], $0x80, v3, vm0, $0xb8;
	[tilespmem:$0x10200] =	vst v63  }
0x26: {  	s23 =	simm.s32 $0x2A00  }
0x27: {  	[tilespmem:s23], [sflag:$0x1] =	stream.indirect_vreg.gather [hbm4b:s6+s4], $0x80, v3, vm0, $0xb8;
	[tilespmem:$0x10200] =	vst v63  }
0x28: {  	s3 =	simm.s32 $0x3200  }
0x29: {  	[tilespmem:s3], [sflag:$0x1] =	stream.indirect_vreg.gather [hbm4b:s7+s4], $0x80, v3, vm0, $0xb8;
	[tilespmem:$0x10200] =	vst v63  }
0x2a: {  	s12 =	simm.s32 $0x3A00  }
0x2b: {  	[tilespmem:s12], [sflag:$0x1] =	stream.indirect_vreg.gather [hbm4b:s8+s4], $0x80, v3, vm0, $0xb8;
	[tilespmem:$0x10200] =	vst v63  }
0x2c: {  	v3 =	vld [tilespmem:$0x10];
	_ =	sdelay $0x4  }
0x2d: {  	v63 =	vshll.u32 v3, $0x3  }
0x2e: {  	v3 =	vand.u32 $0x7, v3;
	v4 =	vand.u32 $0xFFFFFFC0, v63  }
0x2f: {  	v3 =	vor.u32 v3, v4  }
0x30: {  	v4 =	vperm.xlane v3, v0;
	_ =	sdelay $0x1  }
0x31: {  	v4 =	vadd.s32 v1, v4;
	_ =	sdelay $0x4  }
0x32: {  	[tilespmem:s22], [sflag:$0x2] =	stream.indirect_vreg.gather [hbm4b:s1+s4], $0x80, v4, vm0, $0xb8;
	[tilespmem:$0x10200] =	vst v63  }
0x33: {  	s14 =	simm.s32 $0x4A00;
	v3 =	vperm.xlane v3, v2  }
0x34: {  	[tilespmem:s14], [sflag:$0x2] =	stream.indirect_vreg.gather [hbm4b:s6+s4], $0x80, v4, vm0, $0xb8;
	[tilespmem:$0x10200] =	vst v63  }
0x35: {  	s15 =	simm.s32 $0x5200;
	v3 =	vadd.s32 v1, v3  }
0x36: {  	[tilespmem:s15], [sflag:$0x2] =	stream.indirect_vreg.gather [hbm4b:s7+s4], $0x80, v4, vm0, $0xb8;
	[tilespmem:$0x10200] =	vst v63  }
0x37: {  	s16 =	simm.s32 $0x5A00  }
0x38: {  	[tilespmem:s16], [sflag:$0x2] =	stream.indirect_vreg.gather [hbm4b:s8+s4], $0x80, v4, vm0, $0xb8;
	[tilespmem:$0x10200] =	vst v63  }
0x39: {  	s17 =	simm.s32 $0x6200  }
0x3a: {  	[tilespmem:s17], [sflag:$0x2] =	stream.indirect_vreg.gather [hbm4b:s1+s4], $0x80, v3, vm0, $0xb8;
	[tilespmem:$0x10200] =	vst v63  }
0x3b: {  	s18 =	simm.s32 $0x6A00  }
0x3c: {  	[tilespmem:s18], [sflag:$0x2] =	stream.indirect_vreg.gather [hbm4b:s6+s4], $0x80, v3, vm0, $0xb8;
	[tilespmem:$0x10200] =	vst v63  }
0x3d: {  	s21 =	simm.s32 $0x7200  }
0x3e: {  	[tilespmem:s21], [sflag:$0x2] =	stream.indirect_vreg.gather [hbm4b:s7+s4], $0x80, v3, vm0, $0xb8;
	[tilespmem:$0x10200] =	vst v63  }
0x3f: {  	s23 =	simm.s32 $0x7A00;
	s14 =	simm.s32 $0x0  }
0x40: {  	[tilespmem:s23], [sflag:$0x2] =	stream.indirect_vreg.gather [hbm4b:s8+s4], $0x80, v3, vm0, $0xb8;
	[tilespmem:$0x10200] =	vst v63  }
.LBB2_2:
0x41: {  	p0 =	seq.s32 s14, $0x0  }
0x42: {  	s0 =	sshll.u32 s14, $0x2;
	s12 =	simm.s32 @!p0 $0x7  }
0x43: {  	s3 =	sor.u32 $0x2, s0;
	_ =	swait.ge @!p0 [sflag:s12], $0x4000  }
0x44: {  	s15 =	sshll.u32 s3, $0x4;
	[sflag:s12] =	ssyncset.done @!p0 $0x0  }
0x45: {  	s17 =	sand.u32 $0x3FFFFFF0, s15;
	[sflag:s12] =	ssyncadd.s32 @!p0 $0xFFFFC000  }
0x46: {  	v3 =	vld [tilespmem:s17+$0x0];
	_ =	sdelay $0x4  }
0x47: {  	v4 =	vshll.u32 v3, $0x3  }
0x48: {  	v3 =	vand.u32 $0x7, v3;
	v4 =	vand.u32 $0xFFFFFFC0, v4  }
0x49: {  	v3 =	vor.u32 v3, v4  }
0x4a: {  	v4 =	vperm.xlane v3, v0;
	_ =	sdelay $0x1  }
0x4b: {  	v4 =	vadd.s32 v1, v4;
	_ =	sdelay $0x3  }
0x4c: {  	s12 =	simm.s32 $0x0  }
0x4d: {  	[tilespmem:s31], [sflag:$0x3] =	stream.indirect_vreg.gather [hbm4b:s1+s12], $0x80, v4, vm0, $0xb8;
	[tilespmem:$0x10200] =	vst v63  }
0x4e: {  	s18 =	simm.s32 $0x8A00;
	v3 =	vperm.xlane v3, v2  }
0x4f: {  	[tilespmem:s18], [sflag:$0x3] =	stream.indirect_vreg.gather [hbm4b:s6+s12], $0x80, v4, vm0, $0xb8;
	[tilespmem:$0x10200] =	vst v63  }
0x50: {  	s21 =	simm.s32 $0x9200;
	v3 =	vadd.s32 v1, v3  }
0x51: {  	[tilespmem:s21], [sflag:$0x3] =	stream.indirect_vreg.gather [hbm4b:s7+s12], $0x80, v4, vm0, $0xb8;
	[tilespmem:$0x10200] =	vst v63  }
0x52: {  	s23 =	simm.s32 $0x9A00  }
0x53: {  	[tilespmem:s23], [sflag:$0x3] =	stream.indirect_vreg.gather [hbm4b:s8+s12], $0x80, v4, vm0, $0xb8;
	[tilespmem:$0x10200] =	vst v63  }
0x54: {  	s16 =	simm.s32 $0xA200  }
0x55: {  	[tilespmem:s16], [sflag:$0x3] =	stream.indirect_vreg.gather [hbm4b:s1+s12], $0x80, v3, vm0, $0xb8;
	[tilespmem:$0x10200] =	vst v63  }
0x56: {  	s17 =	simm.s32 $0xAA00  }
0x57: {  	[tilespmem:s17], [sflag:$0x3] =	stream.indirect_vreg.gather [hbm4b:s6+s12], $0x80, v3, vm0, $0xb8;
	[tilespmem:$0x10200] =	vst v63  }
0x58: {  	s18 =	simm.s32 $0xB200  }
0x59: {  	[tilespmem:s18], [sflag:$0x3] =	stream.indirect_vreg.gather [hbm4b:s7+s12], $0x80, v3, vm0, $0xb8;
	[tilespmem:$0x10200] =	vst v63  }
0x5a: {  	s21 =	simm.s32 $0xBA00;
	s23 =	simm.s32 $0x0  }
0x5b: {  	[tilespmem:s21], [sflag:$0x3] =	stream.indirect_vreg.gather [hbm4b:s8+s12], $0x80, v3, vm0, $0xb8;
	[tilespmem:$0x10200] =	vst v63  }
0x5c: {  	s15 =	sand.u32 $0x2000, s23;
	s12 =	sand.u32 $0x4000, s12  }
0x5d: {  	s16 =	simm.s32 $0x0;
	_ =	swait.ge [sflag:s19], $0x4000;
	s12 =	sshrl.u32 s12, $0x2  }
0x5e: {  	s16 =	sand.u32 $0x380, s16;
	[sflag:s19] =	ssyncset.done $0x0;
	s12 =	sor.u32 s12, s15  }
0x5f: {  	[sflag:s19] =	ssyncadd.s32 $0xFFFFC000;
	s15 =	sor.u32 s12, s16  }
0x60: {  	v3 =	vld [tilespmem:s15+$0x200]  }
0x61: {  	v4 =	vld [tilespmem:s15+$0x210]  }
0x62: {  	v5 =	vld [tilespmem:s15+$0x220]  }
0x63: {  	v6 =	vld [tilespmem:s15+$0x230]  }
0x64: {  	v7 =	vld [tilespmem:s15+$0x240]  }
0x65: {  	v8 =	vld [tilespmem:s15+$0x250];
	v3 =	vmul.f32 $3.200000000e+01, v3  }
0x66: {  	v9 =	vld [tilespmem:s15+$0x260];
	v4 =	vmul.f32 $3.200000000e+01, v4  }
0x67: {  	[tilespmem:s15+$0x200] =	vst v3;
	v3 =	vmul.f32 $3.200000000e+01, v5;
	v5 =	vld [tilespmem:s15+$0x270]  }
0x68: {  	[tilespmem:s15+$0x210] =	vst v4;
	v4 =	vmul.f32 $3.200000000e+01, v6;
	v6 =	vld [tilespmem:s15+$0x600]  }
0x69: {  	[tilespmem:s15+$0x220] =	vst v3;
	v3 =	vmul.f32 $3.200000000e+01, v7;
	v7 =	vld [tilespmem:s15+$0x610]  }
0x6a: {  	[tilespmem:s15+$0x230] =	vst v4;
	v4 =	vmul.f32 $3.200000000e+01, v8;
	v8 =	vld [tilespmem:s15+$0x620]  }
0x6b: {  	[tilespmem:s15+$0x240] =	vst v3;
	v3 =	vmul.f32 $3.200000000e+01, v9;
	v9 =	vld [tilespmem:s15+$0x630]  }
0x6c: {  	[tilespmem:s15+$0x250] =	vst v4;
	v4 =	vmul.f32 $3.200000000e+01, v5;
	v5 =	vld [tilespmem:s15+$0x640]  }
0x6d: {  	[tilespmem:s15+$0x260] =	vst v3;
	v3 =	vmul.f32 $3.200000000e+01, v6;
	v6 =	vld [tilespmem:s15+$0x650]  }
0x6e: {  	[tilespmem:s15+$0x270] =	vst v4;
	v4 =	vmul.f32 $3.200000000e+01, v7;
	v7 =	vld [tilespmem:s15+$0x660]  }
0x6f: {  	[tilespmem:s15+$0x600] =	vst v3;
	v3 =	vmul.f32 $3.200000000e+01, v8;
	v8 =	vld [tilespmem:s15+$0x670]  }
0x70: {  	[tilespmem:s15+$0x610] =	vst v4;
	v4 =	vmul.f32 $3.200000000e+01, v9;
	v9 =	vld [tilespmem:s15+$0xA00]  }
0x71: {  	[tilespmem:s15+$0x620] =	vst v3;
	v3 =	vmul.f32 $3.200000000e+01, v5;
	v5 =	vld [tilespmem:s15+$0xA10]  }
0x72: {  	[tilespmem:s15+$0x630] =	vst v4;
	v4 =	vmul.f32 $3.200000000e+01, v6;
	v6 =	vld [tilespmem:s15+$0xA20]  }
0x73: {  	v10 =	vld [tilespmem:s15+$0xA30];
	[tilespmem:s15+$0x640] =	vst v3;
	v3 =	vmul.f32 $3.200000000e+01, v7  }
0x74: {  	[tilespmem:s15+$0x650] =	vst v4;
	v4 =	vmul.f32 $3.200000000e+01, v8;
	v8 =	vld [tilespmem:s15+$0xA40]  }
0x75: {  	[tilespmem:s15+$0x660] =	vst v3;
	v3 =	vmul.f32 $3.200000000e+01, v9;
	v9 =	vld [tilespmem:s15+$0xA50]  }
0x76: {  	v11 =	vld [tilespmem:s15+$0xA60];
	[tilespmem:s15+$0x670] =	vst v4;
	v4 =	vmul.f32 $3.200000000e+01, v5  }
0x77: {  	v7 =	vld [tilespmem:s15+$0xA70];
	[tilespmem:s15+$0xA00] =	vst v3;
	v3 =	vmul.f32 $3.200000000e+01, v6  }
0x78: {  	v6 =	vld [tilespmem:s15+$0xE00];
	[tilespmem:s15+$0xA10] =	vst v4;
	v4 =	vmul.f32 $3.200000000e+01, v10  }
0x79: {  	v5 =	vld [tilespmem:s15+$0xE10];
	[tilespmem:s15+$0xA20] =	vst v3;
	v8 =	vmul.f32 $3.200000000e+01, v8  }
0x7a: {  	v3 =	vld [tilespmem:s15+$0xE20];
	[tilespmem:s15+$0xA30] =	vst v4;
	v9 =	vmul.f32 $3.200000000e+01, v9  }
0x7b: {  	s12 =	simm.s32 $0x4000;
	s16 =	simm.s32 $0x1;
	v4 =	vld [tilespmem:s15+$0xE30];
	[tilespmem:s15+$0xA40] =	vst v8;
	v8 =	vmul.f32 $3.200000000e+01, v11  }
.LBB2_3:
0x7c: {  	s17 =	sand.u32 $0x4000, s12;
	s18 =	sshll.u32 s16, $0x9;
	p1 =	sne.s32 s16, $0x1F;
	[tilespmem:s15+$0xA50] =	vst v9;
	v7 =	vmul.f32 $3.200000000e+01, v7;
	v9 =	vld [tilespmem:s15+$0xE40]  }
0x7d: {  	s21 =	sshll.u32 s16, $0x6;
	s18 =	sand.u32 $0x2000, s18;
	s17 =	sshrl.u32 s17, $0x2;
	[tilespmem:s15+$0xA60] =	vst v8;
	v6 =	vmul.f32 $3.200000000e+01, v6;
	v8 =	vld [tilespmem:s15+$0xE50]  }
0x7e: {  	s21 =	sand.u32 $0x380, s21;
	s17 =	sor.u32 s17, s18;
	[tilespmem:s15+$0xA70] =	vst v7;
	v5 =	vmul.f32 $3.200000000e+01, v5;
	v7 =	vld [tilespmem:s15+$0xE60]  }
0x7f: {  	s17 =	sor.u32 s17, s21;
	[tilespmem:s15+$0xE00] =	vst v6;
	v3 =	vmul.f32 $3.200000000e+01, v3;
	v6 =	vld [tilespmem:s15+$0xE70]  }
0x80: {  	v10 =	vld [tilespmem:s17+$0x200];
	[tilespmem:s15+$0xE10] =	vst v5;
	v4 =	vmul.f32 $3.200000000e+01, v4  }
0x81: {  	v5 =	vld [tilespmem:s17+$0x210];
	[tilespmem:s15+$0xE20] =	vst v3;
	v3 =	vmul.f32 $3.200000000e+01, v9  }
0x82: {  	v9 =	vld [tilespmem:s17+$0x220];
	[tilespmem:s15+$0xE30] =	vst v4;
	v4 =	vmul.f32 $3.200000000e+01, v8  }
0x83: {  	v8 =	vld [tilespmem:s17+$0x230];
	[tilespmem:s15+$0xE40] =	vst v3;
	v3 =	vmul.f32 $3.200000000e+01, v7  }
0x84: {  	v7 =	vld [tilespmem:s17+$0x240];
	[tilespmem:s15+$0xE50] =	vst v4;
	v4 =	vmul.f32 $3.200000000e+01, v6  }
0x85: {  	v6 =	vmul.f32 $3.200000000e+01, v10;
	v10 =	vld [tilespmem:s17+$0x250];
	[tilespmem:s15+$0xE60] =	vst v3  }
0x86: {  	v3 =	vmul.f32 $3.200000000e+01, v5;
	v5 =	vld [tilespmem:s17+$0x260];
	[tilespmem:s15+$0xE70] =	vst v4;
	s15 =	smov.u32 s17  }
0x87: {  	[tilespmem:s15+$0x200] =	vst v6;
	v4 =	vmul.f32 $3.200000000e+01, v9;
	v6 =	vld [tilespmem:s15+$0x270]  }
0x88: {  	[tilespmem:s15+$0x210] =	vst v3;
	v3 =	vmul.f32 $3.200000000e+01, v8;
	v8 =	vld [tilespmem:s15+$0x600]  }
0x89: {  	[tilespmem:s15+$0x220] =	vst v4;
	v4 =	vmul.f32 $3.200000000e+01, v7;
	v7 =	vld [tilespmem:s15+$0x610]  }
0x8a: {  	[tilespmem:s15+$0x230] =	vst v3;
	v3 =	vmul.f32 $3.200000000e+01, v10;
	v9 =	vld [tilespmem:s15+$0x620]  }
0x8b: {  	[tilespmem:s15+$0x240] =	vst v4;
	v4 =	vmul.f32 $3.200000000e+01, v5;
	v5 =	vld [tilespmem:s15+$0x630]  }
0x8c: {  	[tilespmem:s15+$0x250] =	vst v3;
	v3 =	vmul.f32 $3.200000000e+01, v6;
	v6 =	vld [tilespmem:s15+$0x640]  }
0x8d: {  	[tilespmem:s15+$0x260] =	vst v4;
	v4 =	vmul.f32 $3.200000000e+01, v8;
	v8 =	vld [tilespmem:s15+$0x650]  }
0x8e: {  	[tilespmem:s15+$0x270] =	vst v3;
	v3 =	vmul.f32 $3.200000000e+01, v7;
	v7 =	vld [tilespmem:s15+$0x660]  }
0x8f: {  	[tilespmem:s15+$0x600] =	vst v4;
	v4 =	vmul.f32 $3.200000000e+01, v9;
	v9 =	vld [tilespmem:s15+$0x670]  }
0x90: {  	[tilespmem:s15+$0x610] =	vst v3;
	v3 =	vmul.f32 $3.200000000e+01, v5;
	v5 =	vld [tilespmem:s15+$0xA00]  }
0x91: {  	[tilespmem:s15+$0x620] =	vst v4;
	v4 =	vmul.f32 $3.200000000e+01, v6;
	v6 =	vld [tilespmem:s15+$0xA10]  }
0x92: {  	[tilespmem:s15+$0x630] =	vst v3;
	v3 =	vmul.f32 $3.200000000e+01, v8;
	v8 =	vld [tilespmem:s15+$0xA20]  }
0x93: {  	[tilespmem:s15+$0x640] =	vst v4;
	v4 =	vmul.f32 $3.200000000e+01, v7;
	v10 =	vld [tilespmem:s15+$0xA30]  }
0x94: {  	[tilespmem:s15+$0x650] =	vst v3;
	v3 =	vmul.f32 $3.200000000e+01, v9;
	v9 =	vld [tilespmem:s15+$0xA40]  }
0x95: {  	[tilespmem:s15+$0x660] =	vst v4;
	v4 =	vmul.f32 $3.200000000e+01, v5;
	v11 =	vld [tilespmem:s15+$0xA50]  }
0x96: {  	[tilespmem:s15+$0x670] =	vst v3;
	v3 =	vmul.f32 $3.200000000e+01, v6;
	v12 =	vld [tilespmem:s15+$0xA60]  }
.Ltmp0:
0x97: {  	[tilespmem:s15+$0xA00] =	vst v4;
	v4 =	vmul.f32 $3.200000000e+01, v8;
	v7 =	vld [tilespmem:s15+$0xA70];
	(pc) =	sbr.rel @p1 .LBB2_3-.Ltmp0, $4  }
0x98: {  	[tilespmem:s15+$0xA10] =	vst v3;
	v3 =	vmul.f32 $3.200000000e+01, v10;
	v6 =	vld [tilespmem:s15+$0xE00]  }
0x99: {  	[tilespmem:s15+$0xA20] =	vst v4;
	v4 =	vmul.f32 $3.200000000e+01, v9;
	v5 =	vld [tilespmem:s15+$0xE10]  }
0x9a: {  	[tilespmem:s15+$0xA30] =	vst v3;
	v9 =	vmul.f32 $3.200000000e+01, v11;
	v3 =	vld [tilespmem:s15+$0xE20]  }
0x9b: {  	s12 =	sadd.s32 $0x4000, s12;
	s16 =	sadd.s32 $0x1, s16;
	[tilespmem:s15+$0xA40] =	vst v4;
	v8 =	vmul.f32 $3.200000000e+01, v12;
	v4 =	vld [tilespmem:s15+$0xE30]  }
0x9c: {  	[tilespmem:s15+$0xA50] =	vst v9;
	v7 =	vmul.f32 $3.200000000e+01, v7;
	v9 =	vld [tilespmem:s15+$0xE40]  }
0x9d: {  	[tilespmem:s15+$0xA60] =	vst v8;
	v6 =	vmul.f32 $3.200000000e+01, v6;
	v8 =	vld [tilespmem:s15+$0xE50]  }
0x9e: {  	[tilespmem:s15+$0xA70] =	vst v7;
	v5 =	vmul.f32 $3.200000000e+01, v5;
	v7 =	vld [tilespmem:s15+$0xE60]  }
0x9f: {  	[tilespmem:s15+$0xE00] =	vst v6;
	v3 =	vmul.f32 $3.200000000e+01, v3;
	v6 =	vld [tilespmem:s15+$0xE70]  }
0xa0: {  	[tilespmem:s15+$0xE10] =	vst v5;
	v4 =	vmul.f32 $3.200000000e+01, v4  }
0xa1: {  	[tilespmem:s15+$0xE20] =	vst v3;
	v3 =	vmul.f32 $3.200000000e+01, v9  }
0xa2: {  	[tilespmem:s15+$0xE30] =	vst v4;
	v4 =	vmul.f32 $3.200000000e+01, v8  }
0xa3: {  	s12 =	sshll.u32 s14, $0x10;
	[tilespmem:s15+$0xE40] =	vst v3;
	v3 =	vmul.f32 $3.200000000e+01, v7  }
0xa4: {  	s16 =	sadd.s32 s9, s12;
	[tilespmem:s15+$0xE50] =	vst v4;
	v4 =	vmul.f32 $3.200000000e+01, v6  }
0xa5: {  	s16 =	sshrl.u32 s16, $0x3;
	[tilespmem:s15+$0xE60] =	vst v3  }
0xa6: {  	s21 =	sadd.s32 s2, s16;
	[tilespmem:s15+$0xE70] =	vst v4;
	s15 =	simm.s32 @!p0 $0x8  }
0xa7: {  	[hbm4b:s21+s4] =	stream.linear.scatter [tilespmem:s13], [sflag:$0x5], $0x4000, $0x38;
	[tilespmem:$0x10200] =	vst v63  }
0xa8: {  	s0 =	sor.u32 $0x3, s0;
	_ =	swait.ge @!p0 [sflag:s15], $0x4000  }
0xa9: {  	s23 =	sshll.u32 s0, $0x4;
	[sflag:s15] =	ssyncset.done @!p0 $0x0  }
0xaa: {  	s16 =	sand.u32 $0x3FFFFFF0, s23;
	[sflag:s15] =	ssyncadd.s32 @!p0 $0xFFFFC000  }
0xab: {  	v3 =	vld [tilespmem:s16+$0x0];
	_ =	sdelay $0x4  }
0xac: {  	v4 =	vshll.u32 v3, $0x3  }
0xad: {  	v3 =	vand.u32 $0x7, v3;
	v4 =	vand.u32 $0xFFFFFFC0, v4  }
0xae: {  	v3 =	vor.u32 v3, v4  }
0xaf: {  	v4 =	vperm.xlane v3, v0;
	_ =	sdelay $0x1  }
0xb0: {  	v4 =	vadd.s32 v1, v4;
	_ =	sdelay $0x3  }
0xb1: {  	s17 =	simm.s32 $0x0  }
0xb2: {  	[tilespmem:s20], [sflag:$0x4] =	stream.indirect_vreg.gather [hbm4b:s1+s17], $0x80, v4, vm0, $0xb8;
	[tilespmem:$0x10200] =	vst v63  }
0xb3: {  	s18 =	simm.s32 $0xCA00;
	v3 =	vperm.xlane v3, v2  }
0xb4: {  	[tilespmem:s18], [sflag:$0x4] =	stream.indirect_vreg.gather [hbm4b:s6+s17], $0x80, v4, vm0, $0xb8;
	[tilespmem:$0x10200] =	vst v63  }
0xb5: {  	s21 =	simm.s32 $0xD200;
	v3 =	vadd.s32 v1, v3  }
0xb6: {  	[tilespmem:s21], [sflag:$0x4] =	stream.indirect_vreg.gather [hbm4b:s7+s17], $0x80, v4, vm0, $0xb8;
	[tilespmem:$0x10200] =	vst v63  }
0xb7: {  	_ = 	snop  }
0xb8: {  	[tilespmem:s24], [sflag:$0x4] =	stream.indirect_vreg.gather [hbm4b:s8+s17], $0x80, v4, vm0, $0xb8;
	[tilespmem:$0x10200] =	vst v63  }
0xb9: {  	_ = 	snop  }
0xba: {  	[tilespmem:s25], [sflag:$0x4] =	stream.indirect_vreg.gather [hbm4b:s1+s17], $0x80, v3, vm0, $0xb8;
	[tilespmem:$0x10200] =	vst v63  }
0xbb: {  	_ = 	snop  }
0xbc: {  	[tilespmem:s26], [sflag:$0x4] =	stream.indirect_vreg.gather [hbm4b:s6+s17], $0x80, v3, vm0, $0xb8;
	[tilespmem:$0x10200] =	vst v63  }
0xbd: {  	s23 =	simm.s32 $0x0  }
0xbe: {  	[tilespmem:s28], [sflag:$0x4] =	stream.indirect_vreg.gather [hbm4b:s7+s17], $0x80, v3, vm0, $0xb8;
	[tilespmem:$0x10200] =	vst v63  }
0xbf: {  	s15 =	sand.u32 $0x4000, s17;
	s16 =	sand.u32 $0x2000, s23  }
0xc0: {  	[tilespmem:s29], [sflag:$0x4] =	stream.indirect_vreg.gather [hbm4b:s8+s17], $0x80, v3, vm0, $0xb8;
	[tilespmem:$0x10200] =	vst v63  }
0xc1: {  	s15 =	sshrl.u32 s15, $0x2;
	s17 =	simm.s32 $0x0;
	_ =	swait.ge [sflag:s30], $0x4000  }
0xc2: {  	s15 =	sor.u32 s15, s16;
	s17 =	sand.u32 $0x380, s17;
	[sflag:s30] =	ssyncset.done $0x0  }
0xc3: {  	s15 =	sor.u32 s15, s17;
	[sflag:s30] =	ssyncadd.s32 $0xFFFFC000  }
0xc4: {  	v3 =	vld [tilespmem:s15+$0x4200]  }
0xc5: {  	v4 =	vld [tilespmem:s15+$0x4210]  }
0xc6: {  	v5 =	vld [tilespmem:s15+$0x4220]  }
0xc7: {  	v6 =	vld [tilespmem:s15+$0x4230]  }
0xc8: {  	v7 =	vld [tilespmem:s15+$0x4240]  }
0xc9: {  	v8 =	vld [tilespmem:s15+$0x4250];
	v3 =	vmul.f32 $3.200000000e+01, v3  }
0xca: {  	v9 =	vld [tilespmem:s15+$0x4260];
	v4 =	vmul.f32 $3.200000000e+01, v4  }
0xcb: {  	[tilespmem:s15+$0x4200] =	vst v3;
	v3 =	vmul.f32 $3.200000000e+01, v5;
	v5 =	vld [tilespmem:s15+$0x4270]  }
0xcc: {  	[tilespmem:s15+$0x4210] =	vst v4;
	v4 =	vmul.f32 $3.200000000e+01, v6;
	v6 =	vld [tilespmem:s15+$0x4600]  }
0xcd: {  	[tilespmem:s15+$0x4220] =	vst v3;
	v3 =	vmul.f32 $3.200000000e+01, v7;
	v7 =	vld [tilespmem:s15+$0x4610]  }
0xce: {  	[tilespmem:s15+$0x4230] =	vst v4;
	v4 =	vmul.f32 $3.200000000e+01, v8;
	v8 =	vld [tilespmem:s15+$0x4620]  }
0xcf: {  	[tilespmem:s15+$0x4240] =	vst v3;
	v3 =	vmul.f32 $3.200000000e+01, v9;
	v9 =	vld [tilespmem:s15+$0x4630]  }
0xd0: {  	[tilespmem:s15+$0x4250] =	vst v4;
	v4 =	vmul.f32 $3.200000000e+01, v5;
	v5 =	vld [tilespmem:s15+$0x4640]  }
0xd1: {  	[tilespmem:s15+$0x4260] =	vst v3;
	v3 =	vmul.f32 $3.200000000e+01, v6;
	v6 =	vld [tilespmem:s15+$0x4650]  }
0xd2: {  	[tilespmem:s15+$0x4270] =	vst v4;
	v4 =	vmul.f32 $3.200000000e+01, v7;
	v7 =	vld [tilespmem:s15+$0x4660]  }
0xd3: {  	[tilespmem:s15+$0x4600] =	vst v3;
	v3 =	vmul.f32 $3.200000000e+01, v8;
	v8 =	vld [tilespmem:s15+$0x4670]  }
0xd4: {  	[tilespmem:s15+$0x4610] =	vst v4;
	v4 =	vmul.f32 $3.200000000e+01, v9;
	v9 =	vld [tilespmem:s15+$0x4A00]  }
0xd5: {  	[tilespmem:s15+$0x4620] =	vst v3;
	v3 =	vmul.f32 $3.200000000e+01, v5;
	v5 =	vld [tilespmem:s15+$0x4A10]  }
0xd6: {  	[tilespmem:s15+$0x4630] =	vst v4;
	v4 =	vmul.f32 $3.200000000e+01, v6;
	v6 =	vld [tilespmem:s15+$0x4A20]  }
0xd7: {  	v10 =	vld [tilespmem:s15+$0x4A30];
	[tilespmem:s15+$0x4640] =	vst v3;
	v3 =	vmul.f32 $3.200000000e+01, v7  }
0xd8: {  	[tilespmem:s15+$0x4650] =	vst v4;
	v4 =	vmul.f32 $3.200000000e+01, v8;
	v8 =	vld [tilespmem:s15+$0x4A40]  }
0xd9: {  	[tilespmem:s15+$0x4660] =	vst v3;
	v3 =	vmul.f32 $3.200000000e+01, v9;
	v9 =	vld [tilespmem:s15+$0x4A50]  }
0xda: {  	v11 =	vld [tilespmem:s15+$0x4A60];
	[tilespmem:s15+$0x4670] =	vst v4;
	v4 =	vmul.f32 $3.200000000e+01, v5  }
0xdb: {  	v7 =	vld [tilespmem:s15+$0x4A70];
	[tilespmem:s15+$0x4A00] =	vst v3;
	v3 =	vmul.f32 $3.200000000e+01, v6  }
0xdc: {  	v6 =	vld [tilespmem:s15+$0x4E00];
	[tilespmem:s15+$0x4A10] =	vst v4;
	v4 =	vmul.f32 $3.200000000e+01, v10  }
0xdd: {  	v5 =	vld [tilespmem:s15+$0x4E10];
	[tilespmem:s15+$0x4A20] =	vst v3;
	v8 =	vmul.f32 $3.200000000e+01, v8  }
0xde: {  	v3 =	vld [tilespmem:s15+$0x4E20];
	[tilespmem:s15+$0x4A30] =	vst v4;
	v9 =	vmul.f32 $3.200000000e+01, v9  }
0xdf: {  	s16 =	simm.s32 $0x4000;
	s17 =	simm.s32 $0x1;
	v4 =	vld [tilespmem:s15+$0x4E30];
	[tilespmem:s15+$0x4A40] =	vst v8;
	v8 =	vmul.f32 $3.200000000e+01, v11  }
.LBB2_5:
0xe0: {  	s18 =	sand.u32 $0x4000, s16;
	s21 =	sshll.u32 s17, $0x9;
	p0 =	sne.s32 s17, $0x1F;
	[tilespmem:s15+$0x4A50] =	vst v9;
	v7 =	vmul.f32 $3.200000000e+01, v7;
	v9 =	vld [tilespmem:s15+$0x4E40]  }
0xe1: {  	s23 =	sshll.u32 s17, $0x6;
	s21 =	sand.u32 $0x2000, s21;
	s18 =	sshrl.u32 s18, $0x2;
	[tilespmem:s15+$0x4A60] =	vst v8;
	v6 =	vmul.f32 $3.200000000e+01, v6;
	v8 =	vld [tilespmem:s15+$0x4E50]  }
0xe2: {  	s23 =	sand.u32 $0x380, s23;
	s18 =	sor.u32 s18, s21;
	[tilespmem:s15+$0x4A70] =	vst v7;
	v5 =	vmul.f32 $3.200000000e+01, v5;
	v7 =	vld [tilespmem:s15+$0x4E60]  }
0xe3: {  	s18 =	sor.u32 s18, s23;
	[tilespmem:s15+$0x4E00] =	vst v6;
	v3 =	vmul.f32 $3.200000000e+01, v3;
	v6 =	vld [tilespmem:s15+$0x4E70]  }
0xe4: {  	v10 =	vld [tilespmem:s18+$0x4200];
	[tilespmem:s15+$0x4E10] =	vst v5;
	v4 =	vmul.f32 $3.200000000e+01, v4  }
0xe5: {  	v5 =	vld [tilespmem:s18+$0x4210];
	[tilespmem:s15+$0x4E20] =	vst v3;
	v3 =	vmul.f32 $3.200000000e+01, v9  }
0xe6: {  	v9 =	vld [tilespmem:s18+$0x4220];
	[tilespmem:s15+$0x4E30] =	vst v4;
	v4 =	vmul.f32 $3.200000000e+01, v8  }
0xe7: {  	v8 =	vld [tilespmem:s18+$0x4230];
	[tilespmem:s15+$0x4E40] =	vst v3;
	v3 =	vmul.f32 $3.200000000e+01, v7  }
0xe8: {  	v7 =	vld [tilespmem:s18+$0x4240];
	[tilespmem:s15+$0x4E50] =	vst v4;
	v4 =	vmul.f32 $3.200000000e+01, v6  }
0xe9: {  	v6 =	vmul.f32 $3.200000000e+01, v10;
	v10 =	vld [tilespmem:s18+$0x4250];
	[tilespmem:s15+$0x4E60] =	vst v3  }
0xea: {  	v3 =	vmul.f32 $3.200000000e+01, v5;
	v5 =	vld [tilespmem:s18+$0x4260];
	[tilespmem:s15+$0x4E70] =	vst v4;
	s15 =	smov.u32 s18  }
0xeb: {  	[tilespmem:s15+$0x4200] =	vst v6;
	v4 =	vmul.f32 $3.200000000e+01, v9;
	v6 =	vld [tilespmem:s15+$0x4270]  }
0xec: {  	[tilespmem:s15+$0x4210] =	vst v3;
	v3 =	vmul.f32 $3.200000000e+01, v8;
	v8 =	vld [tilespmem:s15+$0x4600]  }
0xed: {  	[tilespmem:s15+$0x4220] =	vst v4;
	v4 =	vmul.f32 $3.200000000e+01, v7;
	v7 =	vld [tilespmem:s15+$0x4610]  }
0xee: {  	[tilespmem:s15+$0x4230] =	vst v3;
	v3 =	vmul.f32 $3.200000000e+01, v10;
	v9 =	vld [tilespmem:s15+$0x4620]  }
0xef: {  	[tilespmem:s15+$0x4240] =	vst v4;
	v4 =	vmul.f32 $3.200000000e+01, v5;
	v5 =	vld [tilespmem:s15+$0x4630]  }
0xf0: {  	[tilespmem:s15+$0x4250] =	vst v3;
	v3 =	vmul.f32 $3.200000000e+01, v6;
	v6 =	vld [tilespmem:s15+$0x4640]  }
0xf1: {  	[tilespmem:s15+$0x4260] =	vst v4;
	v4 =	vmul.f32 $3.200000000e+01, v8;
	v8 =	vld [tilespmem:s15+$0x4650]  }
0xf2: {  	[tilespmem:s15+$0x4270] =	vst v3;
	v3 =	vmul.f32 $3.200000000e+01, v7;
	v7 =	vld [tilespmem:s15+$0x4660]  }
0xf3: {  	[tilespmem:s15+$0x4600] =	vst v4;
	v4 =	vmul.f32 $3.200000000e+01, v9;
	v9 =	vld [tilespmem:s15+$0x4670]  }
0xf4: {  	[tilespmem:s15+$0x4610] =	vst v3;
	v3 =	vmul.f32 $3.200000000e+01, v5;
	v5 =	vld [tilespmem:s15+$0x4A00]  }
0xf5: {  	[tilespmem:s15+$0x4620] =	vst v4;
	v4 =	vmul.f32 $3.200000000e+01, v6;
	v6 =	vld [tilespmem:s15+$0x4A10]  }
0xf6: {  	[tilespmem:s15+$0x4630] =	vst v3;
	v3 =	vmul.f32 $3.200000000e+01, v8;
	v8 =	vld [tilespmem:s15+$0x4A20]  }
0xf7: {  	[tilespmem:s15+$0x4640] =	vst v4;
	v4 =	vmul.f32 $3.200000000e+01, v7;
	v10 =	vld [tilespmem:s15+$0x4A30]  }
0xf8: {  	[tilespmem:s15+$0x4650] =	vst v3;
	v3 =	vmul.f32 $3.200000000e+01, v9;
	v9 =	vld [tilespmem:s15+$0x4A40]  }
0xf9: {  	[tilespmem:s15+$0x4660] =	vst v4;
	v4 =	vmul.f32 $3.200000000e+01, v5;
	v11 =	vld [tilespmem:s15+$0x4A50]  }
0xfa: {  	[tilespmem:s15+$0x4670] =	vst v3;
	v3 =	vmul.f32 $3.200000000e+01, v6;
	v12 =	vld [tilespmem:s15+$0x4A60]  }
.Ltmp1:
0xfb: {  	[tilespmem:s15+$0x4A00] =	vst v4;
	v4 =	vmul.f32 $3.200000000e+01, v8;
	v7 =	vld [tilespmem:s15+$0x4A70];
	(pc) =	sbr.rel @p0 .LBB2_5-.Ltmp1, $4  }
0xfc: {  	[tilespmem:s15+$0x4A10] =	vst v3;
	v3 =	vmul.f32 $3.200000000e+01, v10;
	v6 =	vld [tilespmem:s15+$0x4E00]  }
0xfd: {  	[tilespmem:s15+$0x4A20] =	vst v4;
	v4 =	vmul.f32 $3.200000000e+01, v9;
	v5 =	vld [tilespmem:s15+$0x4E10]  }
0xfe: {  	[tilespmem:s15+$0x4A30] =	vst v3;
	v9 =	vmul.f32 $3.200000000e+01, v11;
	v3 =	vld [tilespmem:s15+$0x4E20]  }
0xff: {  	s16 =	sadd.s32 $0x4000, s16;
	s17 =	sadd.s32 $0x1, s17;
	[tilespmem:s15+$0x4A40] =	vst v4;
	v8 =	vmul.f32 $3.200000000e+01, v12;
	v4 =	vld [tilespmem:s15+$0x4E30]  }
0x100: {  	[tilespmem:s15+$0x4A50] =	vst v9;
	v7 =	vmul.f32 $3.200000000e+01, v7;
	v9 =	vld [tilespmem:s15+$0x4E40]  }
0x101: {  	[tilespmem:s15+$0x4A60] =	vst v8;
	v6 =	vmul.f32 $3.200000000e+01, v6;
	v8 =	vld [tilespmem:s15+$0x4E50]  }
0x102: {  	[tilespmem:s15+$0x4A70] =	vst v7;
	v5 =	vmul.f32 $3.200000000e+01, v5;
	v7 =	vld [tilespmem:s15+$0x4E60]  }
0x103: {  	[tilespmem:s15+$0x4E00] =	vst v6;
	v3 =	vmul.f32 $3.200000000e+01, v3;
	v6 =	vld [tilespmem:s15+$0x4E70]  }
0x104: {  	[tilespmem:s15+$0x4E10] =	vst v5;
	v4 =	vmul.f32 $3.200000000e+01, v4  }
0x105: {  	[tilespmem:s15+$0x4E20] =	vst v3;
	v3 =	vmul.f32 $3.200000000e+01, v9  }
0x106: {  	[tilespmem:s15+$0x4E30] =	vst v4;
	v4 =	vmul.f32 $3.200000000e+01, v8  }
0x107: {  	[tilespmem:s15+$0x4E40] =	vst v3;
	v3 =	vmul.f32 $3.200000000e+01, v7  }
0x108: {  	s12 =	sadd.s32 s10, s12;
	[tilespmem:s15+$0x4E50] =	vst v4;
	v4 =	vmul.f32 $3.200000000e+01, v6  }
0x109: {  	s12 =	sshrl.u32 s12, $0x3;
	[tilespmem:s15+$0x4E60] =	vst v3  }
0x10a: {  	p0 =	seq.s32 s14, $0x7;
	s12 =	sadd.s32 s2, s12;
	[tilespmem:s15+$0x4E70] =	vst v4  }
0x10b: {  	[hbm4b:s12+s4] =	stream.linear.scatter [tilespmem:s22], [sflag:$0x6], $0x4000, $0x38;
	[tilespmem:$0x10200] =	vst v63  }
0x10c: {  	s12 =	simm.s32 @!p0 $0x5  }
0x10d: {  	_ =	swait.ge @!p0 [sflag:s12], $0x4000  }
0x10e: {  	s15 =	sshll.u32 @!p0 s14, $0x6;
	[sflag:s12] =	ssyncset.done @!p0 $0x0  }
0x10f: {  	[sflag:s12] =	ssyncadd.s32 @!p0 $0xFFFFC000;
	s12 =	sand.u32 @!p0 $0x3FFFFFC0, s15  }
0x110: {  	v3 =	vld @!p0 [tilespmem:s12+$0x40];
	_ =	sdelay $0x4  }
0x111: {  	v4 =	vshll.u32 @!p0 v3, $0x3  }
0x112: {  	v5 =	vlaneseq.u32 @!p0;
	v3 =	vand.u32 @!p0 $0x7, v3;
	v4 =	vand.u32 @!p0 $0xFFFFFFC0, v4  }
0x113: {  	v6 =	vshrl.u32 @!p0 v5, $0x3;
	v3 =	vor.u32 @!p0 v3, v4;
	v4 =	vand.u32 @!p0 $0x7, v5  }
0x114: {  	v6 =	vmul.u32 @!p0 $0x8, v6;
	v4 =	vperm.xlane @!p0 v3, v4;
	_ =	sdelay $0x1  }
0x115: {  	v4 =	vadd.s32 @!p0 v6, v4;
	_ =	sdelay $0x3  }
0x116: {  	vm1 =	vmmov @!p0 $0xffff;
	s16 =	simm.s32 @!p0 $0x200;
	s15 =	simm.s32 @!p0 $0x0  }
0x117: {  	v5 =	vor.u32 @!p0 $0x8, v5;
	[tilespmem:s16], [sflag:$0x1] =	stream.indirect_vreg.gather @!p0 [hbm4b:s1+s15], $0x80, v4, vm1, $0xb8;
	[tilespmem:$0x10200] =	vst v63  }
0x118: {  	v3 =	vperm.xlane @!p0 v3, v5;
	s16 =	simm.s32 @!p0 $0xA00  }
0x119: {  	[tilespmem:s16], [sflag:$0x1] =	stream.indirect_vreg.gather @!p0 [hbm4b:s6+s15], $0x80, v4, vm1, $0xb8;
	[tilespmem:$0x10200] =	vst v63  }
0x11a: {  	v3 =	vadd.s32 @!p0 v6, v3;
	s16 =	simm.s32 @!p0 $0x1200  }
0x11b: {  	[tilespmem:s16], [sflag:$0x1] =	stream.indirect_vreg.gather @!p0 [hbm4b:s7+s15], $0x80, v4, vm1, $0xb8;
	[tilespmem:$0x10200] =	vst v63  }
0x11c: {  	s16 =	simm.s32 @!p0 $0x1A00  }
0x11d: {  	[tilespmem:s16], [sflag:$0x1] =	stream.indirect_vreg.gather @!p0 [hbm4b:s8+s15], $0x80, v4, vm1, $0xb8;
	[tilespmem:$0x10200] =	vst v63  }
0x11e: {  	s16 =	simm.s32 @!p0 $0x2200  }
0x11f: {  	[tilespmem:s16], [sflag:$0x1] =	stream.indirect_vreg.gather @!p0 [hbm4b:s1+s15], $0x80, v3, vm1, $0xb8;
	[tilespmem:$0x10200] =	vst v63  }
0x120: {  	s16 =	simm.s32 @!p0 $0x2A00  }
0x121: {  	[tilespmem:s16], [sflag:$0x1] =	stream.indirect_vreg.gather @!p0 [hbm4b:s6+s15], $0x80, v3, vm1, $0xb8;
	[tilespmem:$0x10200] =	vst v63  }
0x122: {  	s16 =	simm.s32 @!p0 $0x3200  }
0x123: {  	[tilespmem:s16], [sflag:$0x1] =	stream.indirect_vreg.gather @!p0 [hbm4b:s7+s15], $0x80, v3, vm1, $0xb8;
	[tilespmem:$0x10200] =	vst v63  }
0x124: {  	s21 =	simm.s32 $0x0;
	s16 =	simm.s32 @!p0 $0x3A00  }
0x125: {  	[tilespmem:s16], [sflag:$0x1] =	stream.indirect_vreg.gather @!p0 [hbm4b:s8+s15], $0x80, v3, vm1, $0xb8;
	[tilespmem:$0x10200] =	vst v63  }
0x126: {  	s23 =	simm.s32 $0x0;
	s17 =	simm.s32 $0x0;
	s15 =	sand.u32 $0x4000, s21  }
0x127: {  	s16 =	sand.u32 $0x2000, s23;
	_ =	swait.ge [sflag:s5], $0x4000;
	s15 =	sshrl.u32 s15, $0x2  }
0x128: {  	s17 =	sand.u32 $0x380, s17;
	[sflag:s5] =	ssyncset.done $0x0;
	s15 =	sor.u32 s15, s16  }
0x129: {  	[sflag:s5] =	ssyncadd.s32 $0xFFFFC000;
	s15 =	sor.u32 s15, s17  }
0x12a: {  	v3 =	vld [tilespmem:s15+$0x8200]  }
0x12b: {  	v4 =	vld [tilespmem:s15+$0x8210]  }
0x12c: {  	v5 =	vld [tilespmem:s15+$0x8220]  }
0x12d: {  	v6 =	vld [tilespmem:s15+$0x8230]  }
0x12e: {  	v7 =	vld [tilespmem:s15+$0x8240]  }
0x12f: {  	v8 =	vld [tilespmem:s15+$0x8250];
	v3 =	vmul.f32 $3.200000000e+01, v3  }
0x130: {  	v9 =	vld [tilespmem:s15+$0x8260];
	v4 =	vmul.f32 $3.200000000e+01, v4  }
0x131: {  	[tilespmem:s15+$0x8200] =	vst v3;
	v3 =	vmul.f32 $3.200000000e+01, v5;
	v5 =	vld [tilespmem:s15+$0x8270]  }
0x132: {  	[tilespmem:s15+$0x8210] =	vst v4;
	v4 =	vmul.f32 $3.200000000e+01, v6;
	v6 =	vld [tilespmem:s15+$0x8600]  }
0x133: {  	[tilespmem:s15+$0x8220] =	vst v3;
	v3 =	vmul.f32 $3.200000000e+01, v7;
	v7 =	vld [tilespmem:s15+$0x8610]  }
0x134: {  	[tilespmem:s15+$0x8230] =	vst v4;
	v4 =	vmul.f32 $3.200000000e+01, v8;
	v8 =	vld [tilespmem:s15+$0x8620]  }
0x135: {  	[tilespmem:s15+$0x8240] =	vst v3;
	v3 =	vmul.f32 $3.200000000e+01, v9;
	v9 =	vld [tilespmem:s15+$0x8630]  }
0x136: {  	[tilespmem:s15+$0x8250] =	vst v4;
	v4 =	vmul.f32 $3.200000000e+01, v5;
	v5 =	vld [tilespmem:s15+$0x8640]  }
0x137: {  	[tilespmem:s15+$0x8260] =	vst v3;
	v3 =	vmul.f32 $3.200000000e+01, v6;
	v6 =	vld [tilespmem:s15+$0x8650]  }
0x138: {  	[tilespmem:s15+$0x8270] =	vst v4;
	v4 =	vmul.f32 $3.200000000e+01, v7;
	v7 =	vld [tilespmem:s15+$0x8660]  }
0x139: {  	[tilespmem:s15+$0x8600] =	vst v3;
	v3 =	vmul.f32 $3.200000000e+01, v8;
	v8 =	vld [tilespmem:s15+$0x8670]  }
0x13a: {  	[tilespmem:s15+$0x8610] =	vst v4;
	v4 =	vmul.f32 $3.200000000e+01, v9;
	v9 =	vld [tilespmem:s15+$0x8A00]  }
0x13b: {  	[tilespmem:s15+$0x8620] =	vst v3;
	v3 =	vmul.f32 $3.200000000e+01, v5;
	v5 =	vld [tilespmem:s15+$0x8A10]  }
0x13c: {  	[tilespmem:s15+$0x8630] =	vst v4;
	v4 =	vmul.f32 $3.200000000e+01, v6;
	v6 =	vld [tilespmem:s15+$0x8A20]  }
0x13d: {  	v10 =	vld [tilespmem:s15+$0x8A30];
	[tilespmem:s15+$0x8640] =	vst v3;
	v3 =	vmul.f32 $3.200000000e+01, v7  }
0x13e: {  	[tilespmem:s15+$0x8650] =	vst v4;
	v4 =	vmul.f32 $3.200000000e+01, v8;
	v8 =	vld [tilespmem:s15+$0x8A40]  }
0x13f: {  	[tilespmem:s15+$0x8660] =	vst v3;
	v3 =	vmul.f32 $3.200000000e+01, v9;
	v9 =	vld [tilespmem:s15+$0x8A50]  }
0x140: {  	v11 =	vld [tilespmem:s15+$0x8A60];
	[tilespmem:s15+$0x8670] =	vst v4;
	v4 =	vmul.f32 $3.200000000e+01, v5  }
0x141: {  	v7 =	vld [tilespmem:s15+$0x8A70];
	[tilespmem:s15+$0x8A00] =	vst v3;
	v3 =	vmul.f32 $3.200000000e+01, v6  }
0x142: {  	v6 =	vld [tilespmem:s15+$0x8E00];
	[tilespmem:s15+$0x8A10] =	vst v4;
	v4 =	vmul.f32 $3.200000000e+01, v10  }
0x143: {  	v5 =	vld [tilespmem:s15+$0x8E10];
	[tilespmem:s15+$0x8A20] =	vst v3;
	v8 =	vmul.f32 $3.200000000e+01, v8  }
0x144: {  	v3 =	vld [tilespmem:s15+$0x8E20];
	[tilespmem:s15+$0x8A30] =	vst v4;
	v9 =	vmul.f32 $3.200000000e+01, v9  }
0x145: {  	s16 =	simm.s32 $0x4000;
	s17 =	simm.s32 $0x1;
	v4 =	vld [tilespmem:s15+$0x8E30];
	[tilespmem:s15+$0x8A40] =	vst v8;
	v8 =	vmul.f32 $3.200000000e+01, v11  }
.LBB2_7:
0x146: {  	s18 =	sand.u32 $0x4000, s16;
	s21 =	sshll.u32 s17, $0x9;
	p1 =	sne.s32 s17, $0x1F;
	[tilespmem:s15+$0x8A50] =	vst v9;
	v7 =	vmul.f32 $3.200000000e+01, v7;
	v9 =	vld [tilespmem:s15+$0x8E40]  }
0x147: {  	s23 =	sshll.u32 s17, $0x6;
	s21 =	sand.u32 $0x2000, s21;
	s18 =	sshrl.u32 s18, $0x2;
	[tilespmem:s15+$0x8A60] =	vst v8;
	v6 =	vmul.f32 $3.200000000e+01, v6;
	v8 =	vld [tilespmem:s15+$0x8E50]  }
0x148: {  	s23 =	sand.u32 $0x380, s23;
	s18 =	sor.u32 s18, s21;
	[tilespmem:s15+$0x8A70] =	vst v7;
	v5 =	vmul.f32 $3.200000000e+01, v5;
	v7 =	vld [tilespmem:s15+$0x8E60]  }
0x149: {  	s18 =	sor.u32 s18, s23;
	[tilespmem:s15+$0x8E00] =	vst v6;
	v3 =	vmul.f32 $3.200000000e+01, v3;
	v6 =	vld [tilespmem:s15+$0x8E70]  }
0x14a: {  	v10 =	vld [tilespmem:s18+$0x8200];
	[tilespmem:s15+$0x8E10] =	vst v5;
	v4 =	vmul.f32 $3.200000000e+01, v4  }
0x14b: {  	v5 =	vld [tilespmem:s18+$0x8210];
	[tilespmem:s15+$0x8E20] =	vst v3;
	v3 =	vmul.f32 $3.200000000e+01, v9  }
0x14c: {  	v9 =	vld [tilespmem:s18+$0x8220];
	[tilespmem:s15+$0x8E30] =	vst v4;
	v4 =	vmul.f32 $3.200000000e+01, v8  }
0x14d: {  	v8 =	vld [tilespmem:s18+$0x8230];
	[tilespmem:s15+$0x8E40] =	vst v3;
	v3 =	vmul.f32 $3.200000000e+01, v7  }
0x14e: {  	v7 =	vld [tilespmem:s18+$0x8240];
	[tilespmem:s15+$0x8E50] =	vst v4;
	v4 =	vmul.f32 $3.200000000e+01, v6  }
0x14f: {  	v6 =	vmul.f32 $3.200000000e+01, v10;
	v10 =	vld [tilespmem:s18+$0x8250];
	[tilespmem:s15+$0x8E60] =	vst v3  }
0x150: {  	v3 =	vmul.f32 $3.200000000e+01, v5;
	v5 =	vld [tilespmem:s18+$0x8260];
	[tilespmem:s15+$0x8E70] =	vst v4;
	s15 =	smov.u32 s18  }
0x151: {  	[tilespmem:s15+$0x8200] =	vst v6;
	v4 =	vmul.f32 $3.200000000e+01, v9;
	v6 =	vld [tilespmem:s15+$0x8270]  }
0x152: {  	[tilespmem:s15+$0x8210] =	vst v3;
	v3 =	vmul.f32 $3.200000000e+01, v8;
	v8 =	vld [tilespmem:s15+$0x8600]  }
0x153: {  	[tilespmem:s15+$0x8220] =	vst v4;
	v4 =	vmul.f32 $3.200000000e+01, v7;
	v7 =	vld [tilespmem:s15+$0x8610]  }
0x154: {  	[tilespmem:s15+$0x8230] =	vst v3;
	v3 =	vmul.f32 $3.200000000e+01, v10;
	v9 =	vld [tilespmem:s15+$0x8620]  }
0x155: {  	[tilespmem:s15+$0x8240] =	vst v4;
	v4 =	vmul.f32 $3.200000000e+01, v5;
	v5 =	vld [tilespmem:s15+$0x8630]  }
0x156: {  	[tilespmem:s15+$0x8250] =	vst v3;
	v3 =	vmul.f32 $3.200000000e+01, v6;
	v6 =	vld [tilespmem:s15+$0x8640]  }
0x157: {  	[tilespmem:s15+$0x8260] =	vst v4;
	v4 =	vmul.f32 $3.200000000e+01, v8;
	v8 =	vld [tilespmem:s15+$0x8650]  }
0x158: {  	[tilespmem:s15+$0x8270] =	vst v3;
	v3 =	vmul.f32 $3.200000000e+01, v7;
	v7 =	vld [tilespmem:s15+$0x8660]  }
0x159: {  	[tilespmem:s15+$0x8600] =	vst v4;
	v4 =	vmul.f32 $3.200000000e+01, v9;
	v9 =	vld [tilespmem:s15+$0x8670]  }
0x15a: {  	[tilespmem:s15+$0x8610] =	vst v3;
	v3 =	vmul.f32 $3.200000000e+01, v5;
	v5 =	vld [tilespmem:s15+$0x8A00]  }
0x15b: {  	[tilespmem:s15+$0x8620] =	vst v4;
	v4 =	vmul.f32 $3.200000000e+01, v6;
	v6 =	vld [tilespmem:s15+$0x8A10]  }
0x15c: {  	[tilespmem:s15+$0x8630] =	vst v3;
	v3 =	vmul.f32 $3.200000000e+01, v8;
	v8 =	vld [tilespmem:s15+$0x8A20]  }
0x15d: {  	[tilespmem:s15+$0x8640] =	vst v4;
	v4 =	vmul.f32 $3.200000000e+01, v7;
	v10 =	vld [tilespmem:s15+$0x8A30]  }
0x15e: {  	[tilespmem:s15+$0x8650] =	vst v3;
	v3 =	vmul.f32 $3.200000000e+01, v9;
	v9 =	vld [tilespmem:s15+$0x8A40]  }
0x15f: {  	[tilespmem:s15+$0x8660] =	vst v4;
	v4 =	vmul.f32 $3.200000000e+01, v5;
	v11 =	vld [tilespmem:s15+$0x8A50]  }
0x160: {  	[tilespmem:s15+$0x8670] =	vst v3;
	v3 =	vmul.f32 $3.200000000e+01, v6;
	v12 =	vld [tilespmem:s15+$0x8A60]  }
.Ltmp2:
0x161: {  	[tilespmem:s15+$0x8A00] =	vst v4;
	v4 =	vmul.f32 $3.200000000e+01, v8;
	v7 =	vld [tilespmem:s15+$0x8A70];
	(pc) =	sbr.rel @p1 .LBB2_7-.Ltmp2, $4  }
0x162: {  	[tilespmem:s15+$0x8A10] =	vst v3;
	v3 =	vmul.f32 $3.200000000e+01, v10;
	v6 =	vld [tilespmem:s15+$0x8E00]  }
0x163: {  	[tilespmem:s15+$0x8A20] =	vst v4;
	v4 =	vmul.f32 $3.200000000e+01, v9;
	v5 =	vld [tilespmem:s15+$0x8E10]  }
0x164: {  	[tilespmem:s15+$0x8A30] =	vst v3;
	v9 =	vmul.f32 $3.200000000e+01, v11;
	v3 =	vld [tilespmem:s15+$0x8E20]  }
0x165: {  	s16 =	sadd.s32 $0x4000, s16;
	s17 =	sadd.s32 $0x1, s17;
	[tilespmem:s15+$0x8A40] =	vst v4;
	v8 =	vmul.f32 $3.200000000e+01, v12;
	v4 =	vld [tilespmem:s15+$0x8E30]  }
0x166: {  	[tilespmem:s15+$0x8A50] =	vst v9;
	v7 =	vmul.f32 $3.200000000e+01, v7;
	v9 =	vld [tilespmem:s15+$0x8E40]  }
0x167: {  	[tilespmem:s15+$0x8A60] =	vst v8;
	v6 =	vmul.f32 $3.200000000e+01, v6;
	v8 =	vld [tilespmem:s15+$0x8E50]  }
0x168: {  	[tilespmem:s15+$0x8A70] =	vst v7;
	v5 =	vmul.f32 $3.200000000e+01, v5;
	v7 =	vld [tilespmem:s15+$0x8E60]  }
0x169: {  	[tilespmem:s15+$0x8E00] =	vst v6;
	v3 =	vmul.f32 $3.200000000e+01, v3;
	v6 =	vld [tilespmem:s15+$0x8E70]  }
0x16a: {  	[tilespmem:s15+$0x8E10] =	vst v5;
	v4 =	vmul.f32 $3.200000000e+01, v4  }
0x16b: {  	[tilespmem:s15+$0x8E20] =	vst v3;
	v3 =	vmul.f32 $3.200000000e+01, v9  }
0x16c: {  	[tilespmem:s15+$0x8E30] =	vst v4;
	v4 =	vmul.f32 $3.200000000e+01, v8  }
0x16d: {  	s3 =	sshll.u32 s3, $0xE;
	[tilespmem:s15+$0x8E40] =	vst v3;
	v3 =	vmul.f32 $3.200000000e+01, v7  }
0x16e: {  	s3 =	sadd.s32 s9, s3;
	[tilespmem:s15+$0x8E50] =	vst v4;
	v4 =	vmul.f32 $3.200000000e+01, v6  }
0x16f: {  	s3 =	sshrl.u32 s3, $0x3;
	[tilespmem:s15+$0x8E60] =	vst v3  }
0x170: {  	s3 =	sadd.s32 s2, s3;
	[tilespmem:s15+$0x8E70] =	vst v4  }
0x171: {  	[hbm4b:s3+s4] =	stream.linear.scatter [tilespmem:s31], [sflag:$0x7], $0x4000, $0x38;
	[tilespmem:$0x10200] =	vst v63  }
0x172: {  	s3 =	simm.s32 @!p0 $0x6  }
0x173: {  	_ =	swait.ge @!p0 [sflag:s3], $0x4000  }
0x174: {  	[sflag:s3] =	ssyncset.done @!p0 $0x0  }
0x175: {  	[sflag:s3] =	ssyncadd.s32 @!p0 $0xFFFFC000  }
0x176: {  	v3 =	vld @!p0 [tilespmem:s12+$0x50];
	_ =	sdelay $0x4  }
0x177: {  	v4 =	vshll.u32 @!p0 v3, $0x3  }
0x178: {  	v5 =	vlaneseq.u32 @!p0;
	v3 =	vand.u32 @!p0 $0x7, v3;
	v4 =	vand.u32 @!p0 $0xFFFFFFC0, v4  }
0x179: {  	v6 =	vshrl.u32 @!p0 v5, $0x3;
	v3 =	vor.u32 @!p0 v3, v4;
	v4 =	vand.u32 @!p0 $0x7, v5  }
0x17a: {  	v6 =	vmul.u32 @!p0 $0x8, v6;
	v4 =	vperm.xlane @!p0 v3, v4;
	_ =	sdelay $0x1  }
0x17b: {  	v4 =	vadd.s32 @!p0 v6, v4;
	_ =	sdelay $0x3  }
0x17c: {  	s3 =	simm.s32 @!p0 $0x0;
	s12 =	simm.s32 @!p0 $0x4200  }
0x17d: {  	v5 =	vor.u32 @!p0 $0x8, v5;
	[tilespmem:s12], [sflag:$0x2] =	stream.indirect_vreg.gather @!p0 [hbm4b:s1+s3], $0x80, v4, vm1, $0xb8;
	[tilespmem:$0x10200] =	vst v63  }
0x17e: {  	v3 =	vperm.xlane @!p0 v3, v5;
	s12 =	simm.s32 @!p0 $0x4A00  }
0x17f: {  	[tilespmem:s12], [sflag:$0x2] =	stream.indirect_vreg.gather @!p0 [hbm4b:s6+s3], $0x80, v4, vm1, $0xb8;
	[tilespmem:$0x10200] =	vst v63  }
0x180: {  	v3 =	vadd.s32 @!p0 v6, v3;
	s12 =	simm.s32 @!p0 $0x5200  }
0x181: {  	[tilespmem:s12], [sflag:$0x2] =	stream.indirect_vreg.gather @!p0 [hbm4b:s7+s3], $0x80, v4, vm1, $0xb8;
	[tilespmem:$0x10200] =	vst v63  }
0x182: {  	s12 =	simm.s32 @!p0 $0x5A00  }
0x183: {  	[tilespmem:s12], [sflag:$0x2] =	stream.indirect_vreg.gather @!p0 [hbm4b:s8+s3], $0x80, v4, vm1, $0xb8;
	[tilespmem:$0x10200] =	vst v63  }
0x184: {  	s12 =	simm.s32 @!p0 $0x6200  }
0x185: {  	[tilespmem:s12], [sflag:$0x2] =	stream.indirect_vreg.gather @!p0 [hbm4b:s1+s3], $0x80, v3, vm1, $0xb8;
	[tilespmem:$0x10200] =	vst v63  }
0x186: {  	s12 =	simm.s32 @!p0 $0x6A00  }
0x187: {  	[tilespmem:s12], [sflag:$0x2] =	stream.indirect_vreg.gather @!p0 [hbm4b:s6+s3], $0x80, v3, vm1, $0xb8;
	[tilespmem:$0x10200] =	vst v63  }
0x188: {  	s12 =	simm.s32 @!p0 $0x7200  }
0x189: {  	[tilespmem:s12], [sflag:$0x2] =	stream.indirect_vreg.gather @!p0 [hbm4b:s7+s3], $0x80, v3, vm1, $0xb8;
	[tilespmem:$0x10200] =	vst v63  }
0x18a: {  	s18 =	simm.s32 $0x0;
	s12 =	simm.s32 @!p0 $0x7A00  }
0x18b: {  	[tilespmem:s12], [sflag:$0x2] =	stream.indirect_vreg.gather @!p0 [hbm4b:s8+s3], $0x80, v3, vm1, $0xb8;
	[tilespmem:$0x10200] =	vst v63  }
0x18c: {  	s21 =	simm.s32 $0x0;
	s23 =	simm.s32 $0x0;
	s3 =	sand.u32 $0x4000, s18  }
0x18d: {  	s12 =	sand.u32 $0x2000, s21;
	_ =	swait.ge [sflag:s11], $0x4000;
	s3 =	sshrl.u32 s3, $0x2  }
0x18e: {  	s15 =	sand.u32 $0x380, s23;
	[sflag:s11] =	ssyncset.done $0x0;
	s3 =	sor.u32 s3, s12  }
0x18f: {  	[sflag:s11] =	ssyncadd.s32 $0xFFFFC000;
	s3 =	sor.u32 s3, s15  }
0x190: {  	v3 =	vld [tilespmem:s3+$0xC200]  }
0x191: {  	v4 =	vld [tilespmem:s3+$0xC210]  }
0x192: {  	v5 =	vld [tilespmem:s3+$0xC220]  }
0x193: {  	v6 =	vld [tilespmem:s3+$0xC230]  }
0x194: {  	v7 =	vld [tilespmem:s3+$0xC240]  }
0x195: {  	v8 =	vld [tilespmem:s3+$0xC250];
	v3 =	vmul.f32 $3.200000000e+01, v3  }
0x196: {  	v9 =	vld [tilespmem:s3+$0xC260];
	v4 =	vmul.f32 $3.200000000e+01, v4  }
0x197: {  	[tilespmem:s3+$0xC200] =	vst v3;
	v3 =	vmul.f32 $3.200000000e+01, v5;
	v5 =	vld [tilespmem:s3+$0xC270]  }
0x198: {  	[tilespmem:s3+$0xC210] =	vst v4;
	v4 =	vmul.f32 $3.200000000e+01, v6;
	v6 =	vld [tilespmem:s3+$0xC600]  }
0x199: {  	[tilespmem:s3+$0xC220] =	vst v3;
	v3 =	vmul.f32 $3.200000000e+01, v7;
	v7 =	vld [tilespmem:s3+$0xC610]  }
0x19a: {  	[tilespmem:s3+$0xC230] =	vst v4;
	v4 =	vmul.f32 $3.200000000e+01, v8;
	v8 =	vld [tilespmem:s3+$0xC620]  }
0x19b: {  	[tilespmem:s3+$0xC240] =	vst v3;
	v3 =	vmul.f32 $3.200000000e+01, v9;
	v9 =	vld [tilespmem:s3+$0xC630]  }
0x19c: {  	[tilespmem:s3+$0xC250] =	vst v4;
	v4 =	vmul.f32 $3.200000000e+01, v5;
	v5 =	vld [tilespmem:s3+$0xC640]  }
0x19d: {  	[tilespmem:s3+$0xC260] =	vst v3;
	v3 =	vmul.f32 $3.200000000e+01, v6;
	v6 =	vld [tilespmem:s3+$0xC650]  }
0x19e: {  	[tilespmem:s3+$0xC270] =	vst v4;
	v4 =	vmul.f32 $3.200000000e+01, v7;
	v7 =	vld [tilespmem:s3+$0xC660]  }
0x19f: {  	[tilespmem:s3+$0xC600] =	vst v3;
	v3 =	vmul.f32 $3.200000000e+01, v8;
	v8 =	vld [tilespmem:s3+$0xC670]  }
0x1a0: {  	[tilespmem:s3+$0xC610] =	vst v4;
	v4 =	vmul.f32 $3.200000000e+01, v9;
	v9 =	vld [tilespmem:s3+$0xCA00]  }
0x1a1: {  	[tilespmem:s3+$0xC620] =	vst v3;
	v3 =	vmul.f32 $3.200000000e+01, v5;
	v5 =	vld [tilespmem:s3+$0xCA10]  }
0x1a2: {  	[tilespmem:s3+$0xC630] =	vst v4;
	v4 =	vmul.f32 $3.200000000e+01, v6;
	v6 =	vld [tilespmem:s3+$0xCA20]  }
0x1a3: {  	v10 =	vld [tilespmem:s3+$0xCA30];
	[tilespmem:s3+$0xC640] =	vst v3;
	v3 =	vmul.f32 $3.200000000e+01, v7  }
0x1a4: {  	[tilespmem:s3+$0xC650] =	vst v4;
	v4 =	vmul.f32 $3.200000000e+01, v8;
	v8 =	vld [tilespmem:s3+$0xCA40]  }
0x1a5: {  	[tilespmem:s3+$0xC660] =	vst v3;
	v3 =	vmul.f32 $3.200000000e+01, v9;
	v9 =	vld [tilespmem:s3+$0xCA50]  }
0x1a6: {  	v11 =	vld [tilespmem:s3+$0xCA60];
	[tilespmem:s3+$0xC670] =	vst v4;
	v4 =	vmul.f32 $3.200000000e+01, v5  }
0x1a7: {  	v7 =	vld [tilespmem:s3+$0xCA70];
	[tilespmem:s3+$0xCA00] =	vst v3;
	v3 =	vmul.f32 $3.200000000e+01, v6  }
0x1a8: {  	v6 =	vld [tilespmem:s3+$0xCE00];
	[tilespmem:s3+$0xCA10] =	vst v4;
	v4 =	vmul.f32 $3.200000000e+01, v10  }
0x1a9: {  	v5 =	vld [tilespmem:s3+$0xCE10];
	[tilespmem:s3+$0xCA20] =	vst v3;
	v8 =	vmul.f32 $3.200000000e+01, v8  }
0x1aa: {  	v3 =	vld [tilespmem:s3+$0xCE20];
	[tilespmem:s3+$0xCA30] =	vst v4;
	v9 =	vmul.f32 $3.200000000e+01, v9  }
0x1ab: {  	s12 =	simm.s32 $0x4000;
	s15 =	simm.s32 $0x1;
	v4 =	vld [tilespmem:s3+$0xCE30];
	[tilespmem:s3+$0xCA40] =	vst v8;
	v8 =	vmul.f32 $3.200000000e+01, v11  }
.LBB2_9:
0x1ac: {  	s16 =	sand.u32 $0x4000, s12;
	s17 =	sshll.u32 s15, $0x9;
	p0 =	sne.s32 s15, $0x1F;
	[tilespmem:s3+$0xCA50] =	vst v9;
	v7 =	vmul.f32 $3.200000000e+01, v7;
	v9 =	vld [tilespmem:s3+$0xCE40]  }
0x1ad: {  	s18 =	sshll.u32 s15, $0x6;
	s17 =	sand.u32 $0x2000, s17;
	s16 =	sshrl.u32 s16, $0x2;
	[tilespmem:s3+$0xCA60] =	vst v8;
	v6 =	vmul.f32 $3.200000000e+01, v6;
	v8 =	vld [tilespmem:s3+$0xCE50]  }
0x1ae: {  	s18 =	sand.u32 $0x380, s18;
	s16 =	sor.u32 s16, s17;
	[tilespmem:s3+$0xCA70] =	vst v7;
	v5 =	vmul.f32 $3.200000000e+01, v5;
	v7 =	vld [tilespmem:s3+$0xCE60]  }
0x1af: {  	s16 =	sor.u32 s16, s18;
	[tilespmem:s3+$0xCE00] =	vst v6;
	v3 =	vmul.f32 $3.200000000e+01, v3;
	v6 =	vld [tilespmem:s3+$0xCE70]  }
0x1b0: {  	v10 =	vld [tilespmem:s16+$0xC200];
	[tilespmem:s3+$0xCE10] =	vst v5;
	v4 =	vmul.f32 $3.200000000e+01, v4  }
0x1b1: {  	v5 =	vld [tilespmem:s16+$0xC210];
	[tilespmem:s3+$0xCE20] =	vst v3;
	v3 =	vmul.f32 $3.200000000e+01, v9  }
0x1b2: {  	v9 =	vld [tilespmem:s16+$0xC220];
	[tilespmem:s3+$0xCE30] =	vst v4;
	v4 =	vmul.f32 $3.200000000e+01, v8  }
0x1b3: {  	v8 =	vld [tilespmem:s16+$0xC230];
	[tilespmem:s3+$0xCE40] =	vst v3;
	v3 =	vmul.f32 $3.200000000e+01, v7  }
0x1b4: {  	v7 =	vld [tilespmem:s16+$0xC240];
	[tilespmem:s3+$0xCE50] =	vst v4;
	v4 =	vmul.f32 $3.200000000e+01, v6  }
0x1b5: {  	v6 =	vmul.f32 $3.200000000e+01, v10;
	v10 =	vld [tilespmem:s16+$0xC250];
	[tilespmem:s3+$0xCE60] =	vst v3  }
0x1b6: {  	v3 =	vmul.f32 $3.200000000e+01, v5;
	v5 =	vld [tilespmem:s16+$0xC260];
	[tilespmem:s3+$0xCE70] =	vst v4;
	s3 =	smov.u32 s16  }
0x1b7: {  	[tilespmem:s3+$0xC200] =	vst v6;
	v4 =	vmul.f32 $3.200000000e+01, v9;
	v6 =	vld [tilespmem:s3+$0xC270]  }
0x1b8: {  	[tilespmem:s3+$0xC210] =	vst v3;
	v3 =	vmul.f32 $3.200000000e+01, v8;
	v8 =	vld [tilespmem:s3+$0xC600]  }
0x1b9: {  	[tilespmem:s3+$0xC220] =	vst v4;
	v4 =	vmul.f32 $3.200000000e+01, v7;
	v7 =	vld [tilespmem:s3+$0xC610]  }
0x1ba: {  	[tilespmem:s3+$0xC230] =	vst v3;
	v3 =	vmul.f32 $3.200000000e+01, v10;
	v9 =	vld [tilespmem:s3+$0xC620]  }
0x1bb: {  	[tilespmem:s3+$0xC240] =	vst v4;
	v4 =	vmul.f32 $3.200000000e+01, v5;
	v5 =	vld [tilespmem:s3+$0xC630]  }
0x1bc: {  	[tilespmem:s3+$0xC250] =	vst v3;
	v3 =	vmul.f32 $3.200000000e+01, v6;
	v6 =	vld [tilespmem:s3+$0xC640]  }
0x1bd: {  	[tilespmem:s3+$0xC260] =	vst v4;
	v4 =	vmul.f32 $3.200000000e+01, v8;
	v8 =	vld [tilespmem:s3+$0xC650]  }
0x1be: {  	[tilespmem:s3+$0xC270] =	vst v3;
	v3 =	vmul.f32 $3.200000000e+01, v7;
	v7 =	vld [tilespmem:s3+$0xC660]  }
0x1bf: {  	[tilespmem:s3+$0xC600] =	vst v4;
	v4 =	vmul.f32 $3.200000000e+01, v9;
	v9 =	vld [tilespmem:s3+$0xC670]  }
0x1c0: {  	[tilespmem:s3+$0xC610] =	vst v3;
	v3 =	vmul.f32 $3.200000000e+01, v5;
	v5 =	vld [tilespmem:s3+$0xCA00]  }
0x1c1: {  	[tilespmem:s3+$0xC620] =	vst v4;
	v4 =	vmul.f32 $3.200000000e+01, v6;
	v6 =	vld [tilespmem:s3+$0xCA10]  }
0x1c2: {  	[tilespmem:s3+$0xC630] =	vst v3;
	v3 =	vmul.f32 $3.200000000e+01, v8;
	v8 =	vld [tilespmem:s3+$0xCA20]  }
0x1c3: {  	[tilespmem:s3+$0xC640] =	vst v4;
	v4 =	vmul.f32 $3.200000000e+01, v7;
	v10 =	vld [tilespmem:s3+$0xCA30]  }
0x1c4: {  	[tilespmem:s3+$0xC650] =	vst v3;
	v3 =	vmul.f32 $3.200000000e+01, v9;
	v9 =	vld [tilespmem:s3+$0xCA40]  }
0x1c5: {  	[tilespmem:s3+$0xC660] =	vst v4;
	v4 =	vmul.f32 $3.200000000e+01, v5;
	v11 =	vld [tilespmem:s3+$0xCA50]  }
0x1c6: {  	[tilespmem:s3+$0xC670] =	vst v3;
	v3 =	vmul.f32 $3.200000000e+01, v6;
	v12 =	vld [tilespmem:s3+$0xCA60]  }
.Ltmp3:
0x1c7: {  	[tilespmem:s3+$0xCA00] =	vst v4;
	v4 =	vmul.f32 $3.200000000e+01, v8;
	v7 =	vld [tilespmem:s3+$0xCA70];
	(pc) =	sbr.rel @p0 .LBB2_9-.Ltmp3, $4  }
0x1c8: {  	[tilespmem:s3+$0xCA10] =	vst v3;
	v3 =	vmul.f32 $3.200000000e+01, v10;
	v6 =	vld [tilespmem:s3+$0xCE00]  }
0x1c9: {  	[tilespmem:s3+$0xCA20] =	vst v4;
	v4 =	vmul.f32 $3.200000000e+01, v9;
	v5 =	vld [tilespmem:s3+$0xCE10]  }
0x1ca: {  	[tilespmem:s3+$0xCA30] =	vst v3;
	v9 =	vmul.f32 $3.200000000e+01, v11;
	v3 =	vld [tilespmem:s3+$0xCE20]  }
0x1cb: {  	s12 =	sadd.s32 $0x4000, s12;
	s15 =	sadd.s32 $0x1, s15;
	[tilespmem:s3+$0xCA40] =	vst v4;
	v8 =	vmul.f32 $3.200000000e+01, v12;
	v4 =	vld [tilespmem:s3+$0xCE30]  }
0x1cc: {  	[tilespmem:s3+$0xCA50] =	vst v9;
	v7 =	vmul.f32 $3.200000000e+01, v7;
	v58 =	vld [tilespmem:s3+$0xCE40]  }
0x1cd: {  	v59 =	vld [tilespmem:s3+$0xCE50];
	[tilespmem:s3+$0xCA60] =	vst v8;
	v6 =	vmul.f32 $3.200000000e+01, v6  }
0x1ce: {  	v61 =	vld [tilespmem:s3+$0xCE70];
	[tilespmem:s3+$0xCA70] =	vst v7;
	v5 =	vmul.f32 $3.200000000e+01, v5  }
0x1cf: {  	v60 =	vld [tilespmem:s3+$0xCE60];
	[tilespmem:s3+$0xCE00] =	vst v6;
	v3 =	vmul.f32 $3.200000000e+01, v3  }
0x1d0: {  	[tilespmem:s3+$0xCE10] =	vst v5;
	v4 =	vmul.f32 $3.200000000e+01, v4  }
0x1d1: {  	s14 =	sadd.s32 $0x1, s14;
	[tilespmem:s3+$0xCE20] =	vst v3;
	v3 =	vmul.f32 $3.200000000e+01, v58  }
0x1d2: {  	p0 =	sne.s32 s14, $0x8;
	v62 =	vmul.f32 $3.200000000e+01, v59;
	[tilespmem:s3+$0xCE30] =	vst v4  }
.Ltmp4:
0x1d3: {  	s0 =	sshll.u32 s0, $0xE;
	v63 =	vmul.f32 $3.200000000e+01, v61;
	[tilespmem:s3+$0xCE40] =	vst v3;
	(pc) =	sbr.rel @p0 .LBB2_2-.Ltmp4, $4  }
0x1d4: {  	s0 =	sadd.s32 s9, s0;
	v3 =	vmul.f32 $3.200000000e+01, v60;
	[tilespmem:s3+$0xCE50] =	vst v62  }
0x1d5: {  	s0 =	sshrl.u32 s0, $0x3;
	[tilespmem:s3+$0xCE70] =	vst v63  }
0x1d6: {  	s0 =	sadd.s32 s2, s0;
	[tilespmem:s3+$0xCE60] =	vst v3  }
0x1d7: {  	[hbm4b:s0+s4] =	stream.linear.scatter [tilespmem:s20], [sflag:$0x8], $0x4000, $0x38;
	[tilespmem:$0x10200] =	vst v63  }
0x1d8: {  	s0 =	simm.s32 $0x5  }
0x1d9: {  	_ =	swait.ge [sflag:s0], $0x4000  }
0x1da: {  	[sflag:s0] =	ssyncset.done $0x0  }
0x1db: {  	s18 =	simm.s32 $0x6;
	[sflag:s0] =	ssyncadd.s32 $0xFFFFC000  }
0x1dc: {  	_ =	swait.ge [sflag:s18], $0x4000  }
0x1dd: {  	[sflag:s18] =	ssyncset.done $0x0  }
0x1de: {  	s21 =	simm.s32 $0x7;
	[sflag:s18] =	ssyncadd.s32 $0xFFFFC000  }
0x1df: {  	_ =	swait.ge [sflag:s21], $0x4000  }
0x1e0: {  	[sflag:s21] =	ssyncset.done $0x0  }
0x1e1: {  	s3 =	simm.s32 $0x8;
	[sflag:s21] =	ssyncadd.s32 $0xFFFFC000  }
0x1e2: {  	_ =	swait.ge [sflag:s3], $0x4000  }
0x1e3: {  	s12 =	rddreg [dreg:$0x6]  }
0x1e4: {  	s23 =	rddreg [dreg:$0x5];
	s12 =	sadd.s32 $0x1, s12  }
0x1e5: {  	p0 =	sne.s32 s12, s23  }
.Ltmp5:
0x1e6: {  	_ = 	snop;
	(pc) =	sbr.rel @p0 .LBB2_1-.Ltmp5, $3  }
0x1e7: {  	_ =	sdelay $0x1  }
0x1e8: {  	[sflag:s3] =	ssyncset.done $0x0  }
0x1e9: {  	[sflag:s3] =	ssyncadd.s32 $0xFFFFC000  }
0x1ea: {  	_ =	sfence.sel $0x180000  }
0x1eb: {  	[bflag:$0x0] =	sbarrier.arrive $0xFFFF  }
0x1ec: {  	_ =	strace $0x90000047  }
0x1ed: {  	s0 =	stileid.u32;
	[bflag:$0x2] =	sbarrier.arrive $0xFFFF  }
0x1ee: {  	p0 =	sne.s32 s0, $0x0;
	s0 =	rddreg [dreg:$0x3]  }
0x1ef: {  	s0 =	sadd.s32 @!p0 $0x100000, s0  }
0x1f0: {  	[sflag:s0] =	ssyncadd.tile.s32 @!p0 $0x1;
	_ =	shalt  }
.Lfunc_end2:
_tile_overlayer_lowered:
.L_overlay_start_2:
0x1f1: {  	(tag) =	ssettag $0x2  }
0x1f2: {  	s0 =	rddreg [dreg:$0x0];
	s2 =	stileid.u32  }
0x1f3: {  	s1 =	rddreg [dreg:$0x1];
	p0 =	sne.s32 s2, $0x0  }
0x1f4: {  	s3 =	rddreg [dreg:$0x2];
	[bflag:$0x3] =	sbarrier.arrive $0xFFFF;
	s2 =	simm.s32 @!p0 $0x1C09  }
0x1f5: {  	[timem:s3], [sflag:s2] =	dma.local @!p0 [hbm:s0], s1  }
0x1f6: {  	s0 =	simm.s32 @!p0 $0x9  }
0x1f7: {  	_ =	swait.ge @!p0 [sflag:s0], s1  }
0x1f8: {  	s1 =	ssub.s32 @!p0 $0x0, s1;
	[sflag:s0] =	ssyncset.done @!p0 $0x0  }
0x1f9: {  	[sflag:s0] =	ssyncadd.s32 @!p0 s1  }
0x1fa: {  	[bflag:$0x3] =	sbarrier.arrive $0xFFFF  }
0x1fb: {  	_ =	shalt  }

</sc_bundles>
